<compile_context>
chip_gen: v7x
topology: tpu7x:2x2x1
jax: 0.10.2.dev20260603
libtpu: 0.0.44.dev20260713+nightly
codegen_flags: <defaults>
</compile_context>

<pallas_src>
import functools

import jax
import jax.numpy as jnp
from jax import lax
from jax.experimental import pallas as pl
from jax.experimental.pallas import tpu as pltpu
from jax.experimental.pallas import tpu_sc as plsc

N = 10000
E = 320000
D_IN = 128
D_HID = 64

NC = 2
NS = 16
NW = NC * NS
EW = E // NW
K = 80
G = EW // K
NB = 5
OPAD = 256
NP = 10240
RPS = NP // NS
DPS = RPS

_mesh = plsc.VectorSubcoreMesh(
    core_axis_name="c", subcore_axis_name="s", num_cores=NC, num_subcores=NS
)


def _wid():
    return lax.axis_index("s") * NC + lax.axis_index("c")


@functools.partial(
    pl.kernel,
    out_type=jax.ShapeDtypeStruct((NC * NP,), jnp.float32),
    mesh=_mesh,
    compiler_params=pltpu.CompilerParams(use_tc_tiling_on_sc=False),
    scratch_types=[
        pltpu.VMEM((EW,), jnp.int32),
        pltpu.VMEM((OPAD,), jnp.float32),
        pltpu.VMEM_SHARED((NP,), jnp.float32),
    ],
)
def _deg_kernel(dst_hbm, zeros_hbm, out_hbm, dst_v, ones_v, deg_sh):
    cid = lax.axis_index("c")
    sid = lax.axis_index("s")
    wid = _wid()
    for i in range(OPAD // 16):
        ones_v[pl.ds(i * 16, 16)] = jnp.ones((16,), jnp.float32)
    pltpu.sync_copy(zeros_hbm.at[pl.ds(sid * DPS, DPS)],
                    deg_sh.at[pl.ds(sid * DPS, DPS)])
    pltpu.sync_copy(dst_hbm.at[pl.ds(wid * EW, EW)], dst_v)
    plsc.subcore_barrier()

    def body(g, carry):
        pltpu.sync_copy(ones_v.at[pl.ds(0, K)],
                        deg_sh.at[dst_v.at[pl.ds(g * K, K)]], add=True)
        return carry

    lax.fori_loop(0, G, body, 0)
    plsc.subcore_barrier()
    pltpu.sync_copy(deg_sh.at[pl.ds(sid * DPS, DPS)],
                    out_hbm.at[pl.ds(cid * NP + sid * DPS, DPS)])


@functools.partial(
    pl.kernel,
    out_type=jax.ShapeDtypeStruct((NC, NP, D_HID), jnp.float32),
    mesh=_mesh,
    compiler_params=pltpu.CompilerParams(use_tc_tiling_on_sc=False),
    scratch_types=[
        pltpu.VMEM((EW,), jnp.int32),
        pltpu.VMEM((EW,), jnp.int32),
        [pltpu.VMEM((K, D_HID), jnp.float32) for _ in range(NB)],
        [pltpu.SemaphoreType.DMA for _ in range(NB)],
        [pltpu.SemaphoreType.DMA for _ in range(NB)],
        pltpu.VMEM_SHARED((NP, D_HID), jnp.float32),
    ],
)
def _agg_kernel(hs_hbm, src_hbm, dst_hbm, zeros_hbm, out_hbm,
                src_v, dst_v, rows, gsem, ssem, acc_sh):
    cid = lax.axis_index("c")
    sid = lax.axis_index("s")
    wid = _wid()
    pltpu.sync_copy(zeros_hbm.at[pl.ds(sid * RPS, RPS)],
                    acc_sh.at[pl.ds(sid * RPS, RPS)])
    pltpu.sync_copy(src_hbm.at[pl.ds(wid * EW, EW)], src_v)
    pltpu.sync_copy(dst_hbm.at[pl.ds(wid * EW, EW)], dst_v)
    plsc.subcore_barrier()

    def fire_gather(b, g):
        pltpu.async_copy(hs_hbm.at[src_v.at[pl.ds(g * K, K)]], rows[b], gsem[b])

    def wait_gather(b):
        pltpu.make_async_copy(hs_hbm.at[src_v.at[pl.ds(0, K)]], rows[b],
                              gsem[b]).wait()

    def fire_scatter(b, g):
        pltpu.async_copy(rows[b], acc_sh.at[dst_v.at[pl.ds(g * K, K)]],
                         ssem[b], add=True)

    def wait_scatter(b):
        pltpu.make_async_copy(rows[b], acc_sh.at[dst_v.at[pl.ds(0, K)]],
                              ssem[b]).wait()

    for b in range(NB):
        fire_gather(b, b)

    def outer(o, carry):
        for b in range(NB):
            wait_gather(b)
            fire_scatter(b, o * NB + b)
        for b in range(NB):
            wait_scatter(b)
            fire_gather(b, (o + 1) * NB + b)
        return carry

    lax.fori_loop(0, G // NB - 1, outer, 0)
    for b in range(NB):
        wait_gather(b)
        fire_scatter(b, G - NB + b)
    for b in range(NB):
        wait_scatter(b)
    plsc.subcore_barrier()
    pltpu.sync_copy(acc_sh.at[pl.ds(sid * RPS, RPS)],
                    out_hbm.at[cid, pl.ds(sid * RPS, RPS)])


def _mm1_body(x_ref, w_ref, h_ref):
    h_ref[...] = jnp.dot(x_ref[...], w_ref[...],
                         preferred_element_type=jnp.float32)


_mm1_call = pl.pallas_call(
    _mm1_body, out_shape=jax.ShapeDtypeStruct((N, D_HID), jnp.float32)
)


def _scale1_body(h_ref, degp_ref, hs_ref, dis_ref):
    deg = degp_ref[:N] + degp_ref[NP:NP + N] + 1.0
    dis = lax.rsqrt(jnp.maximum(deg, 1e-12))
    dis_b = jnp.broadcast_to(dis[:, None], (N, D_HID))
    dis_ref[...] = dis_b
    hs_ref[...] = h_ref[...] * dis_b


_scale1_call = pl.pallas_call(
    _scale1_body,
    out_shape=[jax.ShapeDtypeStruct((N, D_HID), jnp.float32),
               jax.ShapeDtypeStruct((N, D_HID), jnp.float32)],
)


def _mid_body(aggp_ref, hs_ref, dis_ref, b_ref, w_ref, out_ref):
    pre = dis_ref[...] * (aggp_ref[0, :N] + aggp_ref[1, :N] + hs_ref[...]) \
        + b_ref[...][None, :]
    act = jnp.maximum(pre, 0.0)
    h = jnp.dot(act, w_ref[...], preferred_element_type=jnp.float32)
    out_ref[...] = h * dis_ref[...]


_mid_call = pl.pallas_call(
    _mid_body, out_shape=jax.ShapeDtypeStruct((N, D_HID), jnp.float32)
)


def _fin_body(aggp_ref, hs_ref, dis_ref, b_ref, fcw_ref, fcb_ref, out_ref):
    h = dis_ref[...] * (aggp_ref[0, :N] + aggp_ref[1, :N] + hs_ref[...]) \
        + b_ref[...][None, :]
    g = jnp.sum(h, axis=0, keepdims=True) * (1.0 / N)
    out_ref[...] = jnp.dot(g, fcw_ref[...],
                           preferred_element_type=jnp.float32) + fcb_ref[...]


_fin_call = pl.pallas_call(
    _fin_body, out_shape=jax.ShapeDtypeStruct((1, 1), jnp.float32)
)


def kernel(x, edge_index, W1, b1, W2, b2, W3, b3, fc_W, fc_b):
    src = edge_index[0]
    dst = edge_index[1]
    zeros_rows = jnp.zeros((NP, D_HID), jnp.float32)
    zeros_deg = jnp.zeros((NC * NP,), jnp.float32)

    h1 = _mm1_call(x, W1)
    degp = _deg_kernel(dst, zeros_deg)
    hs1, dis = _scale1_call(h1, degp)
    agg1 = _agg_kernel(hs1, src, dst, zeros_rows)
    hs2 = _mid_call(agg1, hs1, dis, b1, W2)
    agg2 = _agg_kernel(hs2, src, dst, zeros_rows)
    hs3 = _mid_call(agg2, hs2, dis, b2, W3)
    agg3 = _agg_kernel(hs3, src, dst, zeros_rows)
    return _fin_call(agg3, hs3, dis, b3, fc_W, fc_b.reshape(1, 1))

# --- scband reference (transcript-rebuilt; emitter-appended) ---
"""Pipeline reference for scband-crypto-gnn-8856222564958 (READ-ONLY COPY).

The authoritative reference and input builder live on the scoring server;
editing this copy changes nothing except your own understanding.
"""

import jax, jax.numpy as jnp
import numpy as np

N_NODES = 10000
N_EDGES = 320000
D_IN = 128
D_HID = 64
D_OUT = 1


def gcn_conv(x, src, dst, W, b):
    # PyG GCNConv default: add self-loops, symmetric normalization
    n = x.shape[0]
    loop = jnp.arange(n, dtype=src.dtype)
    s = jnp.concatenate([src, loop])
    d = jnp.concatenate([dst, loop])
    deg = jnp.zeros((n,), x.dtype).at[d].add(1.0)
    deg_inv_sqrt = jax.lax.rsqrt(jnp.maximum(deg, 1e-12))
    norm = deg_inv_sqrt[s] * deg_inv_sqrt[d]
    h = x @ W
    msg = h[s] * norm[:, None]
    out = jnp.zeros((n, W.shape[1]), x.dtype).at[d].add(msg)
    return out + b


def setup_inputs(seed: int = 0) -> dict:
    key = jax.random.key(seed)
    ks = jax.random.split(key, 12)
    x = jax.random.normal(ks[0], (N_NODES, D_IN), dtype=jnp.float32)
    edge_index = jax.random.randint(ks[1], (2, N_EDGES), 0, N_NODES, dtype=jnp.int32)
    W1 = jax.random.normal(ks[2], (D_IN, D_HID), dtype=jnp.float32) * (1.0 / np.sqrt(D_IN))
    b1 = jnp.zeros((D_HID,), dtype=jnp.float32)
    W2 = jax.random.normal(ks[3], (D_HID, D_HID), dtype=jnp.float32) * (1.0 / np.sqrt(D_HID))
    b2 = jnp.zeros((D_HID,), dtype=jnp.float32)
    W3 = jax.random.normal(ks[4], (D_HID, D_HID), dtype=jnp.float32) * (1.0 / np.sqrt(D_HID))
    b3 = jnp.zeros((D_HID,), dtype=jnp.float32)
    fc_W = jax.random.normal(ks[5], (D_HID, D_OUT), dtype=jnp.float32) * (1.0 / np.sqrt(D_HID))
    fc_b = jnp.zeros((D_OUT,), dtype=jnp.float32)
    return {"x": x, "edge_index": edge_index, "W1": W1, "b1": b1, "W2": W2, "b2": b2,
            "W3": W3, "b3": b3, "fc_W": fc_W, "fc_b": fc_b}


def reference(x, edge_index, W1, b1, W2, b2, W3, b3, fc_W, fc_b):
    src, dst = edge_index[0], edge_index[1]
    h = gcn_conv(x, src, dst, W1, b1)
    h = jax.nn.relu(h)
    # F.dropout(training=self.training) -> identity in eval mode
    h = gcn_conv(h, src, dst, W2, b2)
    h = jax.nn.relu(h)
    h = gcn_conv(h, src, dst, W3, b3)
    g = jnp.mean(h, axis=0, keepdims=True)
    return g @ fc_W + fc_b

if __name__ == "__main__":
    import jax
    _d = setup_inputs()
    print(jax.jit(kernel)(*tuple(_d.values())))

</pallas_src>

<mosaic_0001>
#map = affine_map<(d0, d1) -> (0, 0)>
#map1 = affine_map<(d0, d1) -> (0)>
#map2 = affine_map<(d0, d1) -> (0, 0, 0)>
module attributes {stable_mosaic.version = 14 : i64} {
  func.func @_agg_kernel(%arg0: i32, %arg1: i32, %arg2: memref<10000x64xf32, #tpu.memory_space<hbm>>, %arg3: memref<320000xi32, #tpu.memory_space<hbm>>, %arg4: memref<320000xi32, #tpu.memory_space<hbm>>, %arg5: memref<10240x64xf32, #tpu.memory_space<hbm>>, %arg6: memref<2x10240x64xf32, #tpu.memory_space<hbm>>, %arg7: memref<10000xi32, #tpu.memory_space<vmem>>, %arg8: memref<10000xi32, #tpu.memory_space<vmem>>, %arg9: memref<80x64xf32, #tpu.memory_space<vmem>>, %arg10: memref<80x64xf32, #tpu.memory_space<vmem>>, %arg11: memref<80x64xf32, #tpu.memory_space<vmem>>, %arg12: memref<80x64xf32, #tpu.memory_space<vmem>>, %arg13: memref<80x64xf32, #tpu.memory_space<vmem>>, %arg14: memref<!tpu.dma_semaphore, #tpu.memory_space<semaphore_mem>>, %arg15: memref<!tpu.dma_semaphore, #tpu.memory_space<semaphore_mem>>, %arg16: memref<!tpu.dma_semaphore, #tpu.memory_space<semaphore_mem>>, %arg17: memref<!tpu.dma_semaphore, #tpu.memory_space<semaphore_mem>>, %arg18: memref<!tpu.dma_semaphore, #tpu.memory_space<semaphore_mem>>, %arg19: memref<!tpu.dma_semaphore, #tpu.memory_space<semaphore_mem>>, %arg20: memref<!tpu.dma_semaphore, #tpu.memory_space<semaphore_mem>>, %arg21: memref<!tpu.dma_semaphore, #tpu.memory_space<semaphore_mem>>, %arg22: memref<!tpu.dma_semaphore, #tpu.memory_space<semaphore_mem>>, %arg23: memref<!tpu.dma_semaphore, #tpu.memory_space<semaphore_mem>>, %arg24: memref<10240x64xf32, #tpu.memory_space<vmem_shared>>) attributes {dimension_semantics = [#tpu.dimension_semantics<core_parallel>, #tpu.dimension_semantics<subcore_parallel>], iteration_bounds = array<i64: 2, 16>, scalar_prefetch = 0 : i64, scratch_operands = 18 : i64, tpu.core_type = #tpu.core_type<sc_vector_subcore>, window_params = [{transform_indices = #map}, {transform_indices = #map1}, {transform_indices = #map1}, {transform_indices = #map}, {transform_indices = #map2}]} {
    %mul3A = arith.constant 2 : i32
    %mul3A_0 = arith.muli %arg1, %mul3A : i32
    %add3A = arith.addi %mul3A_0, %arg0 : i32
    %mul3A_1 = arith.constant 640 : i32
    %mul3A_2 = arith.muli %arg1, %mul3A_1 : i32
    %mul3A_3 = arith.constant 640 : i32
    %mul3A_4 = arith.muli %arg1, %mul3A_3 : i32
    "tpu.region"() ({
      %run_scoped3A = tpu.sem_alloc : memref<!tpu.dma_semaphore, #tpu.memory_space<semaphore_mem>>
      %dma_start3A_117 = arith.constant 0 : i32
      %dma_start3A_118 = tpu.memref_slice %arg24[%mul3A_4, %dma_start3A_117] : memref<10240x64xf32, #tpu.memory_space<vmem_shared>> -> memref<640x64xf32, #tpu.memory_space<vmem_shared>>
      %dma_start3A_119 = arith.constant 0 : i32
      %dma_start3A_120 = tpu.memref_slice %arg5[%mul3A_2, %dma_start3A_119] : memref<10240x64xf32, #tpu.memory_space<hbm>> -> memref<640x64xf32, #tpu.memory_space<hbm>>
      tpu.enqueue_dma source(%dma_start3A_120 : memref<640x64xf32, #tpu.memory_space<hbm>>) target(%dma_start3A_118 : memref<640x64xf32, #tpu.memory_space<vmem_shared>>) target_semaphore(%run_scoped3A : memref<!tpu.dma_semaphore, #tpu.memory_space<semaphore_mem>>)
      %dma_wait3A_121 = arith.constant 0 : i32
      %dma_wait3A_122 = tpu.memref_slice %arg24[%mul3A_4, %dma_wait3A_121] : memref<10240x64xf32, #tpu.memory_space<vmem_shared>> -> memref<640x64xf32, #tpu.memory_space<vmem_shared>>
      %dma_wait3A_123 = arith.constant 0 : i32
      %dma_wait3A_124 = tpu.memref_slice %arg5[%mul3A_2, %dma_wait3A_123] : memref<10240x64xf32, #tpu.memory_space<hbm>> -> memref<640x64xf32, #tpu.memory_space<hbm>>
      tpu.wait_dma2 semaphore(%run_scoped3A : memref<!tpu.dma_semaphore, #tpu.memory_space<semaphore_mem>>) src(%dma_wait3A_124 : memref<640x64xf32, #tpu.memory_space<hbm>>) dst(%dma_wait3A_122 : memref<640x64xf32, #tpu.memory_space<vmem_shared>>)
      tpu.yield
    }) : () -> ()
    %mul3A_5 = arith.constant 10000 : i32
    %mul3A_6 = arith.muli %add3A, %mul3A_5 : i32
    "tpu.region"() ({
      %run_scoped3A = tpu.sem_alloc : memref<!tpu.dma_semaphore, #tpu.memory_space<semaphore_mem>>
      %dma_start3A_117 = tpu.memref_slice %arg3[%mul3A_6] : memref<320000xi32, #tpu.memory_space<hbm>> -> memref<10000xi32, #tpu.memory_space<hbm>>
      %dma_start3A_118 = tpu.memref_slice %arg3[%mul3A_6] : memref<320000xi32, #tpu.memory_space<hbm>> -> memref<10000xi32, #tpu.memory_space<hbm>>
      tpu.enqueue_dma source(%dma_start3A_118 : memref<10000xi32, #tpu.memory_space<hbm>>) target(%arg7 : memref<10000xi32, #tpu.memory_space<vmem>>) target_semaphore(%run_scoped3A : memref<!tpu.dma_semaphore, #tpu.memory_space<semaphore_mem>>)
      %dma_wait3A_119 = tpu.memref_slice %arg3[%mul3A_6] : memref<320000xi32, #tpu.memory_space<hbm>> -> memref<10000xi32, #tpu.memory_space<hbm>>
      %dma_wait3A_120 = tpu.memref_slice %arg3[%mul3A_6] : memref<320000xi32, #tpu.memory_space<hbm>> -> memref<10000xi32, #tpu.memory_space<hbm>>
      tpu.wait_dma2 semaphore(%run_scoped3A : memref<!tpu.dma_semaphore, #tpu.memory_space<semaphore_mem>>) src(%dma_wait3A_120 : memref<10000xi32, #tpu.memory_space<hbm>>) dst(%arg7 : memref<10000xi32, #tpu.memory_space<vmem>>)
      tpu.yield
    }) : () -> ()
    %mul3A_7 = arith.constant 10000 : i32
    %mul3A_8 = arith.muli %add3A, %mul3A_7 : i32
    "tpu.region"() ({
      %run_scoped3A = tpu.sem_alloc : memref<!tpu.dma_semaphore, #tpu.memory_space<semaphore_mem>>
      %dma_start3A_117 = tpu.memref_slice %arg4[%mul3A_8] : memref<320000xi32, #tpu.memory_space<hbm>> -> memref<10000xi32, #tpu.memory_space<hbm>>
      %dma_start3A_118 = tpu.memref_slice %arg4[%mul3A_8] : memref<320000xi32, #tpu.memory_space<hbm>> -> memref<10000xi32, #tpu.memory_space<hbm>>
      tpu.enqueue_dma source(%dma_start3A_118 : memref<10000xi32, #tpu.memory_space<hbm>>) target(%arg8 : memref<10000xi32, #tpu.memory_space<vmem>>) target_semaphore(%run_scoped3A : memref<!tpu.dma_semaphore, #tpu.memory_space<semaphore_mem>>)
      %dma_wait3A_119 = tpu.memref_slice %arg4[%mul3A_8] : memref<320000xi32, #tpu.memory_space<hbm>> -> memref<10000xi32, #tpu.memory_space<hbm>>
      %dma_wait3A_120 = tpu.memref_slice %arg4[%mul3A_8] : memref<320000xi32, #tpu.memory_space<hbm>> -> memref<10000xi32, #tpu.memory_space<hbm>>
      tpu.wait_dma2 semaphore(%run_scoped3A : memref<!tpu.dma_semaphore, #tpu.memory_space<semaphore_mem>>) src(%dma_wait3A_120 : memref<10000xi32, #tpu.memory_space<hbm>>) dst(%arg8 : memref<10000xi32, #tpu.memory_space<vmem>>)
      tpu.yield
    }) : () -> ()
    %barrier3A = arith.constant 0 : index
    tpu.barrier barrier_id(%barrier3A)
    %dma_start3A = arith.constant 0 : i32
    %dma_start3A_9 = tpu.memref_slice %arg7[%dma_start3A] : memref<10000xi32, #tpu.memory_space<vmem>> -> memref<80xi32, #tpu.memory_space<vmem>>
    %dma_start3A_10 = arith.constant 0 : i32
    %dma_start3A_11 = arith.constant 0 : i32
    %dma_start3A_12 = tpu.memref_slice %arg2[%dma_start3A_10, %dma_start3A_11] : memref<10000x64xf32, #tpu.memory_space<hbm>> -> memref<10000x64xf32, #tpu.memory_space<hbm>>
    tpu.enqueue_indirect_dma source(%dma_start3A_12 : memref<10000x64xf32, #tpu.memory_space<hbm>>) target(%arg9 : memref<80x64xf32, #tpu.memory_space<vmem>>) offsets(%dma_start3A_9 : memref<80xi32, #tpu.memory_space<vmem>>) semaphore(%arg14 : memref<!tpu.dma_semaphore, #tpu.memory_space<semaphore_mem>>)
    %dma_start3A_13 = arith.constant 80 : i32
    %dma_start3A_14 = tpu.memref_slice %arg7[%dma_start3A_13] : memref<10000xi32, #tpu.memory_space<vmem>> -> memref<80xi32, #tpu.memory_space<vmem>>
    %dma_start3A_15 = arith.constant 0 : i32
    %dma_start3A_16 = arith.constant 0 : i32
    %dma_start3A_17 = tpu.memref_slice %arg2[%dma_start3A_15, %dma_start3A_16] : memref<10000x64xf32, #tpu.memory_space<hbm>> -> memref<10000x64xf32, #tpu.memory_space<hbm>>
    tpu.enqueue_indirect_dma source(%dma_start3A_17 : memref<10000x64xf32, #tpu.memory_space<hbm>>) target(%arg10 : memref<80x64xf32, #tpu.memory_space<vmem>>) offsets(%dma_start3A_14 : memref<80xi32, #tpu.memory_space<vmem>>) semaphore(%arg15 : memref<!tpu.dma_semaphore, #tpu.memory_space<semaphore_mem>>)
    %dma_start3A_18 = arith.constant 160 : i32
    %dma_start3A_19 = tpu.memref_slice %arg7[%dma_start3A_18] : memref<10000xi32, #tpu.memory_space<vmem>> -> memref<80xi32, #tpu.memory_space<vmem>>
    %dma_start3A_20 = arith.constant 0 : i32
    %dma_start3A_21 = arith.constant 0 : i32
    %dma_start3A_22 = tpu.memref_slice %arg2[%dma_start3A_20, %dma_start3A_21] : memref<10000x64xf32, #tpu.memory_space<hbm>> -> memref<10000x64xf32, #tpu.memory_space<hbm>>
    tpu.enqueue_indirect_dma source(%dma_start3A_22 : memref<10000x64xf32, #tpu.memory_space<hbm>>) target(%arg11 : memref<80x64xf32, #tpu.memory_space<vmem>>) offsets(%dma_start3A_19 : memref<80xi32, #tpu.memory_space<vmem>>) semaphore(%arg16 : memref<!tpu.dma_semaphore, #tpu.memory_space<semaphore_mem>>)
    %dma_start3A_23 = arith.constant 240 : i32
    %dma_start3A_24 = tpu.memref_slice %arg7[%dma_start3A_23] : memref<10000xi32, #tpu.memory_space<vmem>> -> memref<80xi32, #tpu.memory_space<vmem>>
    %dma_start3A_25 = arith.constant 0 : i32
    %dma_start3A_26 = arith.constant 0 : i32
    %dma_start3A_27 = tpu.memref_slice %arg2[%dma_start3A_25, %dma_start3A_26] : memref<10000x64xf32, #tpu.memory_space<hbm>> -> memref<10000x64xf32, #tpu.memory_space<hbm>>
    tpu.enqueue_indirect_dma source(%dma_start3A_27 : memref<10000x64xf32, #tpu.memory_space<hbm>>) target(%arg12 : memref<80x64xf32, #tpu.memory_space<vmem>>) offsets(%dma_start3A_24 : memref<80xi32, #tpu.memory_space<vmem>>) semaphore(%arg17 : memref<!tpu.dma_semaphore, #tpu.memory_space<semaphore_mem>>)
    %dma_start3A_28 = arith.constant 320 : i32
    %dma_start3A_29 = tpu.memref_slice %arg7[%dma_start3A_28] : memref<10000xi32, #tpu.memory_space<vmem>> -> memref<80xi32, #tpu.memory_space<vmem>>
    %dma_start3A_30 = arith.constant 0 : i32
    %dma_start3A_31 = arith.constant 0 : i32
    %dma_start3A_32 = tpu.memref_slice %arg2[%dma_start3A_30, %dma_start3A_31] : memref<10000x64xf32, #tpu.memory_space<hbm>> -> memref<10000x64xf32, #tpu.memory_space<hbm>>
    tpu.enqueue_indirect_dma source(%dma_start3A_32 : memref<10000x64xf32, #tpu.memory_space<hbm>>) target(%arg13 : memref<80x64xf32, #tpu.memory_space<vmem>>) offsets(%dma_start3A_29 : memref<80xi32, #tpu.memory_space<vmem>>) semaphore(%arg18 : memref<!tpu.dma_semaphore, #tpu.memory_space<semaphore_mem>>)
    %scan3A = arith.constant 0 : i32
    %scan3A_33 = arith.constant 0 : i32
    %scan3A_34 = arith.constant 24 : i32
    %scan3A_35 = arith.addi %scan3A_33, %scan3A_34 : i32
    %scan3A_36 = arith.constant 1 : i32
    scf.for %scan3A_117 = %scan3A_33 to %scan3A_35 step %scan3A_36  : i32 {
      %dma_wait3A_118 = arith.constant 0 : i32
      %dma_wait3A_119 = tpu.memref_slice %arg7[%dma_wait3A_118] : memref<10000xi32, #tpu.memory_space<vmem>> -> memref<80xi32, #tpu.memory_space<vmem>>
      %dma_wait3A_120 = arith.constant 0 : i32
      %dma_wait3A_121 = arith.constant 0 : i32
      %dma_wait3A_122 = tpu.memref_slice %arg2[%dma_wait3A_120, %dma_wait3A_121] : memref<10000x64xf32, #tpu.memory_space<hbm>> -> memref<10000x64xf32, #tpu.memory_space<hbm>>
      tpu.wait_indirect_dma semaphore(%arg14 : memref<!tpu.dma_semaphore, #tpu.memory_space<semaphore_mem>>) src(%dma_wait3A_122 : memref<10000x64xf32, #tpu.memory_space<hbm>>) dst(%arg9 : memref<80x64xf32, #tpu.memory_space<vmem>>)
      %mul3A_123 = arith.constant 5 : i32
      %mul3A_124 = arith.muli %scan3A_117, %mul3A_123 : i32
      %add3A_125 = arith.constant 0 : i32
      %add3A_126 = arith.addi %mul3A_124, %add3A_125 : i32
      %mul3A_127 = arith.constant 80 : i32
      %mul3A_128 = arith.muli %add3A_126, %mul3A_127 : i32
      %dma_start3A_129 = tpu.memref_slice %arg8[%mul3A_128] : memref<10000xi32, #tpu.memory_space<vmem>> -> memref<80xi32, #tpu.memory_space<vmem>>
      %dma_start3A_130 = arith.constant 0 : i32
      %dma_start3A_131 = arith.constant 0 : i32
      %dma_start3A_132 = tpu.memref_slice %arg24[%dma_start3A_130, %dma_start3A_131] : memref<10240x64xf32, #tpu.memory_space<vmem_shared>> -> memref<10240x64xf32, #tpu.memory_space<vmem_shared>>
      tpu.enqueue_indirect_dma source(%arg9 : memref<80x64xf32, #tpu.memory_space<vmem>>) target(%dma_start3A_132 : memref<10240x64xf32, #tpu.memory_space<vmem_shared>>) offsets(%dma_start3A_129 : memref<80xi32, #tpu.memory_space<vmem>>) semaphore(%arg19 : memref<!tpu.dma_semaphore, #tpu.memory_space<semaphore_mem>>) {add = true}
      %dma_wait3A_133 = arith.constant 0 : i32
      %dma_wait3A_134 = tpu.memref_slice %arg7[%dma_wait3A_133] : memref<10000xi32, #tpu.memory_space<vmem>> -> memref<80xi32, #tpu.memory_space<vmem>>
      %dma_wait3A_135 = arith.constant 0 : i32
      %dma_wait3A_136 = arith.constant 0 : i32
      %dma_wait3A_137 = tpu.memref_slice %arg2[%dma_wait3A_135, %dma_wait3A_136] : memref<10000x64xf32, #tpu.memory_space<hbm>> -> memref<10000x64xf32, #tpu.memory_space<hbm>>
      tpu.wait_indirect_dma semaphore(%arg15 : memref<!tpu.dma_semaphore, #tpu.memory_space<semaphore_mem>>) src(%dma_wait3A_137 : memref<10000x64xf32, #tpu.memory_space<hbm>>) dst(%arg10 : memref<80x64xf32, #tpu.memory_space<vmem>>)
      %mul3A_138 = arith.constant 5 : i32
      %mul3A_139 = arith.muli %scan3A_117, %mul3A_138 : i32
      %add3A_140 = arith.constant 1 : i32
      %add3A_141 = arith.addi %mul3A_139, %add3A_140 : i32
      %mul3A_142 = arith.constant 80 : i32
      %mul3A_143 = arith.muli %add3A_141, %mul3A_142 : i32
      %dma_start3A_144 = tpu.memref_slice %arg8[%mul3A_143] : memref<10000xi32, #tpu.memory_space<vmem>> -> memref<80xi32, #tpu.memory_space<vmem>>
      %dma_start3A_145 = arith.constant 0 : i32
      %dma_start3A_146 = arith.constant 0 : i32
      %dma_start3A_147 = tpu.memref_slice %arg24[%dma_start3A_145, %dma_start3A_146] : memref<10240x64xf32, #tpu.memory_space<vmem_shared>> -> memref<10240x64xf32, #tpu.memory_space<vmem_shared>>
      tpu.enqueue_indirect_dma source(%arg10 : memref<80x64xf32, #tpu.memory_space<vmem>>) target(%dma_start3A_147 : memref<10240x64xf32, #tpu.memory_space<vmem_shared>>) offsets(%dma_start3A_144 : memref<80xi32, #tpu.memory_space<vmem>>) semaphore(%arg20 : memref<!tpu.dma_semaphore, #tpu.memory_space<semaphore_mem>>) {add = true}
      %dma_wait3A_148 = arith.constant 0 : i32
      %dma_wait3A_149 = tpu.memref_slice %arg7[%dma_wait3A_148] : memref<10000xi32, #tpu.memory_space<vmem>> -> memref<80xi32, #tpu.memory_space<vmem>>
      %dma_wait3A_150 = arith.constant 0 : i32
      %dma_wait3A_151 = arith.constant 0 : i32
      %dma_wait3A_152 = tpu.memref_slice %arg2[%dma_wait3A_150, %dma_wait3A_151] : memref<10000x64xf32, #tpu.memory_space<hbm>> -> memref<10000x64xf32, #tpu.memory_space<hbm>>
      tpu.wait_indirect_dma semaphore(%arg16 : memref<!tpu.dma_semaphore, #tpu.memory_space<semaphore_mem>>) src(%dma_wait3A_152 : memref<10000x64xf32, #tpu.memory_space<hbm>>) dst(%arg11 : memref<80x64xf32, #tpu.memory_space<vmem>>)
      %mul3A_153 = arith.constant 5 : i32
      %mul3A_154 = arith.muli %scan3A_117, %mul3A_153 : i32
      %add3A_155 = arith.constant 2 : i32
      %add3A_156 = arith.addi %mul3A_154, %add3A_155 : i32
      %mul3A_157 = arith.constant 80 : i32
      %mul3A_158 = arith.muli %add3A_156, %mul3A_157 : i32
      %dma_start3A_159 = tpu.memref_slice %arg8[%mul3A_158] : memref<10000xi32, #tpu.memory_space<vmem>> -> memref<80xi32, #tpu.memory_space<vmem>>
      %dma_start3A_160 = arith.constant 0 : i32
      %dma_start3A_161 = arith.constant 0 : i32
      %dma_start3A_162 = tpu.memref_slice %arg24[%dma_start3A_160, %dma_start3A_161] : memref<10240x64xf32, #tpu.memory_space<vmem_shared>> -> memref<10240x64xf32, #tpu.memory_space<vmem_shared>>
      tpu.enqueue_indirect_dma source(%arg11 : memref<80x64xf32, #tpu.memory_space<vmem>>) target(%dma_start3A_162 : memref<10240x64xf32, #tpu.memory_space<vmem_shared>>) offsets(%dma_start3A_159 : memref<80xi32, #tpu.memory_space<vmem>>) semaphore(%arg21 : memref<!tpu.dma_semaphore, #tpu.memory_space<semaphore_mem>>) {add = true}
      %dma_wait3A_163 = arith.constant 0 : i32
      %dma_wait3A_164 = tpu.memref_slice %arg7[%dma_wait3A_163] : memref<10000xi32, #tpu.memory_space<vmem>> -> memref<80xi32, #tpu.memory_space<vmem>>
      %dma_wait3A_165 = arith.constant 0 : i32
      %dma_wait3A_166 = arith.constant 0 : i32
      %dma_wait3A_167 = tpu.memref_slice %arg2[%dma_wait3A_165, %dma_wait3A_166] : memref<10000x64xf32, #tpu.memory_space<hbm>> -> memref<10000x64xf32, #tpu.memory_space<hbm>>
      tpu.wait_indirect_dma semaphore(%arg17 : memref<!tpu.dma_semaphore, #tpu.memory_space<semaphore_mem>>) src(%dma_wait3A_167 : memref<10000x64xf32, #tpu.memory_space<hbm>>) dst(%arg12 : memref<80x64xf32, #tpu.memory_space<vmem>>)
      %mul3A_168 = arith.constant 5 : i32
      %mul3A_169 = arith.muli %scan3A_117, %mul3A_168 : i32
      %add3A_170 = arith.constant 3 : i32
      %add3A_171 = arith.addi %mul3A_169, %add3A_170 : i32
      %mul3A_172 = arith.constant 80 : i32
      %mul3A_173 = arith.muli %add3A_171, %mul3A_172 : i32
      %dma_start3A_174 = tpu.memref_slice %arg8[%mul3A_173] : memref<10000xi32, #tpu.memory_space<vmem>> -> memref<80xi32, #tpu.memory_space<vmem>>
      %dma_start3A_175 = arith.constant 0 : i32
      %dma_start3A_176 = arith.constant 0 : i32
      %dma_start3A_177 = tpu.memref_slice %arg24[%dma_start3A_175, %dma_start3A_176] : memref<10240x64xf32, #tpu.memory_space<vmem_shared>> -> memref<10240x64xf32, #tpu.memory_space<vmem_shared>>
      tpu.enqueue_indirect_dma source(%arg12 : memref<80x64xf32, #tpu.memory_space<vmem>>) target(%dma_start3A_177 : memref<10240x64xf32, #tpu.memory_space<vmem_shared>>) offsets(%dma_start3A_174 : memref<80xi32, #tpu.memory_space<vmem>>) semaphore(%arg22 : memref<!tpu.dma_semaphore, #tpu.memory_space<semaphore_mem>>) {add = true}
      %dma_wait3A_178 = arith.constant 0 : i32
      %dma_wait3A_179 = tpu.memref_slice %arg7[%dma_wait3A_178] : memref<10000xi32, #tpu.memory_space<vmem>> -> memref<80xi32, #tpu.memory_space<vmem>>
      %dma_wait3A_180 = arith.constant 0 : i32
      %dma_wait3A_181 = arith.constant 0 : i32
      %dma_wait3A_182 = tpu.memref_slice %arg2[%dma_wait3A_180, %dma_wait3A_181] : memref<10000x64xf32, #tpu.memory_space<hbm>> -> memref<10000x64xf32, #tpu.memory_space<hbm>>
      tpu.wait_indirect_dma semaphore(%arg18 : memref<!tpu.dma_semaphore, #tpu.memory_space<semaphore_mem>>) src(%dma_wait3A_182 : memref<10000x64xf32, #tpu.memory_space<hbm>>) dst(%arg13 : memref<80x64xf32, #tpu.memory_space<vmem>>)
      %mul3A_183 = arith.constant 5 : i32
      %mul3A_184 = arith.muli %scan3A_117, %mul3A_183 : i32
      %add3A_185 = arith.constant 4 : i32
      %add3A_186 = arith.addi %mul3A_184, %add3A_185 : i32
      %mul3A_187 = arith.constant 80 : i32
      %mul3A_188 = arith.muli %add3A_186, %mul3A_187 : i32
      %dma_start3A_189 = tpu.memref_slice %arg8[%mul3A_188] : memref<10000xi32, #tpu.memory_space<vmem>> -> memref<80xi32, #tpu.memory_space<vmem>>
      %dma_start3A_190 = arith.constant 0 : i32
      %dma_start3A_191 = arith.constant 0 : i32
      %dma_start3A_192 = tpu.memref_slice %arg24[%dma_start3A_190, %dma_start3A_191] : memref<10240x64xf32, #tpu.memory_space<vmem_shared>> -> memref<10240x64xf32, #tpu.memory_space<vmem_shared>>
      tpu.enqueue_indirect_dma source(%arg13 : memref<80x64xf32, #tpu.memory_space<vmem>>) target(%dma_start3A_192 : memref<10240x64xf32, #tpu.memory_space<vmem_shared>>) offsets(%dma_start3A_189 : memref<80xi32, #tpu.memory_space<vmem>>) semaphore(%arg23 : memref<!tpu.dma_semaphore, #tpu.memory_space<semaphore_mem>>) {add = true}
      %dma_wait3A_193 = arith.constant 0 : i32
      %dma_wait3A_194 = tpu.memref_slice %arg8[%dma_wait3A_193] : memref<10000xi32, #tpu.memory_space<vmem>> -> memref<80xi32, #tpu.memory_space<vmem>>
      %dma_wait3A_195 = arith.constant 0 : i32
      %dma_wait3A_196 = arith.constant 0 : i32
      %dma_wait3A_197 = tpu.memref_slice %arg24[%dma_wait3A_195, %dma_wait3A_196] : memref<10240x64xf32, #tpu.memory_space<vmem_shared>> -> memref<10240x64xf32, #tpu.memory_space<vmem_shared>>
      tpu.wait_indirect_dma semaphore(%arg19 : memref<!tpu.dma_semaphore, #tpu.memory_space<semaphore_mem>>) src(%arg9 : memref<80x64xf32, #tpu.memory_space<vmem>>) dst(%dma_wait3A_197 : memref<10240x64xf32, #tpu.memory_space<vmem_shared>>)
      %add3A_198 = arith.constant 1 : i32
      %add3A_199 = arith.addi %scan3A_117, %add3A_198 : i32
      %mul3A_200 = arith.constant 5 : i32
      %mul3A_201 = arith.muli %add3A_199, %mul3A_200 : i32
      %add3A_202 = arith.constant 0 : i32
      %add3A_203 = arith.addi %mul3A_201, %add3A_202 : i32
      %mul3A_204 = arith.constant 80 : i32
      %mul3A_205 = arith.muli %add3A_203, %mul3A_204 : i32
      %dma_start3A_206 = tpu.memref_slice %arg7[%mul3A_205] : memref<10000xi32, #tpu.memory_space<vmem>> -> memref<80xi32, #tpu.memory_space<vmem>>
      %dma_start3A_207 = arith.constant 0 : i32
      %dma_start3A_208 = arith.constant 0 : i32
      %dma_start3A_209 = tpu.memref_slice %arg2[%dma_start3A_207, %dma_start3A_208] : memref<10000x64xf32, #tpu.memory_space<hbm>> -> memref<10000x64xf32, #tpu.memory_space<hbm>>
      tpu.enqueue_indirect_dma source(%dma_start3A_209 : memref<10000x64xf32, #tpu.memory_space<hbm>>) target(%arg9 : memref<80x64xf32, #tpu.memory_space<vmem>>) offsets(%dma_start3A_206 : memref<80xi32, #tpu.memory_space<vmem>>) semaphore(%arg14 : memref<!tpu.dma_semaphore, #tpu.memory_space<semaphore_mem>>)
      %dma_wait3A_210 = arith.constant 0 : i32
      %dma_wait3A_211 = tpu.memref_slice %arg8[%dma_wait3A_210] : memref<10000xi32, #tpu.memory_space<vmem>> -> memref<80xi32, #tpu.memory_space<vmem>>
      %dma_wait3A_212 = arith.constant 0 : i32
      %dma_wait3A_213 = arith.constant 0 : i32
      %dma_wait3A_214 = tpu.memref_slice %arg24[%dma_wait3A_212, %dma_wait3A_213] : memref<10240x64xf32, #tpu.memory_space<vmem_shared>> -> memref<10240x64xf32, #tpu.memory_space<vmem_shared>>
      tpu.wait_indirect_dma semaphore(%arg20 : memref<!tpu.dma_semaphore, #tpu.memory_space<semaphore_mem>>) src(%arg10 : memref<80x64xf32, #tpu.memory_space<vmem>>) dst(%dma_wait3A_214 : memref<10240x64xf32, #tpu.memory_space<vmem_shared>>)
      %add3A_215 = arith.constant 1 : i32
      %add3A_216 = arith.addi %scan3A_117, %add3A_215 : i32
      %mul3A_217 = arith.constant 5 : i32
      %mul3A_218 = arith.muli %add3A_216, %mul3A_217 : i32
      %add3A_219 = arith.constant 1 : i32
      %add3A_220 = arith.addi %mul3A_218, %add3A_219 : i32
      %mul3A_221 = arith.constant 80 : i32
      %mul3A_222 = arith.muli %add3A_220, %mul3A_221 : i32
      %dma_start3A_223 = tpu.memref_slice %arg7[%mul3A_222] : memref<10000xi32, #tpu.memory_space<vmem>> -> memref<80xi32, #tpu.memory_space<vmem>>
      %dma_start3A_224 = arith.constant 0 : i32
      %dma_start3A_225 = arith.constant 0 : i32
      %dma_start3A_226 = tpu.memref_slice %arg2[%dma_start3A_224, %dma_start3A_225] : memref<10000x64xf32, #tpu.memory_space<hbm>> -> memref<10000x64xf32, #tpu.memory_space<hbm>>
      tpu.enqueue_indirect_dma source(%dma_start3A_226 : memref<10000x64xf32, #tpu.memory_space<hbm>>) target(%arg10 : memref<80x64xf32, #tpu.memory_space<vmem>>) offsets(%dma_start3A_223 : memref<80xi32, #tpu.memory_space<vmem>>) semaphore(%arg15 : memref<!tpu.dma_semaphore, #tpu.memory_space<semaphore_mem>>)
      %dma_wait3A_227 = arith.constant 0 : i32
      %dma_wait3A_228 = tpu.memref_slice %arg8[%dma_wait3A_227] : memref<10000xi32, #tpu.memory_space<vmem>> -> memref<80xi32, #tpu.memory_space<vmem>>
      %dma_wait3A_229 = arith.constant 0 : i32
      %dma_wait3A_230 = arith.constant 0 : i32
      %dma_wait3A_231 = tpu.memref_slice %arg24[%dma_wait3A_229, %dma_wait3A_230] : memref<10240x64xf32, #tpu.memory_space<vmem_shared>> -> memref<10240x64xf32, #tpu.memory_space<vmem_shared>>
      tpu.wait_indirect_dma semaphore(%arg21 : memref<!tpu.dma_semaphore, #tpu.memory_space<semaphore_mem>>) src(%arg11 : memref<80x64xf32, #tpu.memory_space<vmem>>) dst(%dma_wait3A_231 : memref<10240x64xf32, #tpu.memory_space<vmem_shared>>)
      %add3A_232 = arith.constant 1 : i32
      %add3A_233 = arith.addi %scan3A_117, %add3A_232 : i32
      %mul3A_234 = arith.constant 5 : i32
      %mul3A_235 = arith.muli %add3A_233, %mul3A_234 : i32
      %add3A_236 = arith.constant 2 : i32
      %add3A_237 = arith.addi %mul3A_235, %add3A_236 : i32
      %mul3A_238 = arith.constant 80 : i32
      %mul3A_239 = arith.muli %add3A_237, %mul3A_238 : i32
      %dma_start3A_240 = tpu.memref_slice %arg7[%mul3A_239] : memref<10000xi32, #tpu.memory_space<vmem>> -> memref<80xi32, #tpu.memory_space<vmem>>
      %dma_start3A_241 = arith.constant 0 : i32
      %dma_start3A_242 = arith.constant 0 : i32
      %dma_start3A_243 = tpu.memref_slice %arg2[%dma_start3A_241, %dma_start3A_242] : memref<10000x64xf32, #tpu.memory_space<hbm>> -> memref<10000x64xf32, #tpu.memory_space<hbm>>
      tpu.enqueue_indirect_dma source(%dma_start3A_243 : memref<10000x64xf32, #tpu.memory_space<hbm>>) target(%arg11 : memref<80x64xf32, #tpu.memory_space<vmem>>) offsets(%dma_start3A_240 : memref<80xi32, #tpu.memory_space<vmem>>) semaphore(%arg16 : memref<!tpu.dma_semaphore, #tpu.memory_space<semaphore_mem>>)
      %dma_wait3A_244 = arith.constant 0 : i32
      %dma_wait3A_245 = tpu.memref_slice %arg8[%dma_wait3A_244] : memref<10000xi32, #tpu.memory_space<vmem>> -> memref<80xi32, #tpu.memory_space<vmem>>
      %dma_wait3A_246 = arith.constant 0 : i32
      %dma_wait3A_247 = arith.constant 0 : i32
      %dma_wait3A_248 = tpu.memref_slice %arg24[%dma_wait3A_246, %dma_wait3A_247] : memref<10240x64xf32, #tpu.memory_space<vmem_shared>> -> memref<10240x64xf32, #tpu.memory_space<vmem_shared>>
      tpu.wait_indirect_dma semaphore(%arg22 : memref<!tpu.dma_semaphore, #tpu.memory_space<semaphore_mem>>) src(%arg12 : memref<80x64xf32, #tpu.memory_space<vmem>>) dst(%dma_wait3A_248 : memref<10240x64xf32, #tpu.memory_space<vmem_shared>>)
      %add3A_249 = arith.constant 1 : i32
      %add3A_250 = arith.addi %scan3A_117, %add3A_249 : i32
      %mul3A_251 = arith.constant 5 : i32
      %mul3A_252 = arith.muli %add3A_250, %mul3A_251 : i32
      %add3A_253 = arith.constant 3 : i32
      %add3A_254 = arith.addi %mul3A_252, %add3A_253 : i32
      %mul3A_255 = arith.constant 80 : i32
      %mul3A_256 = arith.muli %add3A_254, %mul3A_255 : i32
      %dma_start3A_257 = tpu.memref_slice %arg7[%mul3A_256] : memref<10000xi32, #tpu.memory_space<vmem>> -> memref<80xi32, #tpu.memory_space<vmem>>
      %dma_start3A_258 = arith.constant 0 : i32
      %dma_start3A_259 = arith.constant 0 : i32
      %dma_start3A_260 = tpu.memref_slice %arg2[%dma_start3A_258, %dma_start3A_259] : memref<10000x64xf32, #tpu.memory_space<hbm>> -> memref<10000x64xf32, #tpu.memory_space<hbm>>
      tpu.enqueue_indirect_dma source(%dma_start3A_260 : memref<10000x64xf32, #tpu.memory_space<hbm>>) target(%arg12 : memref<80x64xf32, #tpu.memory_space<vmem>>) offsets(%dma_start3A_257 : memref<80xi32, #tpu.memory_space<vmem>>) semaphore(%arg17 : memref<!tpu.dma_semaphore, #tpu.memory_space<semaphore_mem>>)
      %dma_wait3A_261 = arith.constant 0 : i32
      %dma_wait3A_262 = tpu.memref_slice %arg8[%dma_wait3A_261] : memref<10000xi32, #tpu.memory_space<vmem>> -> memref<80xi32, #tpu.memory_space<vmem>>
      %dma_wait3A_263 = arith.constant 0 : i32
      %dma_wait3A_264 = arith.constant 0 : i32
      %dma_wait3A_265 = tpu.memref_slice %arg24[%dma_wait3A_263, %dma_wait3A_264] : memref<10240x64xf32, #tpu.memory_space<vmem_shared>> -> memref<10240x64xf32, #tpu.memory_space<vmem_shared>>
      tpu.wait_indirect_dma semaphore(%arg23 : memref<!tpu.dma_semaphore, #tpu.memory_space<semaphore_mem>>) src(%arg13 : memref<80x64xf32, #tpu.memory_space<vmem>>) dst(%dma_wait3A_265 : memref<10240x64xf32, #tpu.memory_space<vmem_shared>>)
      %add3A_266 = arith.constant 1 : i32
      %add3A_267 = arith.addi %scan3A_117, %add3A_266 : i32
      %mul3A_268 = arith.constant 5 : i32
      %mul3A_269 = arith.muli %add3A_267, %mul3A_268 : i32
      %add3A_270 = arith.constant 4 : i32
      %add3A_271 = arith.addi %mul3A_269, %add3A_270 : i32
      %mul3A_272 = arith.constant 80 : i32
      %mul3A_273 = arith.muli %add3A_271, %mul3A_272 : i32
      %dma_start3A_274 = tpu.memref_slice %arg7[%mul3A_273] : memref<10000xi32, #tpu.memory_space<vmem>> -> memref<80xi32, #tpu.memory_space<vmem>>
      %dma_start3A_275 = arith.constant 0 : i32
      %dma_start3A_276 = arith.constant 0 : i32
      %dma_start3A_277 = tpu.memref_slice %arg2[%dma_start3A_275, %dma_start3A_276] : memref<10000x64xf32, #tpu.memory_space<hbm>> -> memref<10000x64xf32, #tpu.memory_space<hbm>>
      tpu.enqueue_indirect_dma source(%dma_start3A_277 : memref<10000x64xf32, #tpu.memory_space<hbm>>) target(%arg13 : memref<80x64xf32, #tpu.memory_space<vmem>>) offsets(%dma_start3A_274 : memref<80xi32, #tpu.memory_space<vmem>>) semaphore(%arg18 : memref<!tpu.dma_semaphore, #tpu.memory_space<semaphore_mem>>)
    }
    %scan3A_37 = arith.constant 24 : i32
    %dma_wait3A = arith.constant 0 : i32
    %dma_wait3A_38 = tpu.memref_slice %arg7[%dma_wait3A] : memref<10000xi32, #tpu.memory_space<vmem>> -> memref<80xi32, #tpu.memory_space<vmem>>
    %dma_wait3A_39 = arith.constant 0 : i32
    %dma_wait3A_40 = arith.constant 0 : i32
    %dma_wait3A_41 = tpu.memref_slice %arg2[%dma_wait3A_39, %dma_wait3A_40] : memref<10000x64xf32, #tpu.memory_space<hbm>> -> memref<10000x64xf32, #tpu.memory_space<hbm>>
    tpu.wait_indirect_dma semaphore(%arg14 : memref<!tpu.dma_semaphore, #tpu.memory_space<semaphore_mem>>) src(%dma_wait3A_41 : memref<10000x64xf32, #tpu.memory_space<hbm>>) dst(%arg9 : memref<80x64xf32, #tpu.memory_space<vmem>>)
    %dma_start3A_42 = arith.constant 9600 : i32
    %dma_start3A_43 = tpu.memref_slice %arg8[%dma_start3A_42] : memref<10000xi32, #tpu.memory_space<vmem>> -> memref<80xi32, #tpu.memory_space<vmem>>
    %dma_start3A_44 = arith.constant 0 : i32
    %dma_start3A_45 = arith.constant 0 : i32
    %dma_start3A_46 = tpu.memref_slice %arg24[%dma_start3A_44, %dma_start3A_45] : memref<10240x64xf32, #tpu.memory_space<vmem_shared>> -> memref<10240x64xf32, #tpu.memory_space<vmem_shared>>
    tpu.enqueue_indirect_dma source(%arg9 : memref<80x64xf32, #tpu.memory_space<vmem>>) target(%dma_start3A_46 : memref<10240x64xf32, #tpu.memory_space<vmem_shared>>) offsets(%dma_start3A_43 : memref<80xi32, #tpu.memory_space<vmem>>) semaphore(%arg19 : memref<!tpu.dma_semaphore, #tpu.memory_space<semaphore_mem>>) {add = true}
    %dma_wait3A_47 = arith.constant 0 : i32
    %dma_wait3A_48 = tpu.memref_slice %arg7[%dma_wait3A_47] : memref<10000xi32, #tpu.memory_space<vmem>> -> memref<80xi32, #tpu.memory_space<vmem>>
    %dma_wait3A_49 = arith.constant 0 : i32
    %dma_wait3A_50 = arith.constant 0 : i32
    %dma_wait3A_51 = tpu.memref_slice %arg2[%dma_wait3A_49, %dma_wait3A_50] : memref<10000x64xf32, #tpu.memory_space<hbm>> -> memref<10000x64xf32, #tpu.memory_space<hbm>>
    tpu.wait_indirect_dma semaphore(%arg15 : memref<!tpu.dma_semaphore, #tpu.memory_space<semaphore_mem>>) src(%dma_wait3A_51 : memref<10000x64xf32, #tpu.memory_space<hbm>>) dst(%arg10 : memref<80x64xf32, #tpu.memory_space<vmem>>)
    %dma_start3A_52 = arith.constant 9680 : i32
    %dma_start3A_53 = tpu.memref_slice %arg8[%dma_start3A_52] : memref<10000xi32, #tpu.memory_space<vmem>> -> memref<80xi32, #tpu.memory_space<vmem>>
    %dma_start3A_54 = arith.constant 0 : i32
    %dma_start3A_55 = arith.constant 0 : i32
    %dma_start3A_56 = tpu.memref_slice %arg24[%dma_start3A_54, %dma_start3A_55] : memref<10240x64xf32, #tpu.memory_space<vmem_shared>> -> memref<10240x64xf32, #tpu.memory_space<vmem_shared>>
    tpu.enqueue_indirect_dma source(%arg10 : memref<80x64xf32, #tpu.memory_space<vmem>>) target(%dma_start3A_56 : memref<10240x64xf32, #tpu.memory_space<vmem_shared>>) offsets(%dma_start3A_53 : memref<80xi32, #tpu.memory_space<vmem>>) semaphore(%arg20 : memref<!tpu.dma_semaphore, #tpu.memory_space<semaphore_mem>>) {add = true}
    %dma_wait3A_57 = arith.constant 0 : i32
    %dma_wait3A_58 = tpu.memref_slice %arg7[%dma_wait3A_57] : memref<10000xi32, #tpu.memory_space<vmem>> -> memref<80xi32, #tpu.memory_space<vmem>>
    %dma_wait3A_59 = arith.constant 0 : i32
    %dma_wait3A_60 = arith.constant 0 : i32
    %dma_wait3A_61 = tpu.memref_slice %arg2[%dma_wait3A_59, %dma_wait3A_60] : memref<10000x64xf32, #tpu.memory_space<hbm>> -> memref<10000x64xf32, #tpu.memory_space<hbm>>
    tpu.wait_indirect_dma semaphore(%arg16 : memref<!tpu.dma_semaphore, #tpu.memory_space<semaphore_mem>>) src(%dma_wait3A_61 : memref<10000x64xf32, #tpu.memory_space<hbm>>) dst(%arg11 : memref<80x64xf32, #tpu.memory_space<vmem>>)
    %dma_start3A_62 = arith.constant 9760 : i32
    %dma_start3A_63 = tpu.memref_slice %arg8[%dma_start3A_62] : memref<10000xi32, #tpu.memory_space<vmem>> -> memref<80xi32, #tpu.memory_space<vmem>>
    %dma_start3A_64 = arith.constant 0 : i32
    %dma_start3A_65 = arith.constant 0 : i32
    %dma_start3A_66 = tpu.memref_slice %arg24[%dma_start3A_64, %dma_start3A_65] : memref<10240x64xf32, #tpu.memory_space<vmem_shared>> -> memref<10240x64xf32, #tpu.memory_space<vmem_shared>>
    tpu.enqueue_indirect_dma source(%arg11 : memref<80x64xf32, #tpu.memory_space<vmem>>) target(%dma_start3A_66 : memref<10240x64xf32, #tpu.memory_space<vmem_shared>>) offsets(%dma_start3A_63 : memref<80xi32, #tpu.memory_space<vmem>>) semaphore(%arg21 : memref<!tpu.dma_semaphore, #tpu.memory_space<semaphore_mem>>) {add = true}
    %dma_wait3A_67 = arith.constant 0 : i32
    %dma_wait3A_68 = tpu.memref_slice %arg7[%dma_wait3A_67] : memref<10000xi32, #tpu.memory_space<vmem>> -> memref<80xi32, #tpu.memory_space<vmem>>
    %dma_wait3A_69 = arith.constant 0 : i32
    %dma_wait3A_70 = arith.constant 0 : i32
    %dma_wait3A_71 = tpu.memref_slice %arg2[%dma_wait3A_69, %dma_wait3A_70] : memref<10000x64xf32, #tpu.memory_space<hbm>> -> memref<10000x64xf32, #tpu.memory_space<hbm>>
    tpu.wait_indirect_dma semaphore(%arg17 : memref<!tpu.dma_semaphore, #tpu.memory_space<semaphore_mem>>) src(%dma_wait3A_71 : memref<10000x64xf32, #tpu.memory_space<hbm>>) dst(%arg12 : memref<80x64xf32, #tpu.memory_space<vmem>>)
    %dma_start3A_72 = arith.constant 9840 : i32
    %dma_start3A_73 = tpu.memref_slice %arg8[%dma_start3A_72] : memref<10000xi32, #tpu.memory_space<vmem>> -> memref<80xi32, #tpu.memory_space<vmem>>
    %dma_start3A_74 = arith.constant 0 : i32
    %dma_start3A_75 = arith.constant 0 : i32
    %dma_start3A_76 = tpu.memref_slice %arg24[%dma_start3A_74, %dma_start3A_75] : memref<10240x64xf32, #tpu.memory_space<vmem_shared>> -> memref<10240x64xf32, #tpu.memory_space<vmem_shared>>
    tpu.enqueue_indirect_dma source(%arg12 : memref<80x64xf32, #tpu.memory_space<vmem>>) target(%dma_start3A_76 : memref<10240x64xf32, #tpu.memory_space<vmem_shared>>) offsets(%dma_start3A_73 : memref<80xi32, #tpu.memory_space<vmem>>) semaphore(%arg22 : memref<!tpu.dma_semaphore, #tpu.memory_space<semaphore_mem>>) {add = true}
    %dma_wait3A_77 = arith.constant 0 : i32
    %dma_wait3A_78 = tpu.memref_slice %arg7[%dma_wait3A_77] : memref<10000xi32, #tpu.memory_space<vmem>> -> memref<80xi32, #tpu.memory_space<vmem>>
    %dma_wait3A_79 = arith.constant 0 : i32
    %dma_wait3A_80 = arith.constant 0 : i32
    %dma_wait3A_81 = tpu.memref_slice %arg2[%dma_wait3A_79, %dma_wait3A_80] : memref<10000x64xf32, #tpu.memory_space<hbm>> -> memref<10000x64xf32, #tpu.memory_space<hbm>>
    tpu.wait_indirect_dma semaphore(%arg18 : memref<!tpu.dma_semaphore, #tpu.memory_space<semaphore_mem>>) src(%dma_wait3A_81 : memref<10000x64xf32, #tpu.memory_space<hbm>>) dst(%arg13 : memref<80x64xf32, #tpu.memory_space<vmem>>)
    %dma_start3A_82 = arith.constant 9920 : i32
    %dma_start3A_83 = tpu.memref_slice %arg8[%dma_start3A_82] : memref<10000xi32, #tpu.memory_space<vmem>> -> memref<80xi32, #tpu.memory_space<vmem>>
    %dma_start3A_84 = arith.constant 0 : i32
    %dma_start3A_85 = arith.constant 0 : i32
    %dma_start3A_86 = tpu.memref_slice %arg24[%dma_start3A_84, %dma_start3A_85] : memref<10240x64xf32, #tpu.memory_space<vmem_shared>> -> memref<10240x64xf32, #tpu.memory_space<vmem_shared>>
    tpu.enqueue_indirect_dma source(%arg13 : memref<80x64xf32, #tpu.memory_space<vmem>>) target(%dma_start3A_86 : memref<10240x64xf32, #tpu.memory_space<vmem_shared>>) offsets(%dma_start3A_83 : memref<80xi32, #tpu.memory_space<vmem>>) semaphore(%arg23 : memref<!tpu.dma_semaphore, #tpu.memory_space<semaphore_mem>>) {add = true}
    %dma_wait3A_87 = arith.constant 0 : i32
    %dma_wait3A_88 = tpu.memref_slice %arg8[%dma_wait3A_87] : memref<10000xi32, #tpu.memory_space<vmem>> -> memref<80xi32, #tpu.memory_space<vmem>>
    %dma_wait3A_89 = arith.constant 0 : i32
    %dma_wait3A_90 = arith.constant 0 : i32
    %dma_wait3A_91 = tpu.memref_slice %arg24[%dma_wait3A_89, %dma_wait3A_90] : memref<10240x64xf32, #tpu.memory_space<vmem_shared>> -> memref<10240x64xf32, #tpu.memory_space<vmem_shared>>
    tpu.wait_indirect_dma semaphore(%arg19 : memref<!tpu.dma_semaphore, #tpu.memory_space<semaphore_mem>>) src(%arg9 : memref<80x64xf32, #tpu.memory_space<vmem>>) dst(%dma_wait3A_91 : memref<10240x64xf32, #tpu.memory_space<vmem_shared>>)
    %dma_wait3A_92 = arith.constant 0 : i32
    %dma_wait3A_93 = tpu.memref_slice %arg8[%dma_wait3A_92] : memref<10000xi32, #tpu.memory_space<vmem>> -> memref<80xi32, #tpu.memory_space<vmem>>
    %dma_wait3A_94 = arith.constant 0 : i32
    %dma_wait3A_95 = arith.constant 0 : i32
    %dma_wait3A_96 = tpu.memref_slice %arg24[%dma_wait3A_94, %dma_wait3A_95] : memref<10240x64xf32, #tpu.memory_space<vmem_shared>> -> memref<10240x64xf32, #tpu.memory_space<vmem_shared>>
    tpu.wait_indirect_dma semaphore(%arg20 : memref<!tpu.dma_semaphore, #tpu.memory_space<semaphore_mem>>) src(%arg10 : memref<80x64xf32, #tpu.memory_space<vmem>>) dst(%dma_wait3A_96 : memref<10240x64xf32, #tpu.memory_space<vmem_shared>>)
    %dma_wait3A_97 = arith.constant 0 : i32
    %dma_wait3A_98 = tpu.memref_slice %arg8[%dma_wait3A_97] : memref<10000xi32, #tpu.memory_space<vmem>> -> memref<80xi32, #tpu.memory_space<vmem>>
    %dma_wait3A_99 = arith.constant 0 : i32
    %dma_wait3A_100 = arith.constant 0 : i32
    %dma_wait3A_101 = tpu.memref_slice %arg24[%dma_wait3A_99, %dma_wait3A_100] : memref<10240x64xf32, #tpu.memory_space<vmem_shared>> -> memref<10240x64xf32, #tpu.memory_space<vmem_shared>>
    tpu.wait_indirect_dma semaphore(%arg21 : memref<!tpu.dma_semaphore, #tpu.memory_space<semaphore_mem>>) src(%arg11 : memref<80x64xf32, #tpu.memory_space<vmem>>) dst(%dma_wait3A_101 : memref<10240x64xf32, #tpu.memory_space<vmem_shared>>)
    %dma_wait3A_102 = arith.constant 0 : i32
    %dma_wait3A_103 = tpu.memref_slice %arg8[%dma_wait3A_102] : memref<10000xi32, #tpu.memory_space<vmem>> -> memref<80xi32, #tpu.memory_space<vmem>>
    %dma_wait3A_104 = arith.constant 0 : i32
    %dma_wait3A_105 = arith.constant 0 : i32
    %dma_wait3A_106 = tpu.memref_slice %arg24[%dma_wait3A_104, %dma_wait3A_105] : memref<10240x64xf32, #tpu.memory_space<vmem_shared>> -> memref<10240x64xf32, #tpu.memory_space<vmem_shared>>
    tpu.wait_indirect_dma semaphore(%arg22 : memref<!tpu.dma_semaphore, #tpu.memory_space<semaphore_mem>>) src(%arg12 : memref<80x64xf32, #tpu.memory_space<vmem>>) dst(%dma_wait3A_106 : memref<10240x64xf32, #tpu.memory_space<vmem_shared>>)
    %dma_wait3A_107 = arith.constant 0 : i32
    %dma_wait3A_108 = tpu.memref_slice %arg8[%dma_wait3A_107] : memref<10000xi32, #tpu.memory_space<vmem>> -> memref<80xi32, #tpu.memory_space<vmem>>
    %dma_wait3A_109 = arith.constant 0 : i32
    %dma_wait3A_110 = arith.constant 0 : i32
    %dma_wait3A_111 = tpu.memref_slice %arg24[%dma_wait3A_109, %dma_wait3A_110] : memref<10240x64xf32, #tpu.memory_space<vmem_shared>> -> memref<10240x64xf32, #tpu.memory_space<vmem_shared>>
    tpu.wait_indirect_dma semaphore(%arg23 : memref<!tpu.dma_semaphore, #tpu.memory_space<semaphore_mem>>) src(%arg13 : memref<80x64xf32, #tpu.memory_space<vmem>>) dst(%dma_wait3A_111 : memref<10240x64xf32, #tpu.memory_space<vmem_shared>>)
    %barrier3A_112 = arith.constant 0 : index
    tpu.barrier barrier_id(%barrier3A_112)
    %mul3A_113 = arith.constant 640 : i32
    %mul3A_114 = arith.muli %arg1, %mul3A_113 : i32
    %mul3A_115 = arith.constant 640 : i32
    %mul3A_116 = arith.muli %arg1, %mul3A_115 : i32
    "tpu.region"() ({
      %run_scoped3A = tpu.sem_alloc : memref<!tpu.dma_semaphore, #tpu.memory_space<semaphore_mem>>
      %dma_start3A_117 = arith.constant 0 : i32
      %dma_start3A_118 = tpu.memref_slice %arg6[%arg0, %mul3A_116, %dma_start3A_117] : memref<2x10240x64xf32, #tpu.memory_space<hbm>> -> memref<1x640x64xf32, #tpu.memory_space<hbm>>
      %dma_start3A_119 = tpu.memref_squeeze %dma_start3A_118 : memref<1x640x64xf32, #tpu.memory_space<hbm>> -> memref<640x64xf32, #tpu.memory_space<hbm>>
      %dma_start3A_120 = arith.constant 0 : i32
      %dma_start3A_121 = tpu.memref_slice %arg24[%mul3A_114, %dma_start3A_120] : memref<10240x64xf32, #tpu.memory_space<vmem_shared>> -> memref<640x64xf32, #tpu.memory_space<vmem_shared>>
      tpu.enqueue_dma source(%dma_start3A_121 : memref<640x64xf32, #tpu.memory_space<vmem_shared>>) target(%dma_start3A_119 : memref<640x64xf32, #tpu.memory_space<hbm>>) target_semaphore(%run_scoped3A : memref<!tpu.dma_semaphore, #tpu.memory_space<semaphore_mem>>)
      %dma_wait3A_122 = arith.constant 0 : i32
      %dma_wait3A_123 = tpu.memref_slice %arg6[%arg0, %mul3A_116, %dma_wait3A_122] : memref<2x10240x64xf32, #tpu.memory_space<hbm>> -> memref<1x640x64xf32, #tpu.memory_space<hbm>>
      %dma_wait3A_124 = tpu.memref_squeeze %dma_wait3A_123 : memref<1x640x64xf32, #tpu.memory_space<hbm>> -> memref<640x64xf32, #tpu.memory_space<hbm>>
      %dma_wait3A_125 = arith.constant 0 : i32
      %dma_wait3A_126 = tpu.memref_slice %arg24[%mul3A_114, %dma_wait3A_125] : memref<10240x64xf32, #tpu.memory_space<vmem_shared>> -> memref<640x64xf32, #tpu.memory_space<vmem_shared>>
      tpu.wait_dma2 semaphore(%run_scoped3A : memref<!tpu.dma_semaphore, #tpu.memory_space<semaphore_mem>>) src(%dma_wait3A_126 : memref<640x64xf32, #tpu.memory_space<vmem_shared>>) dst(%dma_wait3A_124 : memref<640x64xf32, #tpu.memory_space<hbm>>)
      tpu.yield
    }) : () -> ()
    return
  }
}

#map = affine_map<(d0, d1) -> (0, 0)>
#map1 = affine_map<(d0, d1) -> (0)>
#map2 = affine_map<(d0, d1) -> (0, 0, 0)>
module attributes {stable_mosaic.version = 14 : i64} {
  func.func @_agg_kernel(%arg0: i32, %arg1: i32, %arg2: memref<10000x64xf32, #tpu.memory_space<hbm>>, %arg3: memref<320000xi32, #tpu.memory_space<hbm>>, %arg4: memref<320000xi32, #tpu.memory_space<hbm>>, %arg5: memref<10240x64xf32, #tpu.memory_space<hbm>>, %arg6: memref<2x10240x64xf32, #tpu.memory_space<hbm>>, %arg7: memref<10000xi32, #tpu.memory_space<vmem>>, %arg8: memref<10000xi32, #tpu.memory_space<vmem>>, %arg9: memref<80x64xf32, #tpu.memory_space<vmem>>, %arg10: memref<80x64xf32, #tpu.memory_space<vmem>>, %arg11: memref<80x64xf32, #tpu.memory_space<vmem>>, %arg12: memref<80x64xf32, #tpu.memory_space<vmem>>, %arg13: memref<80x64xf32, #tpu.memory_space<vmem>>, %arg14: memref<!tpu.dma_semaphore, #tpu.memory_space<semaphore_mem>>, %arg15: memref<!tpu.dma_semaphore, #tpu.memory_space<semaphore_mem>>, %arg16: memref<!tpu.dma_semaphore, #tpu.memory_space<semaphore_mem>>, %arg17: memref<!tpu.dma_semaphore, #tpu.memory_space<semaphore_mem>>, %arg18: memref<!tpu.dma_semaphore, #tpu.memory_space<semaphore_mem>>, %arg19: memref<!tpu.dma_semaphore, #tpu.memory_space<semaphore_mem>>, %arg20: memref<!tpu.dma_semaphore, #tpu.memory_space<semaphore_mem>>, %arg21: memref<!tpu.dma_semaphore, #tpu.memory_space<semaphore_mem>>, %arg22: memref<!tpu.dma_semaphore, #tpu.memory_space<semaphore_mem>>, %arg23: memref<!tpu.dma_semaphore, #tpu.memory_space<semaphore_mem>>, %arg24: memref<10240x64xf32, #tpu.memory_space<vmem_shared>>) attributes {dimension_semantics = [#tpu.dimension_semantics<core_parallel>, #tpu.dimension_semantics<subcore_parallel>], iteration_bounds = array<i64: 2, 16>, scalar_prefetch = 0 : i64, scratch_operands = 18 : i64, tpu.core_type = #tpu.core_type<sc_vector_subcore>, window_params = [{transform_indices = #map}, {transform_indices = #map1}, {transform_indices = #map1}, {transform_indices = #map}, {transform_indices = #map2}]} {
    %mul3A = arith.constant 2 : i32
    %mul3A_0 = arith.muli %arg1, %mul3A : i32
    %add3A = arith.addi %mul3A_0, %arg0 : i32
    %mul3A_1 = arith.constant 640 : i32
    %mul3A_2 = arith.muli %arg1, %mul3A_1 : i32
    %mul3A_3 = arith.constant 640 : i32
    %mul3A_4 = arith.muli %arg1, %mul3A_3 : i32
    "tpu.region"() ({
      %run_scoped3A = tpu.sem_alloc : memref<!tpu.dma_semaphore, #tpu.memory_space<semaphore_mem>>
      %dma_start3A_117 = arith.constant 0 : i32
      %dma_start3A_118 = tpu.memref_slice %arg24[%mul3A_4, %dma_start3A_117] : memref<10240x64xf32, #tpu.memory_space<vmem_shared>> -> memref<640x64xf32, #tpu.memory_space<vmem_shared>>
      %dma_start3A_119 = arith.constant 0 : i32
      %dma_start3A_120 = tpu.memref_slice %arg5[%mul3A_2, %dma_start3A_119] : memref<10240x64xf32, #tpu.memory_space<hbm>> -> memref<640x64xf32, #tpu.memory_space<hbm>>
      tpu.enqueue_dma source(%dma_start3A_120 : memref<640x64xf32, #tpu.memory_space<hbm>>) target(%dma_start3A_118 : memref<640x64xf32, #tpu.memory_space<vmem_shared>>) target_semaphore(%run_scoped3A : memref<!tpu.dma_semaphore, #tpu.memory_space<semaphore_mem>>)
      %dma_wait3A_121 = arith.constant 0 : i32
      %dma_wait3A_122 = tpu.memref_slice %arg24[%mul3A_4, %dma_wait3A_121] : memref<10240x64xf32, #tpu.memory_space<vmem_shared>> -> memref<640x64xf32, #tpu.memory_space<vmem_shared>>
      %dma_wait3A_123 = arith.constant 0 : i32
      %dma_wait3A_124 = tpu.memref_slice %arg5[%mul3A_2, %dma_wait3A_123] : memref<10240x64xf32, #tpu.memory_space<hbm>> -> memref<640x64xf32, #tpu.memory_space<hbm>>
      tpu.wait_dma2 semaphore(%run_scoped3A : memref<!tpu.dma_semaphore, #tpu.memory_space<semaphore_mem>>) src(%dma_wait3A_124 : memref<640x64xf32, #tpu.memory_space<hbm>>) dst(%dma_wait3A_122 : memref<640x64xf32, #tpu.memory_space<vmem_shared>>)
      tpu.yield
    }) : () -> ()
    %mul3A_5 = arith.constant 10000 : i32
    %mul3A_6 = arith.muli %add3A, %mul3A_5 : i32
    "tpu.region"() ({
      %run_scoped3A = tpu.sem_alloc : memref<!tpu.dma_semaphore, #tpu.memory_space<semaphore_mem>>
      %dma_start3A_117 = tpu.memref_slice %arg3[%mul3A_6] : memref<320000xi32, #tpu.memory_space<hbm>> -> memref<10000xi32, #tpu.memory_space<hbm>>
      %dma_start3A_118 = tpu.memref_slice %arg3[%mul3A_6] : memref<320000xi32, #tpu.memory_space<hbm>> -> memref<10000xi32, #tpu.memory_space<hbm>>
      tpu.enqueue_dma source(%dma_start3A_118 : memref<10000xi32, #tpu.memory_space<hbm>>) target(%arg7 : memref<10000xi32, #tpu.memory_space<vmem>>) target_semaphore(%run_scoped3A : memref<!tpu.dma_semaphore, #tpu.memory_space<semaphore_mem>>)
      %dma_wait3A_119 = tpu.memref_slice %arg3[%mul3A_6] : memref<320000xi32, #tpu.memory_space<hbm>> -> memref<10000xi32, #tpu.memory_space<hbm>>
      %dma_wait3A_120 = tpu.memref_slice %arg3[%mul3A_6] : memref<320000xi32, #tpu.memory_space<hbm>> -> memref<10000xi32, #tpu.memory_space<hbm>>
      tpu.wait_dma2 semaphore(%run_scoped3A : memref<!tpu.dma_semaphore, #tpu.memory_space<semaphore_mem>>) src(%dma_wait3A_120 : memref<10000xi32, #tpu.memory_space<hbm>>) dst(%arg7 : memref<10000xi32, #tpu.memory_space<vmem>>)
      tpu.yield
    }) : () -> ()
    %mul3A_7 = arith.constant 10000 : i32
    %mul3A_8 = arith.muli %add3A, %mul3A_7 : i32
    "tpu.region"() ({
      %run_scoped3A = tpu.sem_alloc : memref<!tpu.dma_semaphore, #tpu.memory_space<semaphore_mem>>
      %dma_start3A_117 = tpu.memref_slice %arg4[%mul3A_8] : memref<320000xi32, #tpu.memory_space<hbm>> -> memref<10000xi32, #tpu.memory_space<hbm>>
      %dma_start3A_118 = tpu.memref_slice %arg4[%mul3A_8] : memref<320000xi32, #tpu.memory_space<hbm>> -> memref<10000xi32, #tpu.memory_space<hbm>>
      tpu.enqueue_dma source(%dma_start3A_118 : memref<10000xi32, #tpu.memory_space<hbm>>) target(%arg8 : memref<10000xi32, #tpu.memory_space<vmem>>) target_semaphore(%run_scoped3A : memref<!tpu.dma_semaphore, #tpu.memory_space<semaphore_mem>>)
      %dma_wait3A_119 = tpu.memref_slice %arg4[%mul3A_8] : memref<320000xi32, #tpu.memory_space<hbm>> -> memref<10000xi32, #tpu.memory_space<hbm>>
      %dma_wait3A_120 = tpu.memref_slice %arg4[%mul3A_8] : memref<320000xi32, #tpu.memory_space<hbm>> -> memref<10000xi32, #tpu.memory_space<hbm>>
      tpu.wait_dma2 semaphore(%run_scoped3A : memref<!tpu.dma_semaphore, #tpu.memory_space<semaphore_mem>>) src(%dma_wait3A_120 : memref<10000xi32, #tpu.memory_space<hbm>>) dst(%arg8 : memref<10000xi32, #tpu.memory_space<vmem>>)
      tpu.yield
    }) : () -> ()
    %barrier3A = arith.constant 0 : index
    tpu.barrier barrier_id(%barrier3A)
    %dma_start3A = arith.constant 0 : i32
    %dma_start3A_9 = tpu.memref_slice %arg7[%dma_start3A] : memref<10000xi32, #tpu.memory_space<vmem>> -> memref<80xi32, #tpu.memory_space<vmem>>
    %dma_start3A_10 = arith.constant 0 : i32
    %dma_start3A_11 = arith.constant 0 : i32
    %dma_start3A_12 = tpu.memref_slice %arg2[%dma_start3A_10, %dma_start3A_11] : memref<10000x64xf32, #tpu.memory_space<hbm>> -> memref<10000x64xf32, #tpu.memory_space<hbm>>
    tpu.enqueue_indirect_dma source(%dma_start3A_12 : memref<10000x64xf32, #tpu.memory_space<hbm>>) target(%arg9 : memref<80x64xf32, #tpu.memory_space<vmem>>) offsets(%dma_start3A_9 : memref<80xi32, #tpu.memory_space<vmem>>) semaphore(%arg14 : memref<!tpu.dma_semaphore, #tpu.memory_space<semaphore_mem>>)
    %dma_start3A_13 = arith.constant 80 : i32
    %dma_start3A_14 = tpu.memref_slice %arg7[%dma_start3A_13] : memref<10000xi32, #tpu.memory_space<vmem>> -> memref<80xi32, #tpu.memory_space<vmem>>
    %dma_start3A_15 = arith.constant 0 : i32
    %dma_start3A_16 = arith.constant 0 : i32
    %dma_start3A_17 = tpu.memref_slice %arg2[%dma_start3A_15, %dma_start3A_16] : memref<10000x64xf32, #tpu.memory_space<hbm>> -> memref<10000x64xf32, #tpu.memory_space<hbm>>
    tpu.enqueue_indirect_dma source(%dma_start3A_17 : memref<10000x64xf32, #tpu.memory_space<hbm>>) target(%arg10 : memref<80x64xf32, #tpu.memory_space<vmem>>) offsets(%dma_start3A_14 : memref<80xi32, #tpu.memory_space<vmem>>) semaphore(%arg15 : memref<!tpu.dma_semaphore, #tpu.memory_space<semaphore_mem>>)
    %dma_start3A_18 = arith.constant 160 : i32
    %dma_start3A_19 = tpu.memref_slice %arg7[%dma_start3A_18] : memref<10000xi32, #tpu.memory_space<vmem>> -> memref<80xi32, #tpu.memory_space<vmem>>
    %dma_start3A_20 = arith.constant 0 : i32
    %dma_start3A_21 = arith.constant 0 : i32
    %dma_start3A_22 = tpu.memref_slice %arg2[%dma_start3A_20, %dma_start3A_21] : memref<10000x64xf32, #tpu.memory_space<hbm>> -> memref<10000x64xf32, #tpu.memory_space<hbm>>
    tpu.enqueue_indirect_dma source(%dma_start3A_22 : memref<10000x64xf32, #tpu.memory_space<hbm>>) target(%arg11 : memref<80x64xf32, #tpu.memory_space<vmem>>) offsets(%dma_start3A_19 : memref<80xi32, #tpu.memory_space<vmem>>) semaphore(%arg16 : memref<!tpu.dma_semaphore, #tpu.memory_space<semaphore_mem>>)
    %dma_start3A_23 = arith.constant 240 : i32
    %dma_start3A_24 = tpu.memref_slice %arg7[%dma_start3A_23] : memref<10000xi32, #tpu.memory_space<vmem>> -> memref<80xi32, #tpu.memory_space<vmem>>
    %dma_start3A_25 = arith.constant 0 : i32
    %dma_start3A_26 = arith.constant 0 : i32
    %dma_start3A_27 = tpu.memref_slice %arg2[%dma_start3A_25, %dma_start3A_26] : memref<10000x64xf32, #tpu.memory_space<hbm>> -> memref<10000x64xf32, #tpu.memory_space<hbm>>
    tpu.enqueue_indirect_dma source(%dma_start3A_27 : memref<10000x64xf32, #tpu.memory_space<hbm>>) target(%arg12 : memref<80x64xf32, #tpu.memory_space<vmem>>) offsets(%dma_start3A_24 : memref<80xi32, #tpu.memory_space<vmem>>) semaphore(%arg17 : memref<!tpu.dma_semaphore, #tpu.memory_space<semaphore_mem>>)
    %dma_start3A_28 = arith.constant 320 : i32
    %dma_start3A_29 = tpu.memref_slice %arg7[%dma_start3A_28] : memref<10000xi32, #tpu.memory_space<vmem>> -> memref<80xi32, #tpu.memory_space<vmem>>
    %dma_start3A_30 = arith.constant 0 : i32
    %dma_start3A_31 = arith.constant 0 : i32
    %dma_start3A_32 = tpu.memref_slice %arg2[%dma_start3A_30, %dma_start3A_31] : memref<10000x64xf32, #tpu.memory_space<hbm>> -> memref<10000x64xf32, #tpu.memory_space<hbm>>
    tpu.enqueue_indirect_dma source(%dma_start3A_32 : memref<10000x64xf32, #tpu.memory_space<hbm>>) target(%arg13 : memref<80x64xf32, #tpu.memory_space<vmem>>) offsets(%dma_start3A_29 : memref<80xi32, #tpu.memory_space<vmem>>) semaphore(%arg18 : memref<!tpu.dma_semaphore, #tpu.memory_space<semaphore_mem>>)
    %scan3A = arith.constant 0 : i32
    %scan3A_33 = arith.constant 0 : i32
    %scan3A_34 = arith.constant 24 : i32
    %scan3A_35 = arith.addi %scan3A_33, %scan3A_34 : i32
    %scan3A_36 = arith.constant 1 : i32
    scf.for %scan3A_117 = %scan3A_33 to %scan3A_35 step %scan3A_36  : i32 {
      %dma_wait3A_118 = arith.constant 0 : i32
      %dma_wait3A_119 = tpu.memref_slice %arg7[%dma_wait3A_118] : memref<10000xi32, #tpu.memory_space<vmem>> -> memref<80xi32, #tpu.memory_space<vmem>>
      %dma_wait3A_120 = arith.constant 0 : i32
      %dma_wait3A_121 = arith.constant 0 : i32
      %dma_wait3A_122 = tpu.memref_slice %arg2[%dma_wait3A_120, %dma_wait3A_121] : memref<10000x64xf32, #tpu.memory_space<hbm>> -> memref<10000x64xf32, #tpu.memory_space<hbm>>
      tpu.wait_indirect_dma semaphore(%arg14 : memref<!tpu.dma_semaphore, #tpu.memory_space<semaphore_mem>>) src(%dma_wait3A_122 : memref<10000x64xf32, #tpu.memory_space<hbm>>) dst(%arg9 : memref<80x64xf32, #tpu.memory_space<vmem>>)
      %mul3A_123 = arith.constant 5 : i32
      %mul3A_124 = arith.muli %scan3A_117, %mul3A_123 : i32
      %add3A_125 = arith.constant 0 : i32
      %add3A_126 = arith.addi %mul3A_124, %add3A_125 : i32
      %mul3A_127 = arith.constant 80 : i32
      %mul3A_128 = arith.muli %add3A_126, %mul3A_127 : i32
      %dma_start3A_129 = tpu.memref_slice %arg8[%mul3A_128] : memref<10000xi32, #tpu.memory_space<vmem>> -> memref<80xi32, #tpu.memory_space<vmem>>
      %dma_start3A_130 = arith.constant 0 : i32
      %dma_start3A_131 = arith.constant 0 : i32
      %dma_start3A_132 = tpu.memref_slice %arg24[%dma_start3A_130, %dma_start3A_131] : memref<10240x64xf32, #tpu.memory_space<vmem_shared>> -> memref<10240x64xf32, #tpu.memory_space<vmem_shared>>
      tpu.enqueue_indirect_dma source(%arg9 : memref<80x64xf32, #tpu.memory_space<vmem>>) target(%dma_start3A_132 : memref<10240x64xf32, #tpu.memory_space<vmem_shared>>) offsets(%dma_start3A_129 : memref<80xi32, #tpu.memory_space<vmem>>) semaphore(%arg19 : memref<!tpu.dma_semaphore, #tpu.memory_space<semaphore_mem>>) {add = true}
      %dma_wait3A_133 = arith.constant 0 : i32
      %dma_wait3A_134 = tpu.memref_slice %arg7[%dma_wait3A_133] : memref<10000xi32, #tpu.memory_space<vmem>> -> memref<80xi32, #tpu.memory_space<vmem>>
      %dma_wait3A_135 = arith.constant 0 : i32
      %dma_wait3A_136 = arith.constant 0 : i32
      %dma_wait3A_137 = tpu.memref_slice %arg2[%dma_wait3A_135, %dma_wait3A_136] : memref<10000x64xf32, #tpu.memory_space<hbm>> -> memref<10000x64xf32, #tpu.memory_space<hbm>>
      tpu.wait_indirect_dma semaphore(%arg15 : memref<!tpu.dma_semaphore, #tpu.memory_space<semaphore_mem>>) src(%dma_wait3A_137 : memref<10000x64xf32, #tpu.memory_space<hbm>>) dst(%arg10 : memref<80x64xf32, #tpu.memory_space<vmem>>)
      %mul3A_138 = arith.constant 5 : i32
      %mul3A_139 = arith.muli %scan3A_117, %mul3A_138 : i32
      %add3A_140 = arith.constant 1 : i32
      %add3A_141 = arith.addi %mul3A_139, %add3A_140 : i32
      %mul3A_142 = arith.constant 80 : i32
      %mul3A_143 = arith.muli %add3A_141, %mul3A_142 : i32
      %dma_start3A_144 = tpu.memref_slice %arg8[%mul3A_143] : memref<10000xi32, #tpu.memory_space<vmem>> -> memref<80xi32, #tpu.memory_space<vmem>>
      %dma_start3A_145 = arith.constant 0 : i32
      %dma_start3A_146 = arith.constant 0 : i32
      %dma_start3A_147 = tpu.memref_slice %arg24[%dma_start3A_145, %dma_start3A_146] : memref<10240x64xf32, #tpu.memory_space<vmem_shared>> -> memref<10240x64xf32, #tpu.memory_space<vmem_shared>>
      tpu.enqueue_indirect_dma source(%arg10 : memref<80x64xf32, #tpu.memory_space<vmem>>) target(%dma_start3A_147 : memref<10240x64xf32, #tpu.memory_space<vmem_shared>>) offsets(%dma_start3A_144 : memref<80xi32, #tpu.memory_space<vmem>>) semaphore(%arg20 : memref<!tpu.dma_semaphore, #tpu.memory_space<semaphore_mem>>) {add = true}
      %dma_wait3A_148 = arith.constant 0 : i32
      %dma_wait3A_149 = tpu.memref_slice %arg7[%dma_wait3A_148] : memref<10000xi32, #tpu.memory_space<vmem>> -> memref<80xi32, #tpu.memory_space<vmem>>
      %dma_wait3A_150 = arith.constant 0 : i32
      %dma_wait3A_151 = arith.constant 0 : i32
      %dma_wait3A_152 = tpu.memref_slice %arg2[%dma_wait3A_150, %dma_wait3A_151] : memref<10000x64xf32, #tpu.memory_space<hbm>> -> memref<10000x64xf32, #tpu.memory_space<hbm>>
      tpu.wait_indirect_dma semaphore(%arg16 : memref<!tpu.dma_semaphore, #tpu.memory_space<semaphore_mem>>) src(%dma_wait3A_152 : memref<10000x64xf32, #tpu.memory_space<hbm>>) dst(%arg11 : memref<80x64xf32, #tpu.memory_space<vmem>>)
      %mul3A_153 = arith.constant 5 : i32
      %mul3A_154 = arith.muli %scan3A_117, %mul3A_153 : i32
      %add3A_155 = arith.constant 2 : i32
      %add3A_156 = arith.addi %mul3A_154, %add3A_155 : i32
      %mul3A_157 = arith.constant 80 : i32
      %mul3A_158 = arith.muli %add3A_156, %mul3A_157 : i32
      %dma_start3A_159 = tpu.memref_slice %arg8[%mul3A_158] : memref<10000xi32, #tpu.memory_space<vmem>> -> memref<80xi32, #tpu.memory_space<vmem>>
      %dma_start3A_160 = arith.constant 0 : i32
      %dma_start3A_161 = arith.constant 0 : i32
      %dma_start3A_162 = tpu.memref_slice %arg24[%dma_start3A_160, %dma_start3A_161] : memref<10240x64xf32, #tpu.memory_space<vmem_shared>> -> memref<10240x64xf32, #tpu.memory_space<vmem_shared>>
      tpu.enqueue_indirect_dma source(%arg11 : memref<80x64xf32, #tpu.memory_space<vmem>>) target(%dma_start3A_162 : memref<10240x64xf32, #tpu.memory_space<vmem_shared>>) offsets(%dma_start3A_159 : memref<80xi32, #tpu.memory_space<vmem>>) semaphore(%arg21 : memref<!tpu.dma_semaphore, #tpu.memory_space<semaphore_mem>>) {add = true}
      %dma_wait3A_163 = arith.constant 0 : i32
      %dma_wait3A_164 = tpu.memref_slice %arg7[%dma_wait3A_163] : memref<10000xi32, #tpu.memory_space<vmem>> -> memref<80xi32, #tpu.memory_space<vmem>>
      %dma_wait3A_165 = arith.constant 0 : i32
      %dma_wait3A_166 = arith.constant 0 : i32
      %dma_wait3A_167 = tpu.memref_slice %arg2[%dma_wait3A_165, %dma_wait3A_166] : memref<10000x64xf32, #tpu.memory_space<hbm>> -> memref<10000x64xf32, #tpu.memory_space<hbm>>
      tpu.wait_indirect_dma semaphore(%arg17 : memref<!tpu.dma_semaphore, #tpu.memory_space<semaphore_mem>>) src(%dma_wait3A_167 : memref<10000x64xf32, #tpu.memory_space<hbm>>) dst(%arg12 : memref<80x64xf32, #tpu.memory_space<vmem>>)
      %mul3A_168 = arith.constant 5 : i32
      %mul3A_169 = arith.muli %scan3A_117, %mul3A_168 : i32
      %add3A_170 = arith.constant 3 : i32
      %add3A_171 = arith.addi %mul3A_169, %add3A_170 : i32
      %mul3A_172 = arith.constant 80 : i32
      %mul3A_173 = arith.muli %add3A_171, %mul3A_172 : i32
      %dma_start3A_174 = tpu.memref_slice %arg8[%mul3A_173] : memref<10000xi32, #tpu.memory_space<vmem>> -> memref<80xi32, #tpu.memory_space<vmem>>
      %dma_start3A_175 = arith.constant 0 : i32
      %dma_start3A_176 = arith.constant 0 : i32
      %dma_start3A_177 = tpu.memref_slice %arg24[%dma_start3A_175, %dma_start3A_176] : memref<10240x64xf32, #tpu.memory_space<vmem_shared>> -> memref<10240x64xf32, #tpu.memory_space<vmem_shared>>
      tpu.enqueue_indirect_dma source(%arg12 : memref<80x64xf32, #tpu.memory_space<vmem>>) target(%dma_start3A_177 : memref<10240x64xf32, #tpu.memory_space<vmem_shared>>) offsets(%dma_start3A_174 : memref<80xi32, #tpu.memory_space<vmem>>) semaphore(%arg22 : memref<!tpu.dma_semaphore, #tpu.memory_space<semaphore_mem>>) {add = true}
      %dma_wait3A_178 = arith.constant 0 : i32
      %dma_wait3A_179 = tpu.memref_slice %arg7[%dma_wait3A_178] : memref<10000xi32, #tpu.memory_space<vmem>> -> memref<80xi32, #tpu.memory_space<vmem>>
      %dma_wait3A_180 = arith.constant 0 : i32
      %dma_wait3A_181 = arith.constant 0 : i32
      %dma_wait3A_182 = tpu.memref_slice %arg2[%dma_wait3A_180, %dma_wait3A_181] : memref<10000x64xf32, #tpu.memory_space<hbm>> -> memref<10000x64xf32, #tpu.memory_space<hbm>>
      tpu.wait_indirect_dma semaphore(%arg18 : memref<!tpu.dma_semaphore, #tpu.memory_space<semaphore_mem>>) src(%dma_wait3A_182 : memref<10000x64xf32, #tpu.memory_space<hbm>>) dst(%arg13 : memref<80x64xf32, #tpu.memory_space<vmem>>)
      %mul3A_183 = arith.constant 5 : i32
      %mul3A_184 = arith.muli %scan3A_117, %mul3A_183 : i32
      %add3A_185 = arith.constant 4 : i32
      %add3A_186 = arith.addi %mul3A_184, %add3A_185 : i32
      %mul3A_187 = arith.constant 80 : i32
      %mul3A_188 = arith.muli %add3A_186, %mul3A_187 : i32
      %dma_start3A_189 = tpu.memref_slice %arg8[%mul3A_188] : memref<10000xi32, #tpu.memory_space<vmem>> -> memref<80xi32, #tpu.memory_space<vmem>>
      %dma_start3A_190 = arith.constant 0 : i32
      %dma_start3A_191 = arith.constant 0 : i32
      %dma_start3A_192 = tpu.memref_slice %arg24[%dma_start3A_190, %dma_start3A_191] : memref<10240x64xf32, #tpu.memory_space<vmem_shared>> -> memref<10240x64xf32, #tpu.memory_space<vmem_shared>>
      tpu.enqueue_indirect_dma source(%arg13 : memref<80x64xf32, #tpu.memory_space<vmem>>) target(%dma_start3A_192 : memref<10240x64xf32, #tpu.memory_space<vmem_shared>>) offsets(%dma_start3A_189 : memref<80xi32, #tpu.memory_space<vmem>>) semaphore(%arg23 : memref<!tpu.dma_semaphore, #tpu.memory_space<semaphore_mem>>) {add = true}
      %dma_wait3A_193 = arith.constant 0 : i32
      %dma_wait3A_194 = tpu.memref_slice %arg8[%dma_wait3A_193] : memref<10000xi32, #tpu.memory_space<vmem>> -> memref<80xi32, #tpu.memory_space<vmem>>
      %dma_wait3A_195 = arith.constant 0 : i32
      %dma_wait3A_196 = arith.constant 0 : i32
      %dma_wait3A_197 = tpu.memref_slice %arg24[%dma_wait3A_195, %dma_wait3A_196] : memref<10240x64xf32, #tpu.memory_space<vmem_shared>> -> memref<10240x64xf32, #tpu.memory_space<vmem_shared>>
      tpu.wait_indirect_dma semaphore(%arg19 : memref<!tpu.dma_semaphore, #tpu.memory_space<semaphore_mem>>) src(%arg9 : memref<80x64xf32, #tpu.memory_space<vmem>>) dst(%dma_wait3A_197 : memref<10240x64xf32, #tpu.memory_space<vmem_shared>>)
      %add3A_198 = arith.constant 1 : i32
      %add3A_199 = arith.addi %scan3A_117, %add3A_198 : i32
      %mul3A_200 = arith.constant 5 : i32
      %mul3A_201 = arith.muli %add3A_199, %mul3A_200 : i32
      %add3A_202 = arith.constant 0 : i32
      %add3A_203 = arith.addi %mul3A_201, %add3A_202 : i32
      %mul3A_204 = arith.constant 80 : i32
      %mul3A_205 = arith.muli %add3A_203, %mul3A_204 : i32
      %dma_start3A_206 = tpu.memref_slice %arg7[%mul3A_205] : memref<10000xi32, #tpu.memory_space<vmem>> -> memref<80xi32, #tpu.memory_space<vmem>>
      %dma_start3A_207 = arith.constant 0 : i32
      %dma_start3A_208 = arith.constant 0 : i32
      %dma_start3A_209 = tpu.memref_slice %arg2[%dma_start3A_207, %dma_start3A_208] : memref<10000x64xf32, #tpu.memory_space<hbm>> -> memref<10000x64xf32, #tpu.memory_space<hbm>>
      tpu.enqueue_indirect_dma source(%dma_start3A_209 : memref<10000x64xf32, #tpu.memory_space<hbm>>) target(%arg9 : memref<80x64xf32, #tpu.memory_space<vmem>>) offsets(%dma_start3A_206 : memref<80xi32, #tpu.memory_space<vmem>>) semaphore(%arg14 : memref<!tpu.dma_semaphore, #tpu.memory_space<semaphore_mem>>)
      %dma_wait3A_210 = arith.constant 0 : i32
      %dma_wait3A_211 = tpu.memref_slice %arg8[%dma_wait3A_210] : memref<10000xi32, #tpu.memory_space<vmem>> -> memref<80xi32, #tpu.memory_space<vmem>>
      %dma_wait3A_212 = arith.constant 0 : i32
      %dma_wait3A_213 = arith.constant 0 : i32
      %dma_wait3A_214 = tpu.memref_slice %arg24[%dma_wait3A_212, %dma_wait3A_213] : memref<10240x64xf32, #tpu.memory_space<vmem_shared>> -> memref<10240x64xf32, #tpu.memory_space<vmem_shared>>
      tpu.wait_indirect_dma semaphore(%arg20 : memref<!tpu.dma_semaphore, #tpu.memory_space<semaphore_mem>>) src(%arg10 : memref<80x64xf32, #tpu.memory_space<vmem>>) dst(%dma_wait3A_214 : memref<10240x64xf32, #tpu.memory_space<vmem_shared>>)
      %add3A_215 = arith.constant 1 : i32
      %add3A_216 = arith.addi %scan3A_117, %add3A_215 : i32
      %mul3A_217 = arith.constant 5 : i32
      %mul3A_218 = arith.muli %add3A_216, %mul3A_217 : i32
      %add3A_219 = arith.constant 1 : i32
      %add3A_220 = arith.addi %mul3A_218, %add3A_219 : i32
      %mul3A_221 = arith.constant 80 : i32
      %mul3A_222 = arith.muli %add3A_220, %mul3A_221 : i32
      %dma_start3A_223 = tpu.memref_slice %arg7[%mul3A_222] : memref<10000xi32, #tpu.memory_space<vmem>> -> memref<80xi32, #tpu.memory_space<vmem>>
      %dma_start3A_224 = arith.constant 0 : i32
      %dma_start3A_225 = arith.constant 0 : i32
      %dma_start3A_226 = tpu.memref_slice %arg2[%dma_start3A_224, %dma_start3A_225] : memref<10000x64xf32, #tpu.memory_space<hbm>> -> memref<10000x64xf32, #tpu.memory_space<hbm>>
      tpu.enqueue_indirect_dma source(%dma_start3A_226 : memref<10000x64xf32, #tpu.memory_space<hbm>>) target(%arg10 : memref<80x64xf32, #tpu.memory_space<vmem>>) offsets(%dma_start3A_223 : memref<80xi32, #tpu.memory_space<vmem>>) semaphore(%arg15 : memref<!tpu.dma_semaphore, #tpu.memory_space<semaphore_mem>>)
      %dma_wait3A_227 = arith.constant 0 : i32
      %dma_wait3A_228 = tpu.memref_slice %arg8[%dma_wait3A_227] : memref<10000xi32, #tpu.memory_space<vmem>> -> memref<80xi32, #tpu.memory_space<vmem>>
      %dma_wait3A_229 = arith.constant 0 : i32
      %dma_wait3A_230 = arith.constant 0 : i32
      %dma_wait3A_231 = tpu.memref_slice %arg24[%dma_wait3A_229, %dma_wait3A_230] : memref<10240x64xf32, #tpu.memory_space<vmem_shared>> -> memref<10240x64xf32, #tpu.memory_space<vmem_shared>>
      tpu.wait_indirect_dma semaphore(%arg21 : memref<!tpu.dma_semaphore, #tpu.memory_space<semaphore_mem>>) src(%arg11 : memref<80x64xf32, #tpu.memory_space<vmem>>) dst(%dma_wait3A_231 : memref<10240x64xf32, #tpu.memory_space<vmem_shared>>)
      %add3A_232 = arith.constant 1 : i32
      %add3A_233 = arith.addi %scan3A_117, %add3A_232 : i32
      %mul3A_234 = arith.constant 5 : i32
      %mul3A_235 = arith.muli %add3A_233, %mul3A_234 : i32
      %add3A_236 = arith.constant 2 : i32
      %add3A_237 = arith.addi %mul3A_235, %add3A_236 : i32
      %mul3A_238 = arith.constant 80 : i32
      %mul3A_239 = arith.muli %add3A_237, %mul3A_238 : i32
      %dma_start3A_240 = tpu.memref_slice %arg7[%mul3A_239] : memref<10000xi32, #tpu.memory_space<vmem>> -> memref<80xi32, #tpu.memory_space<vmem>>
      %dma_start3A_241 = arith.constant 0 : i32
      %dma_start3A_242 = arith.constant 0 : i32
      %dma_start3A_243 = tpu.memref_slice %arg2[%dma_start3A_241, %dma_start3A_242] : memref<10000x64xf32, #tpu.memory_space<hbm>> -> memref<10000x64xf32, #tpu.memory_space<hbm>>
      tpu.enqueue_indirect_dma source(%dma_start3A_243 : memref<10000x64xf32, #tpu.memory_space<hbm>>) target(%arg11 : memref<80x64xf32, #tpu.memory_space<vmem>>) offsets(%dma_start3A_240 : memref<80xi32, #tpu.memory_space<vmem>>) semaphore(%arg16 : memref<!tpu.dma_semaphore, #tpu.memory_space<semaphore_mem>>)
      %dma_wait3A_244 = arith.constant 0 : i32
      %dma_wait3A_245 = tpu.memref_slice %arg8[%dma_wait3A_244] : memref<10000xi32, #tpu.memory_space<vmem>> -> memref<80xi32, #tpu.memory_space<vmem>>
      %dma_wait3A_246 = arith.constant 0 : i32
      %dma_wait3A_247 = arith.constant 0 : i32
      %dma_wait3A_248 = tpu.memref_slice %arg24[%dma_wait3A_246, %dma_wait3A_247] : memref<10240x64xf32, #tpu.memory_space<vmem_shared>> -> memref<10240x64xf32, #tpu.memory_space<vmem_shared>>
      tpu.wait_indirect_dma semaphore(%arg22 : memref<!tpu.dma_semaphore, #tpu.memory_space<semaphore_mem>>) src(%arg12 : memref<80x64xf32, #tpu.memory_space<vmem>>) dst(%dma_wait3A_248 : memref<10240x64xf32, #tpu.memory_space<vmem_shared>>)
      %add3A_249 = arith.constant 1 : i32
      %add3A_250 = arith.addi %scan3A_117, %add3A_249 : i32
      %mul3A_251 = arith.constant 5 : i32
      %mul3A_252 = arith.muli %add3A_250, %mul3A_251 : i32
      %add3A_253 = arith.constant 3 : i32
      %add3A_254 = arith.addi %mul3A_252, %add3A_253 : i32
      %mul3A_255 = arith.constant 80 : i32
      %mul3A_256 = arith.muli %add3A_254, %mul3A_255 : i32
      %dma_start3A_257 = tpu.memref_slice %arg7[%mul3A_256] : memref<10000xi32, #tpu.memory_space<vmem>> -> memref<80xi32, #tpu.memory_space<vmem>>
      %dma_start3A_258 = arith.constant 0 : i32
      %dma_start3A_259 = arith.constant 0 : i32
      %dma_start3A_260 = tpu.memref_slice %arg2[%dma_start3A_258, %dma_start3A_259] : memref<10000x64xf32, #tpu.memory_space<hbm>> -> memref<10000x64xf32, #tpu.memory_space<hbm>>
      tpu.enqueue_indirect_dma source(%dma_start3A_260 : memref<10000x64xf32, #tpu.memory_space<hbm>>) target(%arg12 : memref<80x64xf32, #tpu.memory_space<vmem>>) offsets(%dma_start3A_257 : memref<80xi32, #tpu.memory_space<vmem>>) semaphore(%arg17 : memref<!tpu.dma_semaphore, #tpu.memory_space<semaphore_mem>>)
      %dma_wait3A_261 = arith.constant 0 : i32
      %dma_wait3A_262 = tpu.memref_slice %arg8[%dma_wait3A_261] : memref<10000xi32, #tpu.memory_space<vmem>> -> memref<80xi32, #tpu.memory_space<vmem>>
      %dma_wait3A_263 = arith.constant 0 : i32
      %dma_wait3A_264 = arith.constant 0 : i32
      %dma_wait3A_265 = tpu.memref_slice %arg24[%dma_wait3A_263, %dma_wait3A_264] : memref<10240x64xf32, #tpu.memory_space<vmem_shared>> -> memref<10240x64xf32, #tpu.memory_space<vmem_shared>>
      tpu.wait_indirect_dma semaphore(%arg23 : memref<!tpu.dma_semaphore, #tpu.memory_space<semaphore_mem>>) src(%arg13 : memref<80x64xf32, #tpu.memory_space<vmem>>) dst(%dma_wait3A_265 : memref<10240x64xf32, #tpu.memory_space<vmem_shared>>)
      %add3A_266 = arith.constant 1 : i32
      %add3A_267 = arith.addi %scan3A_117, %add3A_266 : i32
      %mul3A_268 = arith.constant 5 : i32
      %mul3A_269 = arith.muli %add3A_267, %mul3A_268 : i32
      %add3A_270 = arith.constant 4 : i32
      %add3A_271 = arith.addi %mul3A_269, %add3A_270 : i32
      %mul3A_272 = arith.constant 80 : i32
      %mul3A_273 = arith.muli %add3A_271, %mul3A_272 : i32
      %dma_start3A_274 = tpu.memref_slice %arg7[%mul3A_273] : memref<10000xi32, #tpu.memory_space<vmem>> -> memref<80xi32, #tpu.memory_space<vmem>>
      %dma_start3A_275 = arith.constant 0 : i32
      %dma_start3A_276 = arith.constant 0 : i32
      %dma_start3A_277 = tpu.memref_slice %arg2[%dma_start3A_275, %dma_start3A_276] : memref<10000x64xf32, #tpu.memory_space<hbm>> -> memref<10000x64xf32, #tpu.memory_space<hbm>>
      tpu.enqueue_indirect_dma source(%dma_start3A_277 : memref<10000x64xf32, #tpu.memory_space<hbm>>) target(%arg13 : memref<80x64xf32, #tpu.memory_space<vmem>>) offsets(%dma_start3A_274 : memref<80xi32, #tpu.memory_space<vmem>>) semaphore(%arg18 : memref<!tpu.dma_semaphore, #tpu.memory_space<semaphore_mem>>)
    }
    %scan3A_37 = arith.constant 24 : i32
    %dma_wait3A = arith.constant 0 : i32
    %dma_wait3A_38 = tpu.memref_slice %arg7[%dma_wait3A] : memref<10000xi32, #tpu.memory_space<vmem>> -> memref<80xi32, #tpu.memory_space<vmem>>
    %dma_wait3A_39 = arith.constant 0 : i32
    %dma_wait3A_40 = arith.constant 0 : i32
    %dma_wait3A_41 = tpu.memref_slice %arg2[%dma_wait3A_39, %dma_wait3A_40] : memref<10000x64xf32, #tpu.memory_space<hbm>> -> memref<10000x64xf32, #tpu.memory_space<hbm>>
    tpu.wait_indirect_dma semaphore(%arg14 : memref<!tpu.dma_semaphore, #tpu.memory_space<semaphore_mem>>) src(%dma_wait3A_41 : memref<10000x64xf32, #tpu.memory_space<hbm>>) dst(%arg9 : memref<80x64xf32, #tpu.memory_space<vmem>>)
    %dma_start3A_42 = arith.constant 9600 : i32
    %dma_start3A_43 = tpu.memref_slice %arg8[%dma_start3A_42] : memref<10000xi32, #tpu.memory_space<vmem>> -> memref<80xi32, #tpu.memory_space<vmem>>
    %dma_start3A_44 = arith.constant 0 : i32
    %dma_start3A_45 = arith.constant 0 : i32
    %dma_start3A_46 = tpu.memref_slice %arg24[%dma_start3A_44, %dma_start3A_45] : memref<10240x64xf32, #tpu.memory_space<vmem_shared>> -> memref<10240x64xf32, #tpu.memory_space<vmem_shared>>
    tpu.enqueue_indirect_dma source(%arg9 : memref<80x64xf32, #tpu.memory_space<vmem>>) target(%dma_start3A_46 : memref<10240x64xf32, #tpu.memory_space<vmem_shared>>) offsets(%dma_start3A_43 : memref<80xi32, #tpu.memory_space<vmem>>) semaphore(%arg19 : memref<!tpu.dma_semaphore, #tpu.memory_space<semaphore_mem>>) {add = true}
    %dma_wait3A_47 = arith.constant 0 : i32
    %dma_wait3A_48 = tpu.memref_slice %arg7[%dma_wait3A_47] : memref<10000xi32, #tpu.memory_space<vmem>> -> memref<80xi32, #tpu.memory_space<vmem>>
    %dma_wait3A_49 = arith.constant 0 : i32
    %dma_wait3A_50 = arith.constant 0 : i32
    %dma_wait3A_51 = tpu.memref_slice %arg2[%dma_wait3A_49, %dma_wait3A_50] : memref<10000x64xf32, #tpu.memory_space<hbm>> -> memref<10000x64xf32, #tpu.memory_space<hbm>>
    tpu.wait_indirect_dma semaphore(%arg15 : memref<!tpu.dma_semaphore, #tpu.memory_space<semaphore_mem>>) src(%dma_wait3A_51 : memref<10000x64xf32, #tpu.memory_space<hbm>>) dst(%arg10 : memref<80x64xf32, #tpu.memory_space<vmem>>)
    %dma_start3A_52 = arith.constant 9680 : i32
    %dma_start3A_53 = tpu.memref_slice %arg8[%dma_start3A_52] : memref<10000xi32, #tpu.memory_space<vmem>> -> memref<80xi32, #tpu.memory_space<vmem>>
    %dma_start3A_54 = arith.constant 0 : i32
    %dma_start3A_55 = arith.constant 0 : i32
    %dma_start3A_56 = tpu.memref_slice %arg24[%dma_start3A_54, %dma_start3A_55] : memref<10240x64xf32, #tpu.memory_space<vmem_shared>> -> memref<10240x64xf32, #tpu.memory_space<vmem_shared>>
    tpu.enqueue_indirect_dma source(%arg10 : memref<80x64xf32, #tpu.memory_space<vmem>>) target(%dma_start3A_56 : memref<10240x64xf32, #tpu.memory_space<vmem_shared>>) offsets(%dma_start3A_53 : memref<80xi32, #tpu.memory_space<vmem>>) semaphore(%arg20 : memref<!tpu.dma_semaphore, #tpu.memory_space<semaphore_mem>>) {add = true}
    %dma_wait3A_57 = arith.constant 0 : i32
    %dma_wait3A_58 = tpu.memref_slice %arg7[%dma_wait3A_57] : memref<10000xi32, #tpu.memory_space<vmem>> -> memref<80xi32, #tpu.memory_space<vmem>>
    %dma_wait3A_59 = arith.constant 0 : i32
    %dma_wait3A_60 = arith.constant 0 : i32
    %dma_wait3A_61 = tpu.memref_slice %arg2[%dma_wait3A_59, %dma_wait3A_60] : memref<10000x64xf32, #tpu.memory_space<hbm>> -> memref<10000x64xf32, #tpu.memory_space<hbm>>
    tpu.wait_indirect_dma semaphore(%arg16 : memref<!tpu.dma_semaphore, #tpu.memory_space<semaphore_mem>>) src(%dma_wait3A_61 : memref<10000x64xf32, #tpu.memory_space<hbm>>) dst(%arg11 : memref<80x64xf32, #tpu.memory_space<vmem>>)
    %dma_start3A_62 = arith.constant 9760 : i32
    %dma_start3A_63 = tpu.memref_slice %arg8[%dma_start3A_62] : memref<10000xi32, #tpu.memory_space<vmem>> -> memref<80xi32, #tpu.memory_space<vmem>>
    %dma_start3A_64 = arith.constant 0 : i32
    %dma_start3A_65 = arith.constant 0 : i32
    %dma_start3A_66 = tpu.memref_slice %arg24[%dma_start3A_64, %dma_start3A_65] : memref<10240x64xf32, #tpu.memory_space<vmem_shared>> -> memref<10240x64xf32, #tpu.memory_space<vmem_shared>>
    tpu.enqueue_indirect_dma source(%arg11 : memref<80x64xf32, #tpu.memory_space<vmem>>) target(%dma_start3A_66 : memref<10240x64xf32, #tpu.memory_space<vmem_shared>>) offsets(%dma_start3A_63 : memref<80xi32, #tpu.memory_space<vmem>>) semaphore(%arg21 : memref<!tpu.dma_semaphore, #tpu.memory_space<semaphore_mem>>) {add = true}
    %dma_wait3A_67 = arith.constant 0 : i32
    %dma_wait3A_68 = tpu.memref_slice %arg7[%dma_wait3A_67] : memref<10000xi32, #tpu.memory_space<vmem>> -> memref<80xi32, #tpu.memory_space<vmem>>
    %dma_wait3A_69 = arith.constant 0 : i32
    %dma_wait3A_70 = arith.constant 0 : i32
    %dma_wait3A_71 = tpu.memref_slice %arg2[%dma_wait3A_69, %dma_wait3A_70] : memref<10000x64xf32, #tpu.memory_space<hbm>> -> memref<10000x64xf32, #tpu.memory_space<hbm>>
    tpu.wait_indirect_dma semaphore(%arg17 : memref<!tpu.dma_semaphore, #tpu.memory_space<semaphore_mem>>) src(%dma_wait3A_71 : memref<10000x64xf32, #tpu.memory_space<hbm>>) dst(%arg12 : memref<80x64xf32, #tpu.memory_space<vmem>>)
    %dma_start3A_72 = arith.constant 9840 : i32
    %dma_start3A_73 = tpu.memref_slice %arg8[%dma_start3A_72] : memref<10000xi32, #tpu.memory_space<vmem>> -> memref<80xi32, #tpu.memory_space<vmem>>
    %dma_start3A_74 = arith.constant 0 : i32
    %dma_start3A_75 = arith.constant 0 : i32
    %dma_start3A_76 = tpu.memref_slice %arg24[%dma_start3A_74, %dma_start3A_75] : memref<10240x64xf32, #tpu.memory_space<vmem_shared>> -> memref<10240x64xf32, #tpu.memory_space<vmem_shared>>
    tpu.enqueue_indirect_dma source(%arg12 : memref<80x64xf32, #tpu.memory_space<vmem>>) target(%dma_start3A_76 : memref<10240x64xf32, #tpu.memory_space<vmem_shared>>) offsets(%dma_start3A_73 : memref<80xi32, #tpu.memory_space<vmem>>) semaphore(%arg22 : memref<!tpu.dma_semaphore, #tpu.memory_space<semaphore_mem>>) {add = true}
    %dma_wait3A_77 = arith.constant 0 : i32
    %dma_wait3A_78 = tpu.memref_slice %arg7[%dma_wait3A_77] : memref<10000xi32, #tpu.memory_space<vmem>> -> memref<80xi32, #tpu.memory_space<vmem>>
    %dma_wait3A_79 = arith.constant 0 : i32
    %dma_wait3A_80 = arith.constant 0 : i32
    %dma_wait3A_81 = tpu.memref_slice %arg2[%dma_wait3A_79, %dma_wait3A_80] : memref<10000x64xf32, #tpu.memory_space<hbm>> -> memref<10000x64xf32, #tpu.memory_space<hbm>>
    tpu.wait_indirect_dma semaphore(%arg18 : memref<!tpu.dma_semaphore, #tpu.memory_space<semaphore_mem>>) src(%dma_wait3A_81 : memref<10000x64xf32, #tpu.memory_space<hbm>>) dst(%arg13 : memref<80x64xf32, #tpu.memory_space<vmem>>)
    %dma_start3A_82 = arith.constant 9920 : i32
    %dma_start3A_83 = tpu.memref_slice %arg8[%dma_start3A_82] : memref<10000xi32, #tpu.memory_space<vmem>> -> memref<80xi32, #tpu.memory_space<vmem>>
    %dma_start3A_84 = arith.constant 0 : i32
    %dma_start3A_85 = arith.constant 0 : i32
    %dma_start3A_86 = tpu.memref_slice %arg24[%dma_start3A_84, %dma_start3A_85] : memref<10240x64xf32, #tpu.memory_space<vmem_shared>> -> memref<10240x64xf32, #tpu.memory_space<vmem_shared>>
    tpu.enqueue_indirect_dma source(%arg13 : memref<80x64xf32, #tpu.memory_space<vmem>>) target(%dma_start3A_86 : memref<10240x64xf32, #tpu.memory_space<vmem_shared>>) offsets(%dma_start3A_83 : memref<80xi32, #tpu.memory_space<vmem>>) semaphore(%arg23 : memref<!tpu.dma_semaphore, #tpu.memory_space<semaphore_mem>>) {add = true}
    %dma_wait3A_87 = arith.constant 0 : i32
    %dma_wait3A_88 = tpu.memref_slice %arg8[%dma_wait3A_87] : memref<10000xi32, #tpu.memory_space<vmem>> -> memref<80xi32, #tpu.memory_space<vmem>>
    %dma_wait3A_89 = arith.constant 0 : i32
    %dma_wait3A_90 = arith.constant 0 : i32
    %dma_wait3A_91 = tpu.memref_slice %arg24[%dma_wait3A_89, %dma_wait3A_90] : memref<10240x64xf32, #tpu.memory_space<vmem_shared>> -> memref<10240x64xf32, #tpu.memory_space<vmem_shared>>
    tpu.wait_indirect_dma semaphore(%arg19 : memref<!tpu.dma_semaphore, #tpu.memory_space<semaphore_mem>>) src(%arg9 : memref<80x64xf32, #tpu.memory_space<vmem>>) dst(%dma_wait3A_91 : memref<10240x64xf32, #tpu.memory_space<vmem_shared>>)
    %dma_wait3A_92 = arith.constant 0 : i32
    %dma_wait3A_93 = tpu.memref_slice %arg8[%dma_wait3A_92] : memref<10000xi32, #tpu.memory_space<vmem>> -> memref<80xi32, #tpu.memory_space<vmem>>
    %dma_wait3A_94 = arith.constant 0 : i32
    %dma_wait3A_95 = arith.constant 0 : i32
    %dma_wait3A_96 = tpu.memref_slice %arg24[%dma_wait3A_94, %dma_wait3A_95] : memref<10240x64xf32, #tpu.memory_space<vmem_shared>> -> memref<10240x64xf32, #tpu.memory_space<vmem_shared>>
    tpu.wait_indirect_dma semaphore(%arg20 : memref<!tpu.dma_semaphore, #tpu.memory_space<semaphore_mem>>) src(%arg10 : memref<80x64xf32, #tpu.memory_space<vmem>>) dst(%dma_wait3A_96 : memref<10240x64xf32, #tpu.memory_space<vmem_shared>>)
    %dma_wait3A_97 = arith.constant 0 : i32
    %dma_wait3A_98 = tpu.memref_slice %arg8[%dma_wait3A_97] : memref<10000xi32, #tpu.memory_space<vmem>> -> memref<80xi32, #tpu.memory_space<vmem>>
    %dma_wait3A_99 = arith.constant 0 : i32
    %dma_wait3A_100 = arith.constant 0 : i32
    %dma_wait3A_101 = tpu.memref_slice %arg24[%dma_wait3A_99, %dma_wait3A_100] : memref<10240x64xf32, #tpu.memory_space<vmem_shared>> -> memref<10240x64xf32, #tpu.memory_space<vmem_shared>>
    tpu.wait_indirect_dma semaphore(%arg21 : memref<!tpu.dma_semaphore, #tpu.memory_space<semaphore_mem>>) src(%arg11 : memref<80x64xf32, #tpu.memory_space<vmem>>) dst(%dma_wait3A_101 : memref<10240x64xf32, #tpu.memory_space<vmem_shared>>)
    %dma_wait3A_102 = arith.constant 0 : i32
    %dma_wait3A_103 = tpu.memref_slice %arg8[%dma_wait3A_102] : memref<10000xi32, #tpu.memory_space<vmem>> -> memref<80xi32, #tpu.memory_space<vmem>>
    %dma_wait3A_104 = arith.constant 0 : i32
    %dma_wait3A_105 = arith.constant 0 : i32
    %dma_wait3A_106 = tpu.memref_slice %arg24[%dma_wait3A_104, %dma_wait3A_105] : memref<10240x64xf32, #tpu.memory_space<vmem_shared>> -> memref<10240x64xf32, #tpu.memory_space<vmem_shared>>
    tpu.wait_indirect_dma semaphore(%arg22 : memref<!tpu.dma_semaphore, #tpu.memory_space<semaphore_mem>>) src(%arg12 : memref<80x64xf32, #tpu.memory_space<vmem>>) dst(%dma_wait3A_106 : memref<10240x64xf32, #tpu.memory_space<vmem_shared>>)
    %dma_wait3A_107 = arith.constant 0 : i32
    %dma_wait3A_108 = tpu.memref_slice %arg8[%dma_wait3A_107] : memref<10000xi32, #tpu.memory_space<vmem>> -> memref<80xi32, #tpu.memory_space<vmem>>
    %dma_wait3A_109 = arith.constant 0 : i32
    %dma_wait3A_110 = arith.constant 0 : i32
    %dma_wait3A_111 = tpu.memref_slice %arg24[%dma_wait3A_109, %dma_wait3A_110] : memref<10240x64xf32, #tpu.memory_space<vmem_shared>> -> memref<10240x64xf32, #tpu.memory_space<vmem_shared>>
    tpu.wait_indirect_dma semaphore(%arg23 : memref<!tpu.dma_semaphore, #tpu.memory_space<semaphore_mem>>) src(%arg13 : memref<80x64xf32, #tpu.memory_space<vmem>>) dst(%dma_wait3A_111 : memref<10240x64xf32, #tpu.memory_space<vmem_shared>>)
    %barrier3A_112 = arith.constant 0 : index
    tpu.barrier barrier_id(%barrier3A_112)
    %mul3A_113 = arith.constant 640 : i32
    %mul3A_114 = arith.muli %arg1, %mul3A_113 : i32
    %mul3A_115 = arith.constant 640 : i32
    %mul3A_116 = arith.muli %arg1, %mul3A_115 : i32
    "tpu.region"() ({
      %run_scoped3A = tpu.sem_alloc : memref<!tpu.dma_semaphore, #tpu.memory_space<semaphore_mem>>
      %dma_start3A_117 = arith.constant 0 : i32
      %dma_start3A_118 = tpu.memref_slice %arg6[%arg0, %mul3A_116, %dma_start3A_117] : memref<2x10240x64xf32, #tpu.memory_space<hbm>> -> memref<1x640x64xf32, #tpu.memory_space<hbm>>
      %dma_start3A_119 = tpu.memref_squeeze %dma_start3A_118 : memref<1x640x64xf32, #tpu.memory_space<hbm>> -> memref<640x64xf32, #tpu.memory_space<hbm>>
      %dma_start3A_120 = arith.constant 0 : i32
      %dma_start3A_121 = tpu.memref_slice %arg24[%mul3A_114, %dma_start3A_120] : memref<10240x64xf32, #tpu.memory_space<vmem_shared>> -> memref<640x64xf32, #tpu.memory_space<vmem_shared>>
      tpu.enqueue_dma source(%dma_start3A_121 : memref<640x64xf32, #tpu.memory_space<vmem_shared>>) target(%dma_start3A_119 : memref<640x64xf32, #tpu.memory_space<hbm>>) target_semaphore(%run_scoped3A : memref<!tpu.dma_semaphore, #tpu.memory_space<semaphore_mem>>)
      %dma_wait3A_122 = arith.constant 0 : i32
      %dma_wait3A_123 = tpu.memref_slice %arg6[%arg0, %mul3A_116, %dma_wait3A_122] : memref<2x10240x64xf32, #tpu.memory_space<hbm>> -> memref<1x640x64xf32, #tpu.memory_space<hbm>>
      %dma_wait3A_124 = tpu.memref_squeeze %dma_wait3A_123 : memref<1x640x64xf32, #tpu.memory_space<hbm>> -> memref<640x64xf32, #tpu.memory_space<hbm>>
      %dma_wait3A_125 = arith.constant 0 : i32
      %dma_wait3A_126 = tpu.memref_slice %arg24[%mul3A_114, %dma_wait3A_125] : memref<10240x64xf32, #tpu.memory_space<vmem_shared>> -> memref<640x64xf32, #tpu.memory_space<vmem_shared>>
      tpu.wait_dma2 semaphore(%run_scoped3A : memref<!tpu.dma_semaphore, #tpu.memory_space<semaphore_mem>>) src(%dma_wait3A_126 : memref<640x64xf32, #tpu.memory_space<vmem_shared>>) dst(%dma_wait3A_124 : memref<640x64xf32, #tpu.memory_space<hbm>>)
      tpu.yield
    }) : () -> ()
    return
  }
}

#map = affine_map<(d0, d1) -> (0)>
module attributes {stable_mosaic.version = 14 : i64} {
  func.func @_deg_kernel(%arg0: i32, %arg1: i32, %arg2: memref<320000xi32, #tpu.memory_space<hbm>>, %arg3: memref<20480xf32, #tpu.memory_space<hbm>>, %arg4: memref<20480xf32, #tpu.memory_space<hbm>>, %arg5: memref<10000xi32, #tpu.memory_space<vmem>>, %arg6: memref<256xf32, #tpu.memory_space<vmem>>, %arg7: memref<10240xf32, #tpu.memory_space<vmem_shared>>) attributes {dimension_semantics = [#tpu.dimension_semantics<core_parallel>, #tpu.dimension_semantics<subcore_parallel>], iteration_bounds = array<i64: 2, 16>, scalar_prefetch = 0 : i64, scratch_operands = 3 : i64, tpu.core_type = #tpu.core_type<sc_vector_subcore>, window_params = [{transform_indices = #map}, {transform_indices = #map}, {transform_indices = #map}]} {
    %mul3A = arith.constant 2 : i32
    %mul3A_0 = arith.muli %arg1, %mul3A : i32
    %add3A = arith.addi %mul3A_0, %arg0 : i32
    %broadcast_in_dim3A = arith.constant 1.000000e+00 : f32
    %broadcast_in_dim3A_1 = vector.broadcast %broadcast_in_dim3A : f32 to vector<16xf32>
    %swap3A = arith.constant 0 : index
    %swap3A_2 = tpu.vector_load %arg6[%swap3A] {strides = array<i32>} : memref<256xf32, #tpu.memory_space<vmem>>, vector<16xf32>,
    %swap3A_3 = vector.shape_cast %swap3A_2 : vector<16xf32> to vector<16xf32>
    %swap3A_4 = vector.shape_cast %broadcast_in_dim3A_1 : vector<16xf32> to vector<16xf32>
    tpu.vector_store %arg6[%swap3A], %swap3A_4 {strides = array<i32>} : memref<256xf32, #tpu.memory_space<vmem>>, vector<16xf32>,
    %broadcast_in_dim3A_5 = arith.constant 1.000000e+00 : f32
    %broadcast_in_dim3A_6 = vector.broadcast %broadcast_in_dim3A_5 : f32 to vector<16xf32>
    %swap3A_7 = arith.constant 16 : index
    %swap3A_8 = tpu.vector_load %arg6[%swap3A_7] {strides = array<i32>} : memref<256xf32, #tpu.memory_space<vmem>>, vector<16xf32>,
    %swap3A_9 = vector.shape_cast %swap3A_8 : vector<16xf32> to vector<16xf32>
    %swap3A_10 = vector.shape_cast %broadcast_in_dim3A_6 : vector<16xf32> to vector<16xf32>
    tpu.vector_store %arg6[%swap3A_7], %swap3A_10 {strides = array<i32>} : memref<256xf32, #tpu.memory_space<vmem>>, vector<16xf32>,
    %broadcast_in_dim3A_11 = arith.constant 1.000000e+00 : f32
    %broadcast_in_dim3A_12 = vector.broadcast %broadcast_in_dim3A_11 : f32 to vector<16xf32>
    %swap3A_13 = arith.constant 32 : index
    %swap3A_14 = tpu.vector_load %arg6[%swap3A_13] {strides = array<i32>} : memref<256xf32, #tpu.memory_space<vmem>>, vector<16xf32>,
    %swap3A_15 = vector.shape_cast %swap3A_14 : vector<16xf32> to vector<16xf32>
    %swap3A_16 = vector.shape_cast %broadcast_in_dim3A_12 : vector<16xf32> to vector<16xf32>
    tpu.vector_store %arg6[%swap3A_13], %swap3A_16 {strides = array<i32>} : memref<256xf32, #tpu.memory_space<vmem>>, vector<16xf32>,
    %broadcast_in_dim3A_17 = arith.constant 1.000000e+00 : f32
    %broadcast_in_dim3A_18 = vector.broadcast %broadcast_in_dim3A_17 : f32 to vector<16xf32>
    %swap3A_19 = arith.constant 48 : index
    %swap3A_20 = tpu.vector_load %arg6[%swap3A_19] {strides = array<i32>} : memref<256xf32, #tpu.memory_space<vmem>>, vector<16xf32>,
    %swap3A_21 = vector.shape_cast %swap3A_20 : vector<16xf32> to vector<16xf32>
    %swap3A_22 = vector.shape_cast %broadcast_in_dim3A_18 : vector<16xf32> to vector<16xf32>
    tpu.vector_store %arg6[%swap3A_19], %swap3A_22 {strides = array<i32>} : memref<256xf32, #tpu.memory_space<vmem>>, vector<16xf32>,
    %broadcast_in_dim3A_23 = arith.constant 1.000000e+00 : f32
    %broadcast_in_dim3A_24 = vector.broadcast %broadcast_in_dim3A_23 : f32 to vector<16xf32>
    %swap3A_25 = arith.constant 64 : index
    %swap3A_26 = tpu.vector_load %arg6[%swap3A_25] {strides = array<i32>} : memref<256xf32, #tpu.memory_space<vmem>>, vector<16xf32>,
    %swap3A_27 = vector.shape_cast %swap3A_26 : vector<16xf32> to vector<16xf32>
    %swap3A_28 = vector.shape_cast %broadcast_in_dim3A_24 : vector<16xf32> to vector<16xf32>
    tpu.vector_store %arg6[%swap3A_25], %swap3A_28 {strides = array<i32>} : memref<256xf32, #tpu.memory_space<vmem>>, vector<16xf32>,
    %broadcast_in_dim3A_29 = arith.constant 1.000000e+00 : f32
    %broadcast_in_dim3A_30 = vector.broadcast %broadcast_in_dim3A_29 : f32 to vector<16xf32>
    %swap3A_31 = arith.constant 80 : index
    %swap3A_32 = tpu.vector_load %arg6[%swap3A_31] {strides = array<i32>} : memref<256xf32, #tpu.memory_space<vmem>>, vector<16xf32>,
    %swap3A_33 = vector.shape_cast %swap3A_32 : vector<16xf32> to vector<16xf32>
    %swap3A_34 = vector.shape_cast %broadcast_in_dim3A_30 : vector<16xf32> to vector<16xf32>
    tpu.vector_store %arg6[%swap3A_31], %swap3A_34 {strides = array<i32>} : memref<256xf32, #tpu.memory_space<vmem>>, vector<16xf32>,
    %broadcast_in_dim3A_35 = arith.constant 1.000000e+00 : f32
    %broadcast_in_dim3A_36 = vector.broadcast %broadcast_in_dim3A_35 : f32 to vector<16xf32>
    %swap3A_37 = arith.constant 96 : index
    %swap3A_38 = tpu.vector_load %arg6[%swap3A_37] {strides = array<i32>} : memref<256xf32, #tpu.memory_space<vmem>>, vector<16xf32>,
    %swap3A_39 = vector.shape_cast %swap3A_38 : vector<16xf32> to vector<16xf32>
    %swap3A_40 = vector.shape_cast %broadcast_in_dim3A_36 : vector<16xf32> to vector<16xf32>
    tpu.vector_store %arg6[%swap3A_37], %swap3A_40 {strides = array<i32>} : memref<256xf32, #tpu.memory_space<vmem>>, vector<16xf32>,
    %broadcast_in_dim3A_41 = arith.constant 1.000000e+00 : f32
    %broadcast_in_dim3A_42 = vector.broadcast %broadcast_in_dim3A_41 : f32 to vector<16xf32>
    %swap3A_43 = arith.constant 112 : index
    %swap3A_44 = tpu.vector_load %arg6[%swap3A_43] {strides = array<i32>} : memref<256xf32, #tpu.memory_space<vmem>>, vector<16xf32>,
    %swap3A_45 = vector.shape_cast %swap3A_44 : vector<16xf32> to vector<16xf32>
    %swap3A_46 = vector.shape_cast %broadcast_in_dim3A_42 : vector<16xf32> to vector<16xf32>
    tpu.vector_store %arg6[%swap3A_43], %swap3A_46 {strides = array<i32>} : memref<256xf32, #tpu.memory_space<vmem>>, vector<16xf32>,
    %broadcast_in_dim3A_47 = arith.constant 1.000000e+00 : f32
    %broadcast_in_dim3A_48 = vector.broadcast %broadcast_in_dim3A_47 : f32 to vector<16xf32>
    %swap3A_49 = arith.constant 128 : index
    %swap3A_50 = tpu.vector_load %arg6[%swap3A_49] {strides = array<i32>} : memref<256xf32, #tpu.memory_space<vmem>>, vector<16xf32>,
    %swap3A_51 = vector.shape_cast %swap3A_50 : vector<16xf32> to vector<16xf32>
    %swap3A_52 = vector.shape_cast %broadcast_in_dim3A_48 : vector<16xf32> to vector<16xf32>
    tpu.vector_store %arg6[%swap3A_49], %swap3A_52 {strides = array<i32>} : memref<256xf32, #tpu.memory_space<vmem>>, vector<16xf32>,
    %broadcast_in_dim3A_53 = arith.constant 1.000000e+00 : f32
    %broadcast_in_dim3A_54 = vector.broadcast %broadcast_in_dim3A_53 : f32 to vector<16xf32>
    %swap3A_55 = arith.constant 144 : index
    %swap3A_56 = tpu.vector_load %arg6[%swap3A_55] {strides = array<i32>} : memref<256xf32, #tpu.memory_space<vmem>>, vector<16xf32>,
    %swap3A_57 = vector.shape_cast %swap3A_56 : vector<16xf32> to vector<16xf32>
    %swap3A_58 = vector.shape_cast %broadcast_in_dim3A_54 : vector<16xf32> to vector<16xf32>
    tpu.vector_store %arg6[%swap3A_55], %swap3A_58 {strides = array<i32>} : memref<256xf32, #tpu.memory_space<vmem>>, vector<16xf32>,
    %broadcast_in_dim3A_59 = arith.constant 1.000000e+00 : f32
    %broadcast_in_dim3A_60 = vector.broadcast %broadcast_in_dim3A_59 : f32 to vector<16xf32>
    %swap3A_61 = arith.constant 160 : index
    %swap3A_62 = tpu.vector_load %arg6[%swap3A_61] {strides = array<i32>} : memref<256xf32, #tpu.memory_space<vmem>>, vector<16xf32>,
    %swap3A_63 = vector.shape_cast %swap3A_62 : vector<16xf32> to vector<16xf32>
    %swap3A_64 = vector.shape_cast %broadcast_in_dim3A_60 : vector<16xf32> to vector<16xf32>
    tpu.vector_store %arg6[%swap3A_61], %swap3A_64 {strides = array<i32>} : memref<256xf32, #tpu.memory_space<vmem>>, vector<16xf32>,
    %broadcast_in_dim3A_65 = arith.constant 1.000000e+00 : f32
    %broadcast_in_dim3A_66 = vector.broadcast %broadcast_in_dim3A_65 : f32 to vector<16xf32>
    %swap3A_67 = arith.constant 176 : index
    %swap3A_68 = tpu.vector_load %arg6[%swap3A_67] {strides = array<i32>} : memref<256xf32, #tpu.memory_space<vmem>>, vector<16xf32>,
    %swap3A_69 = vector.shape_cast %swap3A_68 : vector<16xf32> to vector<16xf32>
    %swap3A_70 = vector.shape_cast %broadcast_in_dim3A_66 : vector<16xf32> to vector<16xf32>
    tpu.vector_store %arg6[%swap3A_67], %swap3A_70 {strides = array<i32>} : memref<256xf32, #tpu.memory_space<vmem>>, vector<16xf32>,
    %broadcast_in_dim3A_71 = arith.constant 1.000000e+00 : f32
    %broadcast_in_dim3A_72 = vector.broadcast %broadcast_in_dim3A_71 : f32 to vector<16xf32>
    %swap3A_73 = arith.constant 192 : index
    %swap3A_74 = tpu.vector_load %arg6[%swap3A_73] {strides = array<i32>} : memref<256xf32, #tpu.memory_space<vmem>>, vector<16xf32>,
    %swap3A_75 = vector.shape_cast %swap3A_74 : vector<16xf32> to vector<16xf32>
    %swap3A_76 = vector.shape_cast %broadcast_in_dim3A_72 : vector<16xf32> to vector<16xf32>
    tpu.vector_store %arg6[%swap3A_73], %swap3A_76 {strides = array<i32>} : memref<256xf32, #tpu.memory_space<vmem>>, vector<16xf32>,
    %broadcast_in_dim3A_77 = arith.constant 1.000000e+00 : f32
    %broadcast_in_dim3A_78 = vector.broadcast %broadcast_in_dim3A_77 : f32 to vector<16xf32>
    %swap3A_79 = arith.constant 208 : index
    %swap3A_80 = tpu.vector_load %arg6[%swap3A_79] {strides = array<i32>} : memref<256xf32, #tpu.memory_space<vmem>>, vector<16xf32>,
    %swap3A_81 = vector.shape_cast %swap3A_80 : vector<16xf32> to vector<16xf32>
    %swap3A_82 = vector.shape_cast %broadcast_in_dim3A_78 : vector<16xf32> to vector<16xf32>
    tpu.vector_store %arg6[%swap3A_79], %swap3A_82 {strides = array<i32>} : memref<256xf32, #tpu.memory_space<vmem>>, vector<16xf32>,
    %broadcast_in_dim3A_83 = arith.constant 1.000000e+00 : f32
    %broadcast_in_dim3A_84 = vector.broadcast %broadcast_in_dim3A_83 : f32 to vector<16xf32>
    %swap3A_85 = arith.constant 224 : index
    %swap3A_86 = tpu.vector_load %arg6[%swap3A_85] {strides = array<i32>} : memref<256xf32, #tpu.memory_space<vmem>>, vector<16xf32>,
    %swap3A_87 = vector.shape_cast %swap3A_86 : vector<16xf32> to vector<16xf32>
    %swap3A_88 = vector.shape_cast %broadcast_in_dim3A_84 : vector<16xf32> to vector<16xf32>
    tpu.vector_store %arg6[%swap3A_85], %swap3A_88 {strides = array<i32>} : memref<256xf32, #tpu.memory_space<vmem>>, vector<16xf32>,
    %broadcast_in_dim3A_89 = arith.constant 1.000000e+00 : f32
    %broadcast_in_dim3A_90 = vector.broadcast %broadcast_in_dim3A_89 : f32 to vector<16xf32>
    %swap3A_91 = arith.constant 240 : index
    %swap3A_92 = tpu.vector_load %arg6[%swap3A_91] {strides = array<i32>} : memref<256xf32, #tpu.memory_space<vmem>>, vector<16xf32>,
    %swap3A_93 = vector.shape_cast %swap3A_92 : vector<16xf32> to vector<16xf32>
    %swap3A_94 = vector.shape_cast %broadcast_in_dim3A_90 : vector<16xf32> to vector<16xf32>
    tpu.vector_store %arg6[%swap3A_91], %swap3A_94 {strides = array<i32>} : memref<256xf32, #tpu.memory_space<vmem>>, vector<16xf32>,
    %mul3A_95 = arith.constant 640 : i32
    %mul3A_96 = arith.muli %arg1, %mul3A_95 : i32
    %mul3A_97 = arith.constant 640 : i32
    %mul3A_98 = arith.muli %arg1, %mul3A_97 : i32
    "tpu.region"() ({
      %run_scoped3A = tpu.sem_alloc : memref<!tpu.dma_semaphore, #tpu.memory_space<semaphore_mem>>
      %dma_start3A = tpu.memref_slice %arg7[%mul3A_98] : memref<10240xf32, #tpu.memory_space<vmem_shared>> -> memref<640xf32, #tpu.memory_space<vmem_shared>>
      %dma_start3A_114 = tpu.memref_slice %arg3[%mul3A_96] : memref<20480xf32, #tpu.memory_space<hbm>> -> memref<640xf32, #tpu.memory_space<hbm>>
      tpu.enqueue_dma source(%dma_start3A_114 : memref<640xf32, #tpu.memory_space<hbm>>) target(%dma_start3A : memref<640xf32, #tpu.memory_space<vmem_shared>>) target_semaphore(%run_scoped3A : memref<!tpu.dma_semaphore, #tpu.memory_space<semaphore_mem>>)
      %dma_wait3A = tpu.memref_slice %arg7[%mul3A_98] : memref<10240xf32, #tpu.memory_space<vmem_shared>> -> memref<640xf32, #tpu.memory_space<vmem_shared>>
      %dma_wait3A_115 = tpu.memref_slice %arg3[%mul3A_96] : memref<20480xf32, #tpu.memory_space<hbm>> -> memref<640xf32, #tpu.memory_space<hbm>>
      tpu.wait_dma2 semaphore(%run_scoped3A : memref<!tpu.dma_semaphore, #tpu.memory_space<semaphore_mem>>) src(%dma_wait3A_115 : memref<640xf32, #tpu.memory_space<hbm>>) dst(%dma_wait3A : memref<640xf32, #tpu.memory_space<vmem_shared>>)
      tpu.yield
    }) : () -> ()
    %mul3A_99 = arith.constant 10000 : i32
    %mul3A_100 = arith.muli %add3A, %mul3A_99 : i32
    "tpu.region"() ({
      %run_scoped3A = tpu.sem_alloc : memref<!tpu.dma_semaphore, #tpu.memory_space<semaphore_mem>>
      %dma_start3A = tpu.memref_slice %arg2[%mul3A_100] : memref<320000xi32, #tpu.memory_space<hbm>> -> memref<10000xi32, #tpu.memory_space<hbm>>
      %dma_start3A_114 = tpu.memref_slice %arg2[%mul3A_100] : memref<320000xi32, #tpu.memory_space<hbm>> -> memref<10000xi32, #tpu.memory_space<hbm>>
      tpu.enqueue_dma source(%dma_start3A_114 : memref<10000xi32, #tpu.memory_space<hbm>>) target(%arg5 : memref<10000xi32, #tpu.memory_space<vmem>>) target_semaphore(%run_scoped3A : memref<!tpu.dma_semaphore, #tpu.memory_space<semaphore_mem>>)
      %dma_wait3A = tpu.memref_slice %arg2[%mul3A_100] : memref<320000xi32, #tpu.memory_space<hbm>> -> memref<10000xi32, #tpu.memory_space<hbm>>
      %dma_wait3A_115 = tpu.memref_slice %arg2[%mul3A_100] : memref<320000xi32, #tpu.memory_space<hbm>> -> memref<10000xi32, #tpu.memory_space<hbm>>
      tpu.wait_dma2 semaphore(%run_scoped3A : memref<!tpu.dma_semaphore, #tpu.memory_space<semaphore_mem>>) src(%dma_wait3A_115 : memref<10000xi32, #tpu.memory_space<hbm>>) dst(%arg5 : memref<10000xi32, #tpu.memory_space<vmem>>)
      tpu.yield
    }) : () -> ()
    %barrier3A = arith.constant 0 : index
    tpu.barrier barrier_id(%barrier3A)
    %scan3A = arith.constant 0 : i32
    %scan3A_101 = arith.constant 0 : i32
    %scan3A_102 = arith.constant 125 : i32
    %scan3A_103 = arith.addi %scan3A_101, %scan3A_102 : i32
    %scan3A_104 = arith.constant 1 : i32
    scf.for %scan3A_114 = %scan3A_101 to %scan3A_103 step %scan3A_104  : i32 {
      %mul3A_115 = arith.constant 80 : i32
      %mul3A_116 = arith.muli %scan3A_114, %mul3A_115 : i32
      "tpu.region"() ({
        %run_scoped3A = tpu.sem_alloc : memref<!tpu.dma_semaphore, #tpu.memory_space<semaphore_mem>>
        %dma_start3A = arith.constant 0 : i32
        %dma_start3A_117 = tpu.memref_slice %arg6[%dma_start3A] : memref<256xf32, #tpu.memory_space<vmem>> -> memref<80xf32, #tpu.memory_space<vmem>>
        %dma_start3A_118 = tpu.memref_slice %arg5[%mul3A_116] : memref<10000xi32, #tpu.memory_space<vmem>> -> memref<80xi32, #tpu.memory_space<vmem>>
        %dma_start3A_119 = arith.constant 0 : i32
        %dma_start3A_120 = tpu.memref_slice %arg7[%dma_start3A_119] : memref<10240xf32, #tpu.memory_space<vmem_shared>> -> memref<10240xf32, #tpu.memory_space<vmem_shared>>
        tpu.enqueue_indirect_dma source(%dma_start3A_117 : memref<80xf32, #tpu.memory_space<vmem>>) target(%dma_start3A_120 : memref<10240xf32, #tpu.memory_space<vmem_shared>>) offsets(%dma_start3A_118 : memref<80xi32, #tpu.memory_space<vmem>>) semaphore(%run_scoped3A : memref<!tpu.dma_semaphore, #tpu.memory_space<semaphore_mem>>) {add = true}
        %dma_wait3A = arith.constant 0 : i32
        %dma_wait3A_121 = tpu.memref_slice %arg6[%dma_wait3A] : memref<256xf32, #tpu.memory_space<vmem>> -> memref<80xf32, #tpu.memory_space<vmem>>
        %dma_wait3A_122 = tpu.memref_slice %arg5[%mul3A_116] : memref<10000xi32, #tpu.memory_space<vmem>> -> memref<80xi32, #tpu.memory_space<vmem>>
        %dma_wait3A_123 = arith.constant 0 : i32
        %dma_wait3A_124 = tpu.memref_slice %arg7[%dma_wait3A_123] : memref<10240xf32, #tpu.memory_space<vmem_shared>> -> memref<10240xf32, #tpu.memory_space<vmem_shared>>
        tpu.wait_indirect_dma semaphore(%run_scoped3A : memref<!tpu.dma_semaphore, #tpu.memory_space<semaphore_mem>>) src(%dma_wait3A_121 : memref<80xf32, #tpu.memory_space<vmem>>) dst(%dma_wait3A_124 : memref<10240xf32, #tpu.memory_space<vmem_shared>>)
        tpu.yield
      }) : () -> ()
    }
    %scan3A_105 = arith.constant 125 : i32
    %barrier3A_106 = arith.constant 0 : index
    tpu.barrier barrier_id(%barrier3A_106)
    %mul3A_107 = arith.constant 640 : i32
    %mul3A_108 = arith.muli %arg1, %mul3A_107 : i32
    %mul3A_109 = arith.constant 10240 : i32
    %mul3A_110 = arith.muli %arg0, %mul3A_109 : i32
    %mul3A_111 = arith.constant 640 : i32
    %mul3A_112 = arith.muli %arg1, %mul3A_111 : i32
    %add3A_113 = arith.addi %mul3A_110, %mul3A_112 : i32
    "tpu.region"() ({
      %run_scoped3A = tpu.sem_alloc : memref<!tpu.dma_semaphore, #tpu.memory_space<semaphore_mem>>
      %dma_start3A = tpu.memref_slice %arg4[%add3A_113] : memref<20480xf32, #tpu.memory_space<hbm>> -> memref<640xf32, #tpu.memory_space<hbm>>
      %dma_start3A_114 = tpu.memref_slice %arg7[%mul3A_108] : memref<10240xf32, #tpu.memory_space<vmem_shared>> -> memref<640xf32, #tpu.memory_space<vmem_shared>>
      tpu.enqueue_dma source(%dma_start3A_114 : memref<640xf32, #tpu.memory_space<vmem_shared>>) target(%dma_start3A : memref<640xf32, #tpu.memory_space<hbm>>) target_semaphore(%run_scoped3A : memref<!tpu.dma_semaphore, #tpu.memory_space<semaphore_mem>>)
      %dma_wait3A = tpu.memref_slice %arg4[%add3A_113] : memref<20480xf32, #tpu.memory_space<hbm>> -> memref<640xf32, #tpu.memory_space<hbm>>
      %dma_wait3A_115 = tpu.memref_slice %arg7[%mul3A_108] : memref<10240xf32, #tpu.memory_space<vmem_shared>> -> memref<640xf32, #tpu.memory_space<vmem_shared>>
      tpu.wait_dma2 semaphore(%run_scoped3A : memref<!tpu.dma_semaphore, #tpu.memory_space<semaphore_mem>>) src(%dma_wait3A_115 : memref<640xf32, #tpu.memory_space<vmem_shared>>) dst(%dma_wait3A : memref<640xf32, #tpu.memory_space<hbm>>)
      tpu.yield
    }) : () -> ()
    return
  }
}

#map = affine_map<(d0, d1) -> (0, 0)>
#map1 = affine_map<(d0, d1) -> (0)>
#map2 = affine_map<(d0, d1) -> (0, 0, 0)>
module attributes {stable_mosaic.version = 14 : i64} {
  func.func @_agg_kernel(%arg0: i32, %arg1: i32, %arg2: memref<10000x64xf32, #tpu.memory_space<hbm>>, %arg3: memref<320000xi32, #tpu.memory_space<hbm>>, %arg4: memref<320000xi32, #tpu.memory_space<hbm>>, %arg5: memref<10240x64xf32, #tpu.memory_space<hbm>>, %arg6: memref<2x10240x64xf32, #tpu.memory_space<hbm>>, %arg7: memref<10000xi32, #tpu.memory_space<vmem>>, %arg8: memref<10000xi32, #tpu.memory_space<vmem>>, %arg9: memref<80x64xf32, #tpu.memory_space<vmem>>, %arg10: memref<80x64xf32, #tpu.memory_space<vmem>>, %arg11: memref<80x64xf32, #tpu.memory_space<vmem>>, %arg12: memref<80x64xf32, #tpu.memory_space<vmem>>, %arg13: memref<80x64xf32, #tpu.memory_space<vmem>>, %arg14: memref<!tpu.dma_semaphore, #tpu.memory_space<semaphore_mem>>, %arg15: memref<!tpu.dma_semaphore, #tpu.memory_space<semaphore_mem>>, %arg16: memref<!tpu.dma_semaphore, #tpu.memory_space<semaphore_mem>>, %arg17: memref<!tpu.dma_semaphore, #tpu.memory_space<semaphore_mem>>, %arg18: memref<!tpu.dma_semaphore, #tpu.memory_space<semaphore_mem>>, %arg19: memref<!tpu.dma_semaphore, #tpu.memory_space<semaphore_mem>>, %arg20: memref<!tpu.dma_semaphore, #tpu.memory_space<semaphore_mem>>, %arg21: memref<!tpu.dma_semaphore, #tpu.memory_space<semaphore_mem>>, %arg22: memref<!tpu.dma_semaphore, #tpu.memory_space<semaphore_mem>>, %arg23: memref<!tpu.dma_semaphore, #tpu.memory_space<semaphore_mem>>, %arg24: memref<10240x64xf32, #tpu.memory_space<vmem_shared>>) attributes {dimension_semantics = [#tpu.dimension_semantics<core_parallel>, #tpu.dimension_semantics<subcore_parallel>], iteration_bounds = array<i64: 2, 16>, scalar_prefetch = 0 : i64, scratch_operands = 18 : i64, tpu.core_type = #tpu.core_type<sc_vector_subcore>, window_params = [{transform_indices = #map}, {transform_indices = #map1}, {transform_indices = #map1}, {transform_indices = #map}, {transform_indices = #map2}]} {
    %mul3A = arith.constant 2 : i32
    %mul3A_0 = arith.muli %arg1, %mul3A : i32
    %add3A = arith.addi %mul3A_0, %arg0 : i32
    %mul3A_1 = arith.constant 640 : i32
    %mul3A_2 = arith.muli %arg1, %mul3A_1 : i32
    %mul3A_3 = arith.constant 640 : i32
    %mul3A_4 = arith.muli %arg1, %mul3A_3 : i32
    "tpu.region"() ({
      %run_scoped3A = tpu.sem_alloc : memref<!tpu.dma_semaphore, #tpu.memory_space<semaphore_mem>>
      %dma_start3A_117 = arith.constant 0 : i32
      %dma_start3A_118 = tpu.memref_slice %arg24[%mul3A_4, %dma_start3A_117] : memref<10240x64xf32, #tpu.memory_space<vmem_shared>> -> memref<640x64xf32, #tpu.memory_space<vmem_shared>>
      %dma_start3A_119 = arith.constant 0 : i32
      %dma_start3A_120 = tpu.memref_slice %arg5[%mul3A_2, %dma_start3A_119] : memref<10240x64xf32, #tpu.memory_space<hbm>> -> memref<640x64xf32, #tpu.memory_space<hbm>>
      tpu.enqueue_dma source(%dma_start3A_120 : memref<640x64xf32, #tpu.memory_space<hbm>>) target(%dma_start3A_118 : memref<640x64xf32, #tpu.memory_space<vmem_shared>>) target_semaphore(%run_scoped3A : memref<!tpu.dma_semaphore, #tpu.memory_space<semaphore_mem>>)
      %dma_wait3A_121 = arith.constant 0 : i32
      %dma_wait3A_122 = tpu.memref_slice %arg24[%mul3A_4, %dma_wait3A_121] : memref<10240x64xf32, #tpu.memory_space<vmem_shared>> -> memref<640x64xf32, #tpu.memory_space<vmem_shared>>
      %dma_wait3A_123 = arith.constant 0 : i32
      %dma_wait3A_124 = tpu.memref_slice %arg5[%mul3A_2, %dma_wait3A_123] : memref<10240x64xf32, #tpu.memory_space<hbm>> -> memref<640x64xf32, #tpu.memory_space<hbm>>
      tpu.wait_dma2 semaphore(%run_scoped3A : memref<!tpu.dma_semaphore, #tpu.memory_space<semaphore_mem>>) src(%dma_wait3A_124 : memref<640x64xf32, #tpu.memory_space<hbm>>) dst(%dma_wait3A_122 : memref<640x64xf32, #tpu.memory_space<vmem_shared>>)
      tpu.yield
    }) : () -> ()
    %mul3A_5 = arith.constant 10000 : i32
    %mul3A_6 = arith.muli %add3A, %mul3A_5 : i32
    "tpu.region"() ({
      %run_scoped3A = tpu.sem_alloc : memref<!tpu.dma_semaphore, #tpu.memory_space<semaphore_mem>>
      %dma_start3A_117 = tpu.memref_slice %arg3[%mul3A_6] : memref<320000xi32, #tpu.memory_space<hbm>> -> memref<10000xi32, #tpu.memory_space<hbm>>
      %dma_start3A_118 = tpu.memref_slice %arg3[%mul3A_6] : memref<320000xi32, #tpu.memory_space<hbm>> -> memref<10000xi32, #tpu.memory_space<hbm>>
      tpu.enqueue_dma source(%dma_start3A_118 : memref<10000xi32, #tpu.memory_space<hbm>>) target(%arg7 : memref<10000xi32, #tpu.memory_space<vmem>>) target_semaphore(%run_scoped3A : memref<!tpu.dma_semaphore, #tpu.memory_space<semaphore_mem>>)
      %dma_wait3A_119 = tpu.memref_slice %arg3[%mul3A_6] : memref<320000xi32, #tpu.memory_space<hbm>> -> memref<10000xi32, #tpu.memory_space<hbm>>
      %dma_wait3A_120 = tpu.memref_slice %arg3[%mul3A_6] : memref<320000xi32, #tpu.memory_space<hbm>> -> memref<10000xi32, #tpu.memory_space<hbm>>
      tpu.wait_dma2 semaphore(%run_scoped3A : memref<!tpu.dma_semaphore, #tpu.memory_space<semaphore_mem>>) src(%dma_wait3A_120 : memref<10000xi32, #tpu.memory_space<hbm>>) dst(%arg7 : memref<10000xi32, #tpu.memory_space<vmem>>)
      tpu.yield
    }) : () -> ()
    %mul3A_7 = arith.constant 10000 : i32
    %mul3A_8 = arith.muli %add3A, %mul3A_7 : i32
    "tpu.region"() ({
      %run_scoped3A = tpu.sem_alloc : memref<!tpu.dma_semaphore, #tpu.memory_space<semaphore_mem>>
      %dma_start3A_117 = tpu.memref_slice %arg4[%mul3A_8] : memref<320000xi32, #tpu.memory_space<hbm>> -> memref<10000xi32, #tpu.memory_space<hbm>>
      %dma_start3A_118 = tpu.memref_slice %arg4[%mul3A_8] : memref<320000xi32, #tpu.memory_space<hbm>> -> memref<10000xi32, #tpu.memory_space<hbm>>
      tpu.enqueue_dma source(%dma_start3A_118 : memref<10000xi32, #tpu.memory_space<hbm>>) target(%arg8 : memref<10000xi32, #tpu.memory_space<vmem>>) target_semaphore(%run_scoped3A : memref<!tpu.dma_semaphore, #tpu.memory_space<semaphore_mem>>)
      %dma_wait3A_119 = tpu.memref_slice %arg4[%mul3A_8] : memref<320000xi32, #tpu.memory_space<hbm>> -> memref<10000xi32, #tpu.memory_space<hbm>>
      %dma_wait3A_120 = tpu.memref_slice %arg4[%mul3A_8] : memref<320000xi32, #tpu.memory_space<hbm>> -> memref<10000xi32, #tpu.memory_space<hbm>>
      tpu.wait_dma2 semaphore(%run_scoped3A : memref<!tpu.dma_semaphore, #tpu.memory_space<semaphore_mem>>) src(%dma_wait3A_120 : memref<10000xi32, #tpu.memory_space<hbm>>) dst(%arg8 : memref<10000xi32, #tpu.memory_space<vmem>>)
      tpu.yield
    }) : () -> ()
    %barrier3A = arith.constant 0 : index
    tpu.barrier barrier_id(%barrier3A)
    %dma_start3A = arith.constant 0 : i32
    %dma_start3A_9 = tpu.memref_slice %arg7[%dma_start3A] : memref<10000xi32, #tpu.memory_space<vmem>> -> memref<80xi32, #tpu.memory_space<vmem>>
    %dma_start3A_10 = arith.constant 0 : i32
    %dma_start3A_11 = arith.constant 0 : i32
    %dma_start3A_12 = tpu.memref_slice %arg2[%dma_start3A_10, %dma_start3A_11] : memref<10000x64xf32, #tpu.memory_space<hbm>> -> memref<10000x64xf32, #tpu.memory_space<hbm>>
    tpu.enqueue_indirect_dma source(%dma_start3A_12 : memref<10000x64xf32, #tpu.memory_space<hbm>>) target(%arg9 : memref<80x64xf32, #tpu.memory_space<vmem>>) offsets(%dma_start3A_9 : memref<80xi32, #tpu.memory_space<vmem>>) semaphore(%arg14 : memref<!tpu.dma_semaphore, #tpu.memory_space<semaphore_mem>>)
    %dma_start3A_13 = arith.constant 80 : i32
    %dma_start3A_14 = tpu.memref_slice %arg7[%dma_start3A_13] : memref<10000xi32, #tpu.memory_space<vmem>> -> memref<80xi32, #tpu.memory_space<vmem>>
    %dma_start3A_15 = arith.constant 0 : i32
    %dma_start3A_16 = arith.constant 0 : i32
    %dma_start3A_17 = tpu.memref_slice %arg2[%dma_start3A_15, %dma_start3A_16] : memref<10000x64xf32, #tpu.memory_space<hbm>> -> memref<10000x64xf32, #tpu.memory_space<hbm>>
    tpu.enqueue_indirect_dma source(%dma_start3A_17 : memref<10000x64xf32, #tpu.memory_space<hbm>>) target(%arg10 : memref<80x64xf32, #tpu.memory_space<vmem>>) offsets(%dma_start3A_14 : memref<80xi32, #tpu.memory_space<vmem>>) semaphore(%arg15 : memref<!tpu.dma_semaphore, #tpu.memory_space<semaphore_mem>>)
    %dma_start3A_18 = arith.constant 160 : i32
    %dma_start3A_19 = tpu.memref_slice %arg7[%dma_start3A_18] : memref<10000xi32, #tpu.memory_space<vmem>> -> memref<80xi32, #tpu.memory_space<vmem>>
    %dma_start3A_20 = arith.constant 0 : i32
    %dma_start3A_21 = arith.constant 0 : i32
    %dma_start3A_22 = tpu.memref_slice %arg2[%dma_start3A_20, %dma_start3A_21] : memref<10000x64xf32, #tpu.memory_space<hbm>> -> memref<10000x64xf32, #tpu.memory_space<hbm>>
    tpu.enqueue_indirect_dma source(%dma_start3A_22 : memref<10000x64xf32, #tpu.memory_space<hbm>>) target(%arg11 : memref<80x64xf32, #tpu.memory_space<vmem>>) offsets(%dma_start3A_19 : memref<80xi32, #tpu.memory_space<vmem>>) semaphore(%arg16 : memref<!tpu.dma_semaphore, #tpu.memory_space<semaphore_mem>>)
    %dma_start3A_23 = arith.constant 240 : i32
    %dma_start3A_24 = tpu.memref_slice %arg7[%dma_start3A_23] : memref<10000xi32, #tpu.memory_space<vmem>> -> memref<80xi32, #tpu.memory_space<vmem>>
    %dma_start3A_25 = arith.constant 0 : i32
    %dma_start3A_26 = arith.constant 0 : i32
    %dma_start3A_27 = tpu.memref_slice %arg2[%dma_start3A_25, %dma_start3A_26] : memref<10000x64xf32, #tpu.memory_space<hbm>> -> memref<10000x64xf32, #tpu.memory_space<hbm>>
    tpu.enqueue_indirect_dma source(%dma_start3A_27 : memref<10000x64xf32, #tpu.memory_space<hbm>>) target(%arg12 : memref<80x64xf32, #tpu.memory_space<vmem>>) offsets(%dma_start3A_24 : memref<80xi32, #tpu.memory_space<vmem>>) semaphore(%arg17 : memref<!tpu.dma_semaphore, #tpu.memory_space<semaphore_mem>>)
    %dma_start3A_28 = arith.constant 320 : i32
    %dma_start3A_29 = tpu.memref_slice %arg7[%dma_start3A_28] : memref<10000xi32, #tpu.memory_space<vmem>> -> memref<80xi32, #tpu.memory_space<vmem>>
    %dma_start3A_30 = arith.constant 0 : i32
    %dma_start3A_31 = arith.constant 0 : i32
    %dma_start3A_32 = tpu.memref_slice %arg2[%dma_start3A_30, %dma_start3A_31] : memref<10000x64xf32, #tpu.memory_space<hbm>> -> memref<10000x64xf32, #tpu.memory_space<hbm>>
    tpu.enqueue_indirect_dma source(%dma_start3A_32 : memref<10000x64xf32, #tpu.memory_space<hbm>>) target(%arg13 : memref<80x64xf32, #tpu.memory_space<vmem>>) offsets(%dma_start3A_29 : memref<80xi32, #tpu.memory_space<vmem>>) semaphore(%arg18 : memref<!tpu.dma_semaphore, #tpu.memory_space<semaphore_mem>>)
    %scan3A = arith.constant 0 : i32
    %scan3A_33 = arith.constant 0 : i32
    %scan3A_34 = arith.constant 24 : i32
    %scan3A_35 = arith.addi %scan3A_33, %scan3A_34 : i32
    %scan3A_36 = arith.constant 1 : i32
    scf.for %scan3A_117 = %scan3A_33 to %scan3A_35 step %scan3A_36  : i32 {
      %dma_wait3A_118 = arith.constant 0 : i32
      %dma_wait3A_119 = tpu.memref_slice %arg7[%dma_wait3A_118] : memref<10000xi32, #tpu.memory_space<vmem>> -> memref<80xi32, #tpu.memory_space<vmem>>
      %dma_wait3A_120 = arith.constant 0 : i32
      %dma_wait3A_121 = arith.constant 0 : i32
      %dma_wait3A_122 = tpu.memref_slice %arg2[%dma_wait3A_120, %dma_wait3A_121] : memref<10000x64xf32, #tpu.memory_space<hbm>> -> memref<10000x64xf32, #tpu.memory_space<hbm>>
      tpu.wait_indirect_dma semaphore(%arg14 : memref<!tpu.dma_semaphore, #tpu.memory_space<semaphore_mem>>) src(%dma_wait3A_122 : memref<10000x64xf32, #tpu.memory_space<hbm>>) dst(%arg9 : memref<80x64xf32, #tpu.memory_space<vmem>>)
      %mul3A_123 = arith.constant 5 : i32
      %mul3A_124 = arith.muli %scan3A_117, %mul3A_123 : i32
      %add3A_125 = arith.constant 0 : i32
      %add3A_126 = arith.addi %mul3A_124, %add3A_125 : i32
      %mul3A_127 = arith.constant 80 : i32
      %mul3A_128 = arith.muli %add3A_126, %mul3A_127 : i32
      %dma_start3A_129 = tpu.memref_slice %arg8[%mul3A_128] : memref<10000xi32, #tpu.memory_space<vmem>> -> memref<80xi32, #tpu.memory_space<vmem>>
      %dma_start3A_130 = arith.constant 0 : i32
      %dma_start3A_131 = arith.constant 0 : i32
      %dma_start3A_132 = tpu.memref_slice %arg24[%dma_start3A_130, %dma_start3A_131] : memref<10240x64xf32, #tpu.memory_space<vmem_shared>> -> memref<10240x64xf32, #tpu.memory_space<vmem_shared>>
      tpu.enqueue_indirect_dma source(%arg9 : memref<80x64xf32, #tpu.memory_space<vmem>>) target(%dma_start3A_132 : memref<10240x64xf32, #tpu.memory_space<vmem_shared>>) offsets(%dma_start3A_129 : memref<80xi32, #tpu.memory_space<vmem>>) semaphore(%arg19 : memref<!tpu.dma_semaphore, #tpu.memory_space<semaphore_mem>>) {add = true}
      %dma_wait3A_133 = arith.constant 0 : i32
      %dma_wait3A_134 = tpu.memref_slice %arg7[%dma_wait3A_133] : memref<10000xi32, #tpu.memory_space<vmem>> -> memref<80xi32, #tpu.memory_space<vmem>>
      %dma_wait3A_135 = arith.constant 0 : i32
      %dma_wait3A_136 = arith.constant 0 : i32
      %dma_wait3A_137 = tpu.memref_slice %arg2[%dma_wait3A_135, %dma_wait3A_136] : memref<10000x64xf32, #tpu.memory_space<hbm>> -> memref<10000x64xf32, #tpu.memory_space<hbm>>
      tpu.wait_indirect_dma semaphore(%arg15 : memref<!tpu.dma_semaphore, #tpu.memory_space<semaphore_mem>>) src(%dma_wait3A_137 : memref<10000x64xf32, #tpu.memory_space<hbm>>) dst(%arg10 : memref<80x64xf32, #tpu.memory_space<vmem>>)
      %mul3A_138 = arith.constant 5 : i32
      %mul3A_139 = arith.muli %scan3A_117, %mul3A_138 : i32
      %add3A_140 = arith.constant 1 : i32
      %add3A_141 = arith.addi %mul3A_139, %add3A_140 : i32
      %mul3A_142 = arith.constant 80 : i32
      %mul3A_143 = arith.muli %add3A_141, %mul3A_142 : i32
      %dma_start3A_144 = tpu.memref_slice %arg8[%mul3A_143] : memref<10000xi32, #tpu.memory_space<vmem>> -> memref<80xi32, #tpu.memory_space<vmem>>
      %dma_start3A_145 = arith.constant 0 : i32
      %dma_start3A_146 = arith.constant 0 : i32
      %dma_start3A_147 = tpu.memref_slice %arg24[%dma_start3A_145, %dma_start3A_146] : memref<10240x64xf32, #tpu.memory_space<vmem_shared>> -> memref<10240x64xf32, #tpu.memory_space<vmem_shared>>
      tpu.enqueue_indirect_dma source(%arg10 : memref<80x64xf32, #tpu.memory_space<vmem>>) target(%dma_start3A_147 : memref<10240x64xf32, #tpu.memory_space<vmem_shared>>) offsets(%dma_start3A_144 : memref<80xi32, #tpu.memory_space<vmem>>) semaphore(%arg20 : memref<!tpu.dma_semaphore, #tpu.memory_space<semaphore_mem>>) {add = true}
      %dma_wait3A_148 = arith.constant 0 : i32
      %dma_wait3A_149 = tpu.memref_slice %arg7[%dma_wait3A_148] : memref<10000xi32, #tpu.memory_space<vmem>> -> memref<80xi32, #tpu.memory_space<vmem>>
      %dma_wait3A_150 = arith.constant 0 : i32
      %dma_wait3A_151 = arith.constant 0 : i32
      %dma_wait3A_152 = tpu.memref_slice %arg2[%dma_wait3A_150, %dma_wait3A_151] : memref<10000x64xf32, #tpu.memory_space<hbm>> -> memref<10000x64xf32, #tpu.memory_space<hbm>>
      tpu.wait_indirect_dma semaphore(%arg16 : memref<!tpu.dma_semaphore, #tpu.memory_space<semaphore_mem>>) src(%dma_wait3A_152 : memref<10000x64xf32, #tpu.memory_space<hbm>>) dst(%arg11 : memref<80x64xf32, #tpu.memory_space<vmem>>)
      %mul3A_153 = arith.constant 5 : i32
      %mul3A_154 = arith.muli %scan3A_117, %mul3A_153 : i32
      %add3A_155 = arith.constant 2 : i32
      %add3A_156 = arith.addi %mul3A_154, %add3A_155 : i32
      %mul3A_157 = arith.constant 80 : i32
      %mul3A_158 = arith.muli %add3A_156, %mul3A_157 : i32
      %dma_start3A_159 = tpu.memref_slice %arg8[%mul3A_158] : memref<10000xi32, #tpu.memory_space<vmem>> -> memref<80xi32, #tpu.memory_space<vmem>>
      %dma_start3A_160 = arith.constant 0 : i32
      %dma_start3A_161 = arith.constant 0 : i32
      %dma_start3A_162 = tpu.memref_slice %arg24[%dma_start3A_160, %dma_start3A_161] : memref<10240x64xf32, #tpu.memory_space<vmem_shared>> -> memref<10240x64xf32, #tpu.memory_space<vmem_shared>>
      tpu.enqueue_indirect_dma source(%arg11 : memref<80x64xf32, #tpu.memory_space<vmem>>) target(%dma_start3A_162 : memref<10240x64xf32, #tpu.memory_space<vmem_shared>>) offsets(%dma_start3A_159 : memref<80xi32, #tpu.memory_space<vmem>>) semaphore(%arg21 : memref<!tpu.dma_semaphore, #tpu.memory_space<semaphore_mem>>) {add = true}
      %dma_wait3A_163 = arith.constant 0 : i32
      %dma_wait3A_164 = tpu.memref_slice %arg7[%dma_wait3A_163] : memref<10000xi32, #tpu.memory_space<vmem>> -> memref<80xi32, #tpu.memory_space<vmem>>
      %dma_wait3A_165 = arith.constant 0 : i32
      %dma_wait3A_166 = arith.constant 0 : i32
      %dma_wait3A_167 = tpu.memref_slice %arg2[%dma_wait3A_165, %dma_wait3A_166] : memref<10000x64xf32, #tpu.memory_space<hbm>> -> memref<10000x64xf32, #tpu.memory_space<hbm>>
      tpu.wait_indirect_dma semaphore(%arg17 : memref<!tpu.dma_semaphore, #tpu.memory_space<semaphore_mem>>) src(%dma_wait3A_167 : memref<10000x64xf32, #tpu.memory_space<hbm>>) dst(%arg12 : memref<80x64xf32, #tpu.memory_space<vmem>>)
      %mul3A_168 = arith.constant 5 : i32
      %mul3A_169 = arith.muli %scan3A_117, %mul3A_168 : i32
      %add3A_170 = arith.constant 3 : i32
      %add3A_171 = arith.addi %mul3A_169, %add3A_170 : i32
      %mul3A_172 = arith.constant 80 : i32
      %mul3A_173 = arith.muli %add3A_171, %mul3A_172 : i32
      %dma_start3A_174 = tpu.memref_slice %arg8[%mul3A_173] : memref<10000xi32, #tpu.memory_space<vmem>> -> memref<80xi32, #tpu.memory_space<vmem>>
      %dma_start3A_175 = arith.constant 0 : i32
      %dma_start3A_176 = arith.constant 0 : i32
      %dma_start3A_177 = tpu.memref_slice %arg24[%dma_start3A_175, %dma_start3A_176] : memref<10240x64xf32, #tpu.memory_space<vmem_shared>> -> memref<10240x64xf32, #tpu.memory_space<vmem_shared>>
      tpu.enqueue_indirect_dma source(%arg12 : memref<80x64xf32, #tpu.memory_space<vmem>>) target(%dma_start3A_177 : memref<10240x64xf32, #tpu.memory_space<vmem_shared>>) offsets(%dma_start3A_174 : memref<80xi32, #tpu.memory_space<vmem>>) semaphore(%arg22 : memref<!tpu.dma_semaphore, #tpu.memory_space<semaphore_mem>>) {add = true}
      %dma_wait3A_178 = arith.constant 0 : i32
      %dma_wait3A_179 = tpu.memref_slice %arg7[%dma_wait3A_178] : memref<10000xi32, #tpu.memory_space<vmem>> -> memref<80xi32, #tpu.memory_space<vmem>>
      %dma_wait3A_180 = arith.constant 0 : i32
      %dma_wait3A_181 = arith.constant 0 : i32
      %dma_wait3A_182 = tpu.memref_slice %arg2[%dma_wait3A_180, %dma_wait3A_181] : memref<10000x64xf32, #tpu.memory_space<hbm>> -> memref<10000x64xf32, #tpu.memory_space<hbm>>
      tpu.wait_indirect_dma semaphore(%arg18 : memref<!tpu.dma_semaphore, #tpu.memory_space<semaphore_mem>>) src(%dma_wait3A_182 : memref<10000x64xf32, #tpu.memory_space<hbm>>) dst(%arg13 : memref<80x64xf32, #tpu.memory_space<vmem>>)
      %mul3A_183 = arith.constant 5 : i32
      %mul3A_184 = arith.muli %scan3A_117, %mul3A_183 : i32
      %add3A_185 = arith.constant 4 : i32
      %add3A_186 = arith.addi %mul3A_184, %add3A_185 : i32
      %mul3A_187 = arith.constant 80 : i32
      %mul3A_188 = arith.muli %add3A_186, %mul3A_187 : i32
      %dma_start3A_189 = tpu.memref_slice %arg8[%mul3A_188] : memref<10000xi32, #tpu.memory_space<vmem>> -> memref<80xi32, #tpu.memory_space<vmem>>
      %dma_start3A_190 = arith.constant 0 : i32
      %dma_start3A_191 = arith.constant 0 : i32
      %dma_start3A_192 = tpu.memref_slice %arg24[%dma_start3A_190, %dma_start3A_191] : memref<10240x64xf32, #tpu.memory_space<vmem_shared>> -> memref<10240x64xf32, #tpu.memory_space<vmem_shared>>
      tpu.enqueue_indirect_dma source(%arg13 : memref<80x64xf32, #tpu.memory_space<vmem>>) target(%dma_start3A_192 : memref<10240x64xf32, #tpu.memory_space<vmem_shared>>) offsets(%dma_start3A_189 : memref<80xi32, #tpu.memory_space<vmem>>) semaphore(%arg23 : memref<!tpu.dma_semaphore, #tpu.memory_space<semaphore_mem>>) {add = true}
      %dma_wait3A_193 = arith.constant 0 : i32
      %dma_wait3A_194 = tpu.memref_slice %arg8[%dma_wait3A_193] : memref<10000xi32, #tpu.memory_space<vmem>> -> memref<80xi32, #tpu.memory_space<vmem>>
      %dma_wait3A_195 = arith.constant 0 : i32
      %dma_wait3A_196 = arith.constant 0 : i32
      %dma_wait3A_197 = tpu.memref_slice %arg24[%dma_wait3A_195, %dma_wait3A_196] : memref<10240x64xf32, #tpu.memory_space<vmem_shared>> -> memref<10240x64xf32, #tpu.memory_space<vmem_shared>>
      tpu.wait_indirect_dma semaphore(%arg19 : memref<!tpu.dma_semaphore, #tpu.memory_space<semaphore_mem>>) src(%arg9 : memref<80x64xf32, #tpu.memory_space<vmem>>) dst(%dma_wait3A_197 : memref<10240x64xf32, #tpu.memory_space<vmem_shared>>)
      %add3A_198 = arith.constant 1 : i32
      %add3A_199 = arith.addi %scan3A_117, %add3A_198 : i32
      %mul3A_200 = arith.constant 5 : i32
      %mul3A_201 = arith.muli %add3A_199, %mul3A_200 : i32
      %add3A_202 = arith.constant 0 : i32
      %add3A_203 = arith.addi %mul3A_201, %add3A_202 : i32
      %mul3A_204 = arith.constant 80 : i32
      %mul3A_205 = arith.muli %add3A_203, %mul3A_204 : i32
      %dma_start3A_206 = tpu.memref_slice %arg7[%mul3A_205] : memref<10000xi32, #tpu.memory_space<vmem>> -> memref<80xi32, #tpu.memory_space<vmem>>
      %dma_start3A_207 = arith.constant 0 : i32
      %dma_start3A_208 = arith.constant 0 : i32
      %dma_start3A_209 = tpu.memref_slice %arg2[%dma_start3A_207, %dma_start3A_208] : memref<10000x64xf32, #tpu.memory_space<hbm>> -> memref<10000x64xf32, #tpu.memory_space<hbm>>
      tpu.enqueue_indirect_dma source(%dma_start3A_209 : memref<10000x64xf32, #tpu.memory_space<hbm>>) target(%arg9 : memref<80x64xf32, #tpu.memory_space<vmem>>) offsets(%dma_start3A_206 : memref<80xi32, #tpu.memory_space<vmem>>) semaphore(%arg14 : memref<!tpu.dma_semaphore, #tpu.memory_space<semaphore_mem>>)
      %dma_wait3A_210 = arith.constant 0 : i32
      %dma_wait3A_211 = tpu.memref_slice %arg8[%dma_wait3A_210] : memref<10000xi32, #tpu.memory_space<vmem>> -> memref<80xi32, #tpu.memory_space<vmem>>
      %dma_wait3A_212 = arith.constant 0 : i32
      %dma_wait3A_213 = arith.constant 0 : i32
      %dma_wait3A_214 = tpu.memref_slice %arg24[%dma_wait3A_212, %dma_wait3A_213] : memref<10240x64xf32, #tpu.memory_space<vmem_shared>> -> memref<10240x64xf32, #tpu.memory_space<vmem_shared>>
      tpu.wait_indirect_dma semaphore(%arg20 : memref<!tpu.dma_semaphore, #tpu.memory_space<semaphore_mem>>) src(%arg10 : memref<80x64xf32, #tpu.memory_space<vmem>>) dst(%dma_wait3A_214 : memref<10240x64xf32, #tpu.memory_space<vmem_shared>>)
      %add3A_215 = arith.constant 1 : i32
      %add3A_216 = arith.addi %scan3A_117, %add3A_215 : i32
      %mul3A_217 = arith.constant 5 : i32
      %mul3A_218 = arith.muli %add3A_216, %mul3A_217 : i32
      %add3A_219 = arith.constant 1 : i32
      %add3A_220 = arith.addi %mul3A_218, %add3A_219 : i32
      %mul3A_221 = arith.constant 80 : i32
      %mul3A_222 = arith.muli %add3A_220, %mul3A_221 : i32
      %dma_start3A_223 = tpu.memref_slice %arg7[%mul3A_222] : memref<10000xi32, #tpu.memory_space<vmem>> -> memref<80xi32, #tpu.memory_space<vmem>>
      %dma_start3A_224 = arith.constant 0 : i32
      %dma_start3A_225 = arith.constant 0 : i32
      %dma_start3A_226 = tpu.memref_slice %arg2[%dma_start3A_224, %dma_start3A_225] : memref<10000x64xf32, #tpu.memory_space<hbm>> -> memref<10000x64xf32, #tpu.memory_space<hbm>>
      tpu.enqueue_indirect_dma source(%dma_start3A_226 : memref<10000x64xf32, #tpu.memory_space<hbm>>) target(%arg10 : memref<80x64xf32, #tpu.memory_space<vmem>>) offsets(%dma_start3A_223 : memref<80xi32, #tpu.memory_space<vmem>>) semaphore(%arg15 : memref<!tpu.dma_semaphore, #tpu.memory_space<semaphore_mem>>)
      %dma_wait3A_227 = arith.constant 0 : i32
      %dma_wait3A_228 = tpu.memref_slice %arg8[%dma_wait3A_227] : memref<10000xi32, #tpu.memory_space<vmem>> -> memref<80xi32, #tpu.memory_space<vmem>>
      %dma_wait3A_229 = arith.constant 0 : i32
      %dma_wait3A_230 = arith.constant 0 : i32
      %dma_wait3A_231 = tpu.memref_slice %arg24[%dma_wait3A_229, %dma_wait3A_230] : memref<10240x64xf32, #tpu.memory_space<vmem_shared>> -> memref<10240x64xf32, #tpu.memory_space<vmem_shared>>
      tpu.wait_indirect_dma semaphore(%arg21 : memref<!tpu.dma_semaphore, #tpu.memory_space<semaphore_mem>>) src(%arg11 : memref<80x64xf32, #tpu.memory_space<vmem>>) dst(%dma_wait3A_231 : memref<10240x64xf32, #tpu.memory_space<vmem_shared>>)
      %add3A_232 = arith.constant 1 : i32
      %add3A_233 = arith.addi %scan3A_117, %add3A_232 : i32
      %mul3A_234 = arith.constant 5 : i32
      %mul3A_235 = arith.muli %add3A_233, %mul3A_234 : i32
      %add3A_236 = arith.constant 2 : i32
      %add3A_237 = arith.addi %mul3A_235, %add3A_236 : i32
      %mul3A_238 = arith.constant 80 : i32
      %mul3A_239 = arith.muli %add3A_237, %mul3A_238 : i32
      %dma_start3A_240 = tpu.memref_slice %arg7[%mul3A_239] : memref<10000xi32, #tpu.memory_space<vmem>> -> memref<80xi32, #tpu.memory_space<vmem>>
      %dma_start3A_241 = arith.constant 0 : i32
      %dma_start3A_242 = arith.constant 0 : i32
      %dma_start3A_243 = tpu.memref_slice %arg2[%dma_start3A_241, %dma_start3A_242] : memref<10000x64xf32, #tpu.memory_space<hbm>> -> memref<10000x64xf32, #tpu.memory_space<hbm>>
      tpu.enqueue_indirect_dma source(%dma_start3A_243 : memref<10000x64xf32, #tpu.memory_space<hbm>>) target(%arg11 : memref<80x64xf32, #tpu.memory_space<vmem>>) offsets(%dma_start3A_240 : memref<80xi32, #tpu.memory_space<vmem>>) semaphore(%arg16 : memref<!tpu.dma_semaphore, #tpu.memory_space<semaphore_mem>>)
      %dma_wait3A_244 = arith.constant 0 : i32
      %dma_wait3A_245 = tpu.memref_slice %arg8[%dma_wait3A_244] : memref<10000xi32, #tpu.memory_space<vmem>> -> memref<80xi32, #tpu.memory_space<vmem>>
      %dma_wait3A_246 = arith.constant 0 : i32
      %dma_wait3A_247 = arith.constant 0 : i32
      %dma_wait3A_248 = tpu.memref_slice %arg24[%dma_wait3A_246, %dma_wait3A_247] : memref<10240x64xf32, #tpu.memory_space<vmem_shared>> -> memref<10240x64xf32, #tpu.memory_space<vmem_shared>>
      tpu.wait_indirect_dma semaphore(%arg22 : memref<!tpu.dma_semaphore, #tpu.memory_space<semaphore_mem>>) src(%arg12 : memref<80x64xf32, #tpu.memory_space<vmem>>) dst(%dma_wait3A_248 : memref<10240x64xf32, #tpu.memory_space<vmem_shared>>)
      %add3A_249 = arith.constant 1 : i32
      %add3A_250 = arith.addi %scan3A_117, %add3A_249 : i32
      %mul3A_251 = arith.constant 5 : i32
      %mul3A_252 = arith.muli %add3A_250, %mul3A_251 : i32
      %add3A_253 = arith.constant 3 : i32
      %add3A_254 = arith.addi %mul3A_252, %add3A_253 : i32
      %mul3A_255 = arith.constant 80 : i32
      %mul3A_256 = arith.muli %add3A_254, %mul3A_255 : i32
      %dma_start3A_257 = tpu.memref_slice %arg7[%mul3A_256] : memref<10000xi32, #tpu.memory_space<vmem>> -> memref<80xi32, #tpu.memory_space<vmem>>
      %dma_start3A_258 = arith.constant 0 : i32
      %dma_start3A_259 = arith.constant 0 : i32
      %dma_start3A_260 = tpu.memref_slice %arg2[%dma_start3A_258, %dma_start3A_259] : memref<10000x64xf32, #tpu.memory_space<hbm>> -> memref<10000x64xf32, #tpu.memory_space<hbm>>
      tpu.enqueue_indirect_dma source(%dma_start3A_260 : memref<10000x64xf32, #tpu.memory_space<hbm>>) target(%arg12 : memref<80x64xf32, #tpu.memory_space<vmem>>) offsets(%dma_start3A_257 : memref<80xi32, #tpu.memory_space<vmem>>) semaphore(%arg17 : memref<!tpu.dma_semaphore, #tpu.memory_space<semaphore_mem>>)
      %dma_wait3A_261 = arith.constant 0 : i32
      %dma_wait3A_262 = tpu.memref_slice %arg8[%dma_wait3A_261] : memref<10000xi32, #tpu.memory_space<vmem>> -> memref<80xi32, #tpu.memory_space<vmem>>
      %dma_wait3A_263 = arith.constant 0 : i32
      %dma_wait3A_264 = arith.constant 0 : i32
      %dma_wait3A_265 = tpu.memref_slice %arg24[%dma_wait3A_263, %dma_wait3A_264] : memref<10240x64xf32, #tpu.memory_space<vmem_shared>> -> memref<10240x64xf32, #tpu.memory_space<vmem_shared>>
      tpu.wait_indirect_dma semaphore(%arg23 : memref<!tpu.dma_semaphore, #tpu.memory_space<semaphore_mem>>) src(%arg13 : memref<80x64xf32, #tpu.memory_space<vmem>>) dst(%dma_wait3A_265 : memref<10240x64xf32, #tpu.memory_space<vmem_shared>>)
      %add3A_266 = arith.constant 1 : i32
      %add3A_267 = arith.addi %scan3A_117, %add3A_266 : i32
      %mul3A_268 = arith.constant 5 : i32
      %mul3A_269 = arith.muli %add3A_267, %mul3A_268 : i32
      %add3A_270 = arith.constant 4 : i32
      %add3A_271 = arith.addi %mul3A_269, %add3A_270 : i32
      %mul3A_272 = arith.constant 80 : i32
      %mul3A_273 = arith.muli %add3A_271, %mul3A_272 : i32
      %dma_start3A_274 = tpu.memref_slice %arg7[%mul3A_273] : memref<10000xi32, #tpu.memory_space<vmem>> -> memref<80xi32, #tpu.memory_space<vmem>>
      %dma_start3A_275 = arith.constant 0 : i32
      %dma_start3A_276 = arith.constant 0 : i32
      %dma_start3A_277 = tpu.memref_slice %arg2[%dma_start3A_275, %dma_start3A_276] : memref<10000x64xf32, #tpu.memory_space<hbm>> -> memref<10000x64xf32, #tpu.memory_space<hbm>>
      tpu.enqueue_indirect_dma source(%dma_start3A_277 : memref<10000x64xf32, #tpu.memory_space<hbm>>) target(%arg13 : memref<80x64xf32, #tpu.memory_space<vmem>>) offsets(%dma_start3A_274 : memref<80xi32, #tpu.memory_space<vmem>>) semaphore(%arg18 : memref<!tpu.dma_semaphore, #tpu.memory_space<semaphore_mem>>)
    }
    %scan3A_37 = arith.constant 24 : i32
    %dma_wait3A = arith.constant 0 : i32
    %dma_wait3A_38 = tpu.memref_slice %arg7[%dma_wait3A] : memref<10000xi32, #tpu.memory_space<vmem>> -> memref<80xi32, #tpu.memory_space<vmem>>
    %dma_wait3A_39 = arith.constant 0 : i32
    %dma_wait3A_40 = arith.constant 0 : i32
    %dma_wait3A_41 = tpu.memref_slice %arg2[%dma_wait3A_39, %dma_wait3A_40] : memref<10000x64xf32, #tpu.memory_space<hbm>> -> memref<10000x64xf32, #tpu.memory_space<hbm>>
    tpu.wait_indirect_dma semaphore(%arg14 : memref<!tpu.dma_semaphore, #tpu.memory_space<semaphore_mem>>) src(%dma_wait3A_41 : memref<10000x64xf32, #tpu.memory_space<hbm>>) dst(%arg9 : memref<80x64xf32, #tpu.memory_space<vmem>>)
    %dma_start3A_42 = arith.constant 9600 : i32
    %dma_start3A_43 = tpu.memref_slice %arg8[%dma_start3A_42] : memref<10000xi32, #tpu.memory_space<vmem>> -> memref<80xi32, #tpu.memory_space<vmem>>
    %dma_start3A_44 = arith.constant 0 : i32
    %dma_start3A_45 = arith.constant 0 : i32
    %dma_start3A_46 = tpu.memref_slice %arg24[%dma_start3A_44, %dma_start3A_45] : memref<10240x64xf32, #tpu.memory_space<vmem_shared>> -> memref<10240x64xf32, #tpu.memory_space<vmem_shared>>
    tpu.enqueue_indirect_dma source(%arg9 : memref<80x64xf32, #tpu.memory_space<vmem>>) target(%dma_start3A_46 : memref<10240x64xf32, #tpu.memory_space<vmem_shared>>) offsets(%dma_start3A_43 : memref<80xi32, #tpu.memory_space<vmem>>) semaphore(%arg19 : memref<!tpu.dma_semaphore, #tpu.memory_space<semaphore_mem>>) {add = true}
    %dma_wait3A_47 = arith.constant 0 : i32
    %dma_wait3A_48 = tpu.memref_slice %arg7[%dma_wait3A_47] : memref<10000xi32, #tpu.memory_space<vmem>> -> memref<80xi32, #tpu.memory_space<vmem>>
    %dma_wait3A_49 = arith.constant 0 : i32
    %dma_wait3A_50 = arith.constant 0 : i32
    %dma_wait3A_51 = tpu.memref_slice %arg2[%dma_wait3A_49, %dma_wait3A_50] : memref<10000x64xf32, #tpu.memory_space<hbm>> -> memref<10000x64xf32, #tpu.memory_space<hbm>>
    tpu.wait_indirect_dma semaphore(%arg15 : memref<!tpu.dma_semaphore, #tpu.memory_space<semaphore_mem>>) src(%dma_wait3A_51 : memref<10000x64xf32, #tpu.memory_space<hbm>>) dst(%arg10 : memref<80x64xf32, #tpu.memory_space<vmem>>)
    %dma_start3A_52 = arith.constant 9680 : i32
    %dma_start3A_53 = tpu.memref_slice %arg8[%dma_start3A_52] : memref<10000xi32, #tpu.memory_space<vmem>> -> memref<80xi32, #tpu.memory_space<vmem>>
    %dma_start3A_54 = arith.constant 0 : i32
    %dma_start3A_55 = arith.constant 0 : i32
    %dma_start3A_56 = tpu.memref_slice %arg24[%dma_start3A_54, %dma_start3A_55] : memref<10240x64xf32, #tpu.memory_space<vmem_shared>> -> memref<10240x64xf32, #tpu.memory_space<vmem_shared>>
    tpu.enqueue_indirect_dma source(%arg10 : memref<80x64xf32, #tpu.memory_space<vmem>>) target(%dma_start3A_56 : memref<10240x64xf32, #tpu.memory_space<vmem_shared>>) offsets(%dma_start3A_53 : memref<80xi32, #tpu.memory_space<vmem>>) semaphore(%arg20 : memref<!tpu.dma_semaphore, #tpu.memory_space<semaphore_mem>>) {add = true}
    %dma_wait3A_57 = arith.constant 0 : i32
    %dma_wait3A_58 = tpu.memref_slice %arg7[%dma_wait3A_57] : memref<10000xi32, #tpu.memory_space<vmem>> -> memref<80xi32, #tpu.memory_space<vmem>>
    %dma_wait3A_59 = arith.constant 0 : i32
    %dma_wait3A_60 = arith.constant 0 : i32
    %dma_wait3A_61 = tpu.memref_slice %arg2[%dma_wait3A_59, %dma_wait3A_60] : memref<10000x64xf32, #tpu.memory_space<hbm>> -> memref<10000x64xf32, #tpu.memory_space<hbm>>
    tpu.wait_indirect_dma semaphore(%arg16 : memref<!tpu.dma_semaphore, #tpu.memory_space<semaphore_mem>>) src(%dma_wait3A_61 : memref<10000x64xf32, #tpu.memory_space<hbm>>) dst(%arg11 : memref<80x64xf32, #tpu.memory_space<vmem>>)
    %dma_start3A_62 = arith.constant 9760 : i32
    %dma_start3A_63 = tpu.memref_slice %arg8[%dma_start3A_62] : memref<10000xi32, #tpu.memory_space<vmem>> -> memref<80xi32, #tpu.memory_space<vmem>>
    %dma_start3A_64 = arith.constant 0 : i32
    %dma_start3A_65 = arith.constant 0 : i32
    %dma_start3A_66 = tpu.memref_slice %arg24[%dma_start3A_64, %dma_start3A_65] : memref<10240x64xf32, #tpu.memory_space<vmem_shared>> -> memref<10240x64xf32, #tpu.memory_space<vmem_shared>>
    tpu.enqueue_indirect_dma source(%arg11 : memref<80x64xf32, #tpu.memory_space<vmem>>) target(%dma_start3A_66 : memref<10240x64xf32, #tpu.memory_space<vmem_shared>>) offsets(%dma_start3A_63 : memref<80xi32, #tpu.memory_space<vmem>>) semaphore(%arg21 : memref<!tpu.dma_semaphore, #tpu.memory_space<semaphore_mem>>) {add = true}
    %dma_wait3A_67 = arith.constant 0 : i32
    %dma_wait3A_68 = tpu.memref_slice %arg7[%dma_wait3A_67] : memref<10000xi32, #tpu.memory_space<vmem>> -> memref<80xi32, #tpu.memory_space<vmem>>
    %dma_wait3A_69 = arith.constant 0 : i32
    %dma_wait3A_70 = arith.constant 0 : i32
    %dma_wait3A_71 = tpu.memref_slice %arg2[%dma_wait3A_69, %dma_wait3A_70] : memref<10000x64xf32, #tpu.memory_space<hbm>> -> memref<10000x64xf32, #tpu.memory_space<hbm>>
    tpu.wait_indirect_dma semaphore(%arg17 : memref<!tpu.dma_semaphore, #tpu.memory_space<semaphore_mem>>) src(%dma_wait3A_71 : memref<10000x64xf32, #tpu.memory_space<hbm>>) dst(%arg12 : memref<80x64xf32, #tpu.memory_space<vmem>>)
    %dma_start3A_72 = arith.constant 9840 : i32
    %dma_start3A_73 = tpu.memref_slice %arg8[%dma_start3A_72] : memref<10000xi32, #tpu.memory_space<vmem>> -> memref<80xi32, #tpu.memory_space<vmem>>
    %dma_start3A_74 = arith.constant 0 : i32
    %dma_start3A_75 = arith.constant 0 : i32
    %dma_start3A_76 = tpu.memref_slice %arg24[%dma_start3A_74, %dma_start3A_75] : memref<10240x64xf32, #tpu.memory_space<vmem_shared>> -> memref<10240x64xf32, #tpu.memory_space<vmem_shared>>
    tpu.enqueue_indirect_dma source(%arg12 : memref<80x64xf32, #tpu.memory_space<vmem>>) target(%dma_start3A_76 : memref<10240x64xf32, #tpu.memory_space<vmem_shared>>) offsets(%dma_start3A_73 : memref<80xi32, #tpu.memory_space<vmem>>) semaphore(%arg22 : memref<!tpu.dma_semaphore, #tpu.memory_space<semaphore_mem>>) {add = true}
    %dma_wait3A_77 = arith.constant 0 : i32
    %dma_wait3A_78 = tpu.memref_slice %arg7[%dma_wait3A_77] : memref<10000xi32, #tpu.memory_space<vmem>> -> memref<80xi32, #tpu.memory_space<vmem>>
    %dma_wait3A_79 = arith.constant 0 : i32
    %dma_wait3A_80 = arith.constant 0 : i32
    %dma_wait3A_81 = tpu.memref_slice %arg2[%dma_wait3A_79, %dma_wait3A_80] : memref<10000x64xf32, #tpu.memory_space<hbm>> -> memref<10000x64xf32, #tpu.memory_space<hbm>>
    tpu.wait_indirect_dma semaphore(%arg18 : memref<!tpu.dma_semaphore, #tpu.memory_space<semaphore_mem>>) src(%dma_wait3A_81 : memref<10000x64xf32, #tpu.memory_space<hbm>>) dst(%arg13 : memref<80x64xf32, #tpu.memory_space<vmem>>)
    %dma_start3A_82 = arith.constant 9920 : i32
    %dma_start3A_83 = tpu.memref_slice %arg8[%dma_start3A_82] : memref<10000xi32, #tpu.memory_space<vmem>> -> memref<80xi32, #tpu.memory_space<vmem>>
    %dma_start3A_84 = arith.constant 0 : i32
    %dma_start3A_85 = arith.constant 0 : i32
    %dma_start3A_86 = tpu.memref_slice %arg24[%dma_start3A_84, %dma_start3A_85] : memref<10240x64xf32, #tpu.memory_space<vmem_shared>> -> memref<10240x64xf32, #tpu.memory_space<vmem_shared>>
    tpu.enqueue_indirect_dma source(%arg13 : memref<80x64xf32, #tpu.memory_space<vmem>>) target(%dma_start3A_86 : memref<10240x64xf32, #tpu.memory_space<vmem_shared>>) offsets(%dma_start3A_83 : memref<80xi32, #tpu.memory_space<vmem>>) semaphore(%arg23 : memref<!tpu.dma_semaphore, #tpu.memory_space<semaphore_mem>>) {add = true}
    %dma_wait3A_87 = arith.constant 0 : i32
    %dma_wait3A_88 = tpu.memref_slice %arg8[%dma_wait3A_87] : memref<10000xi32, #tpu.memory_space<vmem>> -> memref<80xi32, #tpu.memory_space<vmem>>
    %dma_wait3A_89 = arith.constant 0 : i32
    %dma_wait3A_90 = arith.constant 0 : i32
    %dma_wait3A_91 = tpu.memref_slice %arg24[%dma_wait3A_89, %dma_wait3A_90] : memref<10240x64xf32, #tpu.memory_space<vmem_shared>> -> memref<10240x64xf32, #tpu.memory_space<vmem_shared>>
    tpu.wait_indirect_dma semaphore(%arg19 : memref<!tpu.dma_semaphore, #tpu.memory_space<semaphore_mem>>) src(%arg9 : memref<80x64xf32, #tpu.memory_space<vmem>>) dst(%dma_wait3A_91 : memref<10240x64xf32, #tpu.memory_space<vmem_shared>>)
    %dma_wait3A_92 = arith.constant 0 : i32
    %dma_wait3A_93 = tpu.memref_slice %arg8[%dma_wait3A_92] : memref<10000xi32, #tpu.memory_space<vmem>> -> memref<80xi32, #tpu.memory_space<vmem>>
    %dma_wait3A_94 = arith.constant 0 : i32
    %dma_wait3A_95 = arith.constant 0 : i32
    %dma_wait3A_96 = tpu.memref_slice %arg24[%dma_wait3A_94, %dma_wait3A_95] : memref<10240x64xf32, #tpu.memory_space<vmem_shared>> -> memref<10240x64xf32, #tpu.memory_space<vmem_shared>>
    tpu.wait_indirect_dma semaphore(%arg20 : memref<!tpu.dma_semaphore, #tpu.memory_space<semaphore_mem>>) src(%arg10 : memref<80x64xf32, #tpu.memory_space<vmem>>) dst(%dma_wait3A_96 : memref<10240x64xf32, #tpu.memory_space<vmem_shared>>)
    %dma_wait3A_97 = arith.constant 0 : i32
    %dma_wait3A_98 = tpu.memref_slice %arg8[%dma_wait3A_97] : memref<10000xi32, #tpu.memory_space<vmem>> -> memref<80xi32, #tpu.memory_space<vmem>>
    %dma_wait3A_99 = arith.constant 0 : i32
    %dma_wait3A_100 = arith.constant 0 : i32
    %dma_wait3A_101 = tpu.memref_slice %arg24[%dma_wait3A_99, %dma_wait3A_100] : memref<10240x64xf32, #tpu.memory_space<vmem_shared>> -> memref<10240x64xf32, #tpu.memory_space<vmem_shared>>
    tpu.wait_indirect_dma semaphore(%arg21 : memref<!tpu.dma_semaphore, #tpu.memory_space<semaphore_mem>>) src(%arg11 : memref<80x64xf32, #tpu.memory_space<vmem>>) dst(%dma_wait3A_101 : memref<10240x64xf32, #tpu.memory_space<vmem_shared>>)
    %dma_wait3A_102 = arith.constant 0 : i32
    %dma_wait3A_103 = tpu.memref_slice %arg8[%dma_wait3A_102] : memref<10000xi32, #tpu.memory_space<vmem>> -> memref<80xi32, #tpu.memory_space<vmem>>
    %dma_wait3A_104 = arith.constant 0 : i32
    %dma_wait3A_105 = arith.constant 0 : i32
    %dma_wait3A_106 = tpu.memref_slice %arg24[%dma_wait3A_104, %dma_wait3A_105] : memref<10240x64xf32, #tpu.memory_space<vmem_shared>> -> memref<10240x64xf32, #tpu.memory_space<vmem_shared>>
    tpu.wait_indirect_dma semaphore(%arg22 : memref<!tpu.dma_semaphore, #tpu.memory_space<semaphore_mem>>) src(%arg12 : memref<80x64xf32, #tpu.memory_space<vmem>>) dst(%dma_wait3A_106 : memref<10240x64xf32, #tpu.memory_space<vmem_shared>>)
    %dma_wait3A_107 = arith.constant 0 : i32
    %dma_wait3A_108 = tpu.memref_slice %arg8[%dma_wait3A_107] : memref<10000xi32, #tpu.memory_space<vmem>> -> memref<80xi32, #tpu.memory_space<vmem>>
    %dma_wait3A_109 = arith.constant 0 : i32
    %dma_wait3A_110 = arith.constant 0 : i32
    %dma_wait3A_111 = tpu.memref_slice %arg24[%dma_wait3A_109, %dma_wait3A_110] : memref<10240x64xf32, #tpu.memory_space<vmem_shared>> -> memref<10240x64xf32, #tpu.memory_space<vmem_shared>>
    tpu.wait_indirect_dma semaphore(%arg23 : memref<!tpu.dma_semaphore, #tpu.memory_space<semaphore_mem>>) src(%arg13 : memref<80x64xf32, #tpu.memory_space<vmem>>) dst(%dma_wait3A_111 : memref<10240x64xf32, #tpu.memory_space<vmem_shared>>)
    %barrier3A_112 = arith.constant 0 : index
    tpu.barrier barrier_id(%barrier3A_112)
    %mul3A_113 = arith.constant 640 : i32
    %mul3A_114 = arith.muli %arg1, %mul3A_113 : i32
    %mul3A_115 = arith.constant 640 : i32
    %mul3A_116 = arith.muli %arg1, %mul3A_115 : i32
    "tpu.region"() ({
      %run_scoped3A = tpu.sem_alloc : memref<!tpu.dma_semaphore, #tpu.memory_space<semaphore_mem>>
      %dma_start3A_117 = arith.constant 0 : i32
      %dma_start3A_118 = tpu.memref_slice %arg6[%arg0, %mul3A_116, %dma_start3A_117] : memref<2x10240x64xf32, #tpu.memory_space<hbm>> -> memref<1x640x64xf32, #tpu.memory_space<hbm>>
      %dma_start3A_119 = tpu.memref_squeeze %dma_start3A_118 : memref<1x640x64xf32, #tpu.memory_space<hbm>> -> memref<640x64xf32, #tpu.memory_space<hbm>>
      %dma_start3A_120 = arith.constant 0 : i32
      %dma_start3A_121 = tpu.memref_slice %arg24[%mul3A_114, %dma_start3A_120] : memref<10240x64xf32, #tpu.memory_space<vmem_shared>> -> memref<640x64xf32, #tpu.memory_space<vmem_shared>>
      tpu.enqueue_dma source(%dma_start3A_121 : memref<640x64xf32, #tpu.memory_space<vmem_shared>>) target(%dma_start3A_119 : memref<640x64xf32, #tpu.memory_space<hbm>>) target_semaphore(%run_scoped3A : memref<!tpu.dma_semaphore, #tpu.memory_space<semaphore_mem>>)
      %dma_wait3A_122 = arith.constant 0 : i32
      %dma_wait3A_123 = tpu.memref_slice %arg6[%arg0, %mul3A_116, %dma_wait3A_122] : memref<2x10240x64xf32, #tpu.memory_space<hbm>> -> memref<1x640x64xf32, #tpu.memory_space<hbm>>
      %dma_wait3A_124 = tpu.memref_squeeze %dma_wait3A_123 : memref<1x640x64xf32, #tpu.memory_space<hbm>> -> memref<640x64xf32, #tpu.memory_space<hbm>>
      %dma_wait3A_125 = arith.constant 0 : i32
      %dma_wait3A_126 = tpu.memref_slice %arg24[%mul3A_114, %dma_wait3A_125] : memref<10240x64xf32, #tpu.memory_space<vmem_shared>> -> memref<640x64xf32, #tpu.memory_space<vmem_shared>>
      tpu.wait_dma2 semaphore(%run_scoped3A : memref<!tpu.dma_semaphore, #tpu.memory_space<semaphore_mem>>) src(%dma_wait3A_126 : memref<640x64xf32, #tpu.memory_space<vmem_shared>>) dst(%dma_wait3A_124 : memref<640x64xf32, #tpu.memory_space<hbm>>)
      tpu.yield
    }) : () -> ()
    return
  }
}

module attributes {stable_mosaic.version = 14 : i64} {
  func.func @_mm1_body(%arg0: memref<10000x128xf32, #tpu.memory_space<vmem>>, %arg1: memref<128x64xf32, #tpu.memory_space<vmem>>, %arg2: memref<10000x64xf32, #tpu.memory_space<vmem>>) attributes {dimension_semantics = [], scalar_prefetch = 0 : i64, scratch_operands = 0 : i64, tpu.core_type = #tpu.core_type<tc>} {
    %get3A = arith.constant 0 : index
    %get3A_0 = arith.constant 0 : index
    %get3A_1 = vector.load %arg0[%get3A, %get3A_0] : memref<10000x128xf32, #tpu.memory_space<vmem>>, vector<10000x128xf32>
    %get3A_2 = arith.constant 0 : index
    %get3A_3 = arith.constant 0 : index
    %get3A_4 = vector.load %arg1[%get3A_2, %get3A_3] : memref<128x64xf32, #tpu.memory_space<vmem>>, vector<128x64xf32>
    %dot_general3A = arith.constant dense<0.000000e+00> : vector<10000x64xf32>
    %dot_general3A_5 = tpu.matmul %get3A_1, %get3A_4, %dot_general3A {dimension_numbers = #tpu.dot_dimension_numbers<[1], [0], [0], [1], [0, 0, 1, 1], [], []>, transpose_lhs_hint = false} : vector<10000x128xf32>, vector<128x64xf32>, vector<10000x64xf32> -> vector<10000x64xf32>
    %swap3A = arith.constant 0 : index
    %swap3A_6 = arith.constant 0 : index
    %swap3A_7 = vector.load %arg2[%swap3A, %swap3A_6] : memref<10000x64xf32, #tpu.memory_space<vmem>>, vector<10000x64xf32>
    tpu.vector_store %arg2[%swap3A, %swap3A_6], %dot_general3A_5 {strides = array<i32>} : memref<10000x64xf32, #tpu.memory_space<vmem>>, vector<10000x64xf32>,
    return
  }
}

module attributes {stable_mosaic.version = 14 : i64} {
  func.func @_scale1_body(%arg0: memref<10000x64xf32, #tpu.memory_space<vmem>>, %arg1: memref<20480xf32, #tpu.memory_space<vmem>>, %arg2: memref<10000x64xf32, #tpu.memory_space<vmem>>, %arg3: memref<10000x64xf32, #tpu.memory_space<vmem>>) attributes {dimension_semantics = [], scalar_prefetch = 0 : i64, scratch_operands = 0 : i64, tpu.core_type = #tpu.core_type<tc>} {
    %get3A = arith.constant 0 : index
    %get3A_0 = vector.load %arg1[%get3A] : memref<20480xf32, #tpu.memory_space<vmem>>, vector<10000xf32>
    %get3A_1 = arith.constant 10240 : index
    %get3A_2 = vector.load %arg1[%get3A_1] : memref<20480xf32, #tpu.memory_space<vmem>>, vector<10000xf32>
    %add3A = arith.addf %get3A_0, %get3A_2 : vector<10000xf32>
    %add3A_3 = arith.constant 1.000000e+00 : f32
    %add3A_4 = vector.broadcast %add3A_3 : f32 to vector<10000xf32>
    %add3A_5 = arith.addf %add3A, %add3A_4 : vector<10000xf32>
    %max3A = arith.constant 9.99999996E-13 : f32
    %max3A_6 = vector.broadcast %max3A : f32 to vector<10000xf32>
    %max3A_7 = arith.maximumf %add3A_5, %max3A_6 : vector<10000xf32>
    %rsqrt3A = math.rsqrt %max3A_7 : vector<10000xf32>
    %broadcast_in_dim3A = vector.shape_cast %rsqrt3A : vector<10000xf32> to vector<10000x1xf32>
    %broadcast_in_dim3A_8 = vector.shape_cast %broadcast_in_dim3A : vector<10000x1xf32> to vector<10000x1xf32>
    %broadcast_in_dim3A_9 = vector.broadcast %broadcast_in_dim3A_8 : vector<10000x1xf32> to vector<10000x64xf32>
    %swap3A = arith.constant 0 : index
    %swap3A_10 = arith.constant 0 : index
    %swap3A_11 = vector.load %arg3[%swap3A, %swap3A_10] : memref<10000x64xf32, #tpu.memory_space<vmem>>, vector<10000x64xf32>
    tpu.vector_store %arg3[%swap3A, %swap3A_10], %broadcast_in_dim3A_9 {strides = array<i32>} : memref<10000x64xf32, #tpu.memory_space<vmem>>, vector<10000x64xf32>,
    %get3A_12 = arith.constant 0 : index
    %get3A_13 = arith.constant 0 : index
    %get3A_14 = vector.load %arg0[%get3A_12, %get3A_13] : memref<10000x64xf32, #tpu.memory_space<vmem>>, vector<10000x64xf32>
    %mul3A = arith.mulf %get3A_14, %broadcast_in_dim3A_9 : vector<10000x64xf32>
    %swap3A_15 = arith.constant 0 : index
    %swap3A_16 = arith.constant 0 : index
    %swap3A_17 = vector.load %arg2[%swap3A_15, %swap3A_16] : memref<10000x64xf32, #tpu.memory_space<vmem>>, vector<10000x64xf32>
    tpu.vector_store %arg2[%swap3A_15, %swap3A_16], %mul3A {strides = array<i32>} : memref<10000x64xf32, #tpu.memory_space<vmem>>, vector<10000x64xf32>,
    return
  }
}

module attributes {stable_mosaic.version = 14 : i64} {
  func.func @_mid_body(%arg0: memref<2x10240x64xf32, #tpu.memory_space<vmem>>, %arg1: memref<10000x64xf32, #tpu.memory_space<vmem>>, %arg2: memref<10000x64xf32, #tpu.memory_space<vmem>>, %arg3: memref<64xf32, #tpu.memory_space<vmem>>, %arg4: memref<64x64xf32, #tpu.memory_space<vmem>>, %arg5: memref<10000x64xf32, #tpu.memory_space<vmem>>) attributes {dimension_semantics = [], scalar_prefetch = 0 : i64, scratch_operands = 0 : i64, tpu.core_type = #tpu.core_type<tc>} {
    %get3A = arith.constant 0 : index
    %get3A_0 = arith.constant 0 : index
    %get3A_1 = vector.load %arg2[%get3A, %get3A_0] : memref<10000x64xf32, #tpu.memory_space<vmem>>, vector<10000x64xf32>
    %get3A_2 = arith.constant 0 : index
    %get3A_3 = arith.constant 0 : index
    %get3A_4 = arith.constant 0 : index
    %get3A_5 = vector.load %arg0[%get3A_2, %get3A_3, %get3A_4] : memref<2x10240x64xf32, #tpu.memory_space<vmem>>, vector<1x10000x64xf32>
    %get3A_6 = vector.shape_cast %get3A_5 : vector<1x10000x64xf32> to vector<10000x64xf32>
    %get3A_7 = arith.constant 1 : index
    %get3A_8 = arith.constant 0 : index
    %get3A_9 = arith.constant 0 : index
    %get3A_10 = vector.load %arg0[%get3A_7, %get3A_8, %get3A_9] : memref<2x10240x64xf32, #tpu.memory_space<vmem>>, vector<1x10000x64xf32>
    %get3A_11 = vector.shape_cast %get3A_10 : vector<1x10000x64xf32> to vector<10000x64xf32>
    %add3A = arith.addf %get3A_6, %get3A_11 : vector<10000x64xf32>
    %get3A_12 = arith.constant 0 : index
    %get3A_13 = arith.constant 0 : index
    %get3A_14 = vector.load %arg1[%get3A_12, %get3A_13] : memref<10000x64xf32, #tpu.memory_space<vmem>>, vector<10000x64xf32>
    %add3A_15 = arith.addf %add3A, %get3A_14 : vector<10000x64xf32>
    %mul3A = arith.mulf %get3A_1, %add3A_15 : vector<10000x64xf32>
    %get3A_16 = arith.constant 0 : index
    %get3A_17 = vector.load %arg3[%get3A_16] : memref<64xf32, #tpu.memory_space<vmem>>, vector<64xf32>
    %broadcast_in_dim3A = vector.shape_cast %get3A_17 : vector<64xf32> to vector<1x64xf32>
    %add3A_18 = vector.broadcast %broadcast_in_dim3A : vector<1x64xf32> to vector<10000x64xf32>
    %add3A_19 = arith.addf %mul3A, %add3A_18 : vector<10000x64xf32>
    %max3A = arith.constant 0.000000e+00 : f32
    %max3A_20 = vector.broadcast %max3A : f32 to vector<10000x64xf32>
    %max3A_21 = arith.maximumf %add3A_19, %max3A_20 : vector<10000x64xf32>
    %get3A_22 = arith.constant 0 : index
    %get3A_23 = arith.constant 0 : index
    %get3A_24 = vector.load %arg4[%get3A_22, %get3A_23] : memref<64x64xf32, #tpu.memory_space<vmem>>, vector<64x64xf32>
    %dot_general3A = arith.constant dense<0.000000e+00> : vector<10000x64xf32>
    %dot_general3A_25 = tpu.matmul %max3A_21, %get3A_24, %dot_general3A {dimension_numbers = #tpu.dot_dimension_numbers<[1], [0], [0], [1], [0, 0, 1, 1], [], []>, transpose_lhs_hint = false} : vector<10000x64xf32>, vector<64x64xf32>, vector<10000x64xf32> -> vector<10000x64xf32>
    %get3A_26 = arith.constant 0 : index
    %get3A_27 = arith.constant 0 : index
    %get3A_28 = vector.load %arg2[%get3A_26, %get3A_27] : memref<10000x64xf32, #tpu.memory_space<vmem>>, vector<10000x64xf32>
    %mul3A_29 = arith.mulf %dot_general3A_25, %get3A_28 : vector<10000x64xf32>
    %swap3A = arith.constant 0 : index
    %swap3A_30 = arith.constant 0 : index
    %swap3A_31 = vector.load %arg5[%swap3A, %swap3A_30] : memref<10000x64xf32, #tpu.memory_space<vmem>>, vector<10000x64xf32>
    tpu.vector_store %arg5[%swap3A, %swap3A_30], %mul3A_29 {strides = array<i32>} : memref<10000x64xf32, #tpu.memory_space<vmem>>, vector<10000x64xf32>,
    return
  }
}

module attributes {stable_mosaic.version = 14 : i64} {
  func.func @_fin_body(%arg0: memref<2x10240x64xf32, #tpu.memory_space<vmem>>, %arg1: memref<10000x64xf32, #tpu.memory_space<vmem>>, %arg2: memref<10000x64xf32, #tpu.memory_space<vmem>>, %arg3: memref<64xf32, #tpu.memory_space<vmem>>, %arg4: memref<64x1xf32, #tpu.memory_space<vmem>>, %arg5: memref<1x1xf32, #tpu.memory_space<vmem>>, %arg6: memref<1x1xf32, #tpu.memory_space<vmem>>) attributes {dimension_semantics = [], scalar_prefetch = 0 : i64, scratch_operands = 0 : i64, tpu.core_type = #tpu.core_type<tc>} {
    %get3A = arith.constant 0 : index
    %get3A_0 = arith.constant 0 : index
    %get3A_1 = vector.load %arg2[%get3A, %get3A_0] : memref<10000x64xf32, #tpu.memory_space<vmem>>, vector<10000x64xf32>
    %get3A_2 = arith.constant 0 : index
    %get3A_3 = arith.constant 0 : index
    %get3A_4 = arith.constant 0 : index
    %get3A_5 = vector.load %arg0[%get3A_2, %get3A_3, %get3A_4] : memref<2x10240x64xf32, #tpu.memory_space<vmem>>, vector<1x10000x64xf32>
    %get3A_6 = vector.shape_cast %get3A_5 : vector<1x10000x64xf32> to vector<10000x64xf32>
    %get3A_7 = arith.constant 1 : index
    %get3A_8 = arith.constant 0 : index
    %get3A_9 = arith.constant 0 : index
    %get3A_10 = vector.load %arg0[%get3A_7, %get3A_8, %get3A_9] : memref<2x10240x64xf32, #tpu.memory_space<vmem>>, vector<1x10000x64xf32>
    %get3A_11 = vector.shape_cast %get3A_10 : vector<1x10000x64xf32> to vector<10000x64xf32>
    %add3A = arith.addf %get3A_6, %get3A_11 : vector<10000x64xf32>
    %get3A_12 = arith.constant 0 : index
    %get3A_13 = arith.constant 0 : index
    %get3A_14 = vector.load %arg1[%get3A_12, %get3A_13] : memref<10000x64xf32, #tpu.memory_space<vmem>>, vector<10000x64xf32>
    %add3A_15 = arith.addf %add3A, %get3A_14 : vector<10000x64xf32>
    %mul3A = arith.mulf %get3A_1, %add3A_15 : vector<10000x64xf32>
    %get3A_16 = arith.constant 0 : index
    %get3A_17 = vector.load %arg3[%get3A_16] : memref<64xf32, #tpu.memory_space<vmem>>, vector<64xf32>
    %broadcast_in_dim3A = vector.shape_cast %get3A_17 : vector<64xf32> to vector<1x64xf32>
    %add3A_18 = vector.broadcast %broadcast_in_dim3A : vector<1x64xf32> to vector<10000x64xf32>
    %add3A_19 = arith.addf %mul3A, %add3A_18 : vector<10000x64xf32>
    %reduce_sum3A = arith.constant dense<0.000000e+00> : vector<64xf32>
    %reduce_sum3A_20 = vector.multi_reduction <add>, %add3A_19, %reduce_sum3A [0] : vector<10000x64xf32> to vector<64xf32>
    %broadcast_in_dim3A_21 = vector.shape_cast %reduce_sum3A_20 : vector<64xf32> to vector<1x64xf32>
    %mul3A_22 = arith.constant 9.99999974E-5 : f32
    %mul3A_23 = vector.broadcast %mul3A_22 : f32 to vector<1x64xf32>
    %mul3A_24 = arith.mulf %broadcast_in_dim3A_21, %mul3A_23 : vector<1x64xf32>
    %get3A_25 = arith.constant 0 : index
    %get3A_26 = arith.constant 0 : index
    %get3A_27 = vector.load %arg4[%get3A_25, %get3A_26] : memref<64x1xf32, #tpu.memory_space<vmem>>, vector<64x1xf32>
    %dot_general3A = arith.constant dense<0.000000e+00> : vector<1x1xf32>
    %dot_general3A_28 = tpu.matmul %mul3A_24, %get3A_27, %dot_general3A {dimension_numbers = #tpu.dot_dimension_numbers<[1], [0], [0], [1], [0, 0, 1, 1], [], []>, transpose_lhs_hint = false} : vector<1x64xf32>, vector<64x1xf32>, vector<1x1xf32> -> vector<1x1xf32>
    %get3A_29 = arith.constant 0 : index
    %get3A_30 = arith.constant 0 : index
    %get3A_31 = vector.load %arg5[%get3A_29, %get3A_30] : memref<1x1xf32, #tpu.memory_space<vmem>>, vector<1x1xf32>
    %add3A_32 = arith.addf %dot_general3A_28, %get3A_31 : vector<1x1xf32>
    %swap3A = arith.constant 0 : index
    %swap3A_33 = arith.constant 0 : index
    %swap3A_34 = vector.load %arg6[%swap3A, %swap3A_33] : memref<1x1xf32, #tpu.memory_space<vmem>>, vector<1x1xf32>
    tpu.vector_store %arg6[%swap3A, %swap3A_33], %add3A_32 {strides = array<i32>} : memref<1x1xf32, #tpu.memory_space<vmem>>, vector<1x1xf32>,
    return
  }
}

</mosaic_0001>

<sc_bundles>
// kernel: kernel.11.cloned.1.call-start
scs
__scs_entry_jumppad:
0x0: {  	(pc) =	sbr.rel $0x88, $3  }
0x1: {  	(tag) =	ssettag $0x0;
	lr =	simm.s32 $0x1  }
0x2: {  	[smem:$0x3F97] =	sst lr;
	_ =	strace $0xD0000000  }
0x3: {  	_ = 	snop  }
0x4: {  	_ = 	snop  }
0x5: {  	_ = 	snop  }
0x6: {  	_ = 	snop  }
0x7: {  	_ = 	snop  }
__scs_overlays_trampoline_lowered:
0x8: {  	[smem:$0x3FA6] =	sst s0  }
0x9: {  	[smem:$0x3FA7] =	sst s1  }
0xa: {  	[smem:$0x3FA8] =	sst s2  }
0xb: {  	[smem:$0x3FA9] =	sst s3  }
0xc: {  	[smem:$0x3FAA] =	sst s4  }
0xd: {  	[smem:$0x3FAB] =	sst s5  }
0xe: {  	[smem:$0x3FAC] =	sst s6  }
0xf: {  	[smem:$0x3FAD] =	sst s7  }
0x10: {  	[smem:$0x3FAE] =	sst s8  }
0x11: {  	[smem:$0x3FAF] =	sst s9;
	s0 =	simm.s32 @!p0 $0x0  }
0x12: {  	s1 =	sld [smem:$0x3F95];
	s0 =	simm.s32 @p0 $0x1  }
0x13: {  	[smem:$0x3FB0] =	sst s0;
	s0 =	simm.s32 @!p1 $0x0  }
0x14: {  	s2 =	sld [smem:$0x3F94];
	s0 =	simm.s32 @p1 $0x1  }
0x15: {  	[smem:$0x3FB1] =	sst s0;
	s0 =	simm.s32 @!p2 $0x0  }
0x16: {  	s3 =	sld [smem:$0x3FDB];
	s0 =	simm.s32 @p2 $0x1  }
0x17: {  	s4 =	simm.s32 $0x1BF5;
	[smem:$0x3FB3] =	sst s0  }
0x18: {  	s0 =	sld [smem:$0x3F96];
	_ =	swait.ge [sflag:s4], $0x0  }
0x19: {  	s7 =	sld [smem:$0x3F97]  }
0x1a: {  	s8 =	sadd.s32 $0xFFFFE003, lr  }
0x1b: {  	s9 =	sadd.s32 $0xFFFFFEF7, lr;
	s5 =	simm.s32 $0xFFFFFFFF;
	p2 =	slt.u32 s8, $0xFFFFF086  }
0x1c: {  	p1 =	slt.u32 s9, $0xF7A;
	s5 =	simm.s32 @!p2 $0x0  }
0x1d: {  	s5 =	simm.s32 @p1 $0x1;
	p0 =	seq.s32 s7, s2  }
0x1e: {  	s7 =	smul.u32 @!p0 $0xF7A, s2;
	p2 =	seq.s32 @!p0 s5, $0x0  }
0x1f: {  	s9 =	smul.u32 $0xF7A, s1;
	s8 =	simm.s32 @!p0 $0x1BF5;
	p2 =	por !p2, p0  }
0x20: {  	[sflag:s8] =	ssyncset.s32 @!p0 $0xFFFFF086;
	s6 =	sadd.s32 @!p0 s3, s7;
	s7 =	simm.s32 @!p0 $0x108  }
0x21: {  	s3 =	sadd.s32 s3, s9;
	s6 =	sadd.s32 @!p0 $0x88, s6;
	s7 =	simm.s32 @p2 $0x1082  }
0x22: {  	[simem:s7], [sflag:s8] =	dma.local @!p0 [hbm:s6], $0xF7A  }
0x23: {  	s9 =	sor.u32 $0xD0000000, s2;
	s6 =	simm.s32 $0x108;
	_ =	swait.ge @!p0 [sflag:s8], $0x0  }
0x24: {  	s3 =	sadd.s32 $0x88, s3;
	s6 =	simm.s32 @!p1 $0x1082;
	[sflag:s4] =	ssyncset.s32 $0xFFFFF086  }
0x25: {  	[simem:s6], [sflag:s4] =	dma.local [hbm:s3], $0xF7A  }
0x26: {  	[smem:$0x3F97] =	sst s1;
	(tag) =	ssettag s2;
	_ =	strace s9  }
0x27: {  	s1 =	sld [smem:$0x3FA7]  }
0x28: {  	s2 =	sld [smem:$0x3FA8]  }
0x29: {  	s4 =	sld [smem:$0x3FAA]  }
0x2a: {  	p0 =	seq.s32 s5, $0x0;
	s5 =	sld [smem:$0x3FAB]  }
0x2b: {  	s6 =	sld [smem:$0x3FAC]  }
0x2c: {  	s7 =	sld [smem:$0x3FAD]  }
0x2d: {  	s3 =	simm.s32 $0x108;
	s8 =	sld [smem:$0x3FAE]  }
0x2e: {  	s3 =	simm.s32 @!p0 $0x1082;
	s9 =	sld [smem:$0x3FAF]  }
0x2f: {  	lr =	sadd.s32 s0, s3;
	s0 =	sld [smem:$0x3FA6]  }
0x30: {  	s3 =	sld [smem:$0x3FA9]  }
0x31: {  	[smem:$0x3FB2] =	sst s10  }
0x32: {  	s10 =	sld [smem:$0x3FB0];
	_ =	sdelay $0x3  }
0x33: {  	p0 =	seq.s32 s10, $0x1;
	s10 =	sld [smem:$0x3FB2];
	_ =	sdelay $0x3  }
0x34: {  	[smem:$0x3FB2] =	sst s10  }
0x35: {  	s10 =	sld [smem:$0x3FB1];
	_ =	sdelay $0x3  }
0x36: {  	p1 =	seq.s32 s10, $0x1;
	s10 =	sld [smem:$0x3FB2];
	_ =	sdelay $0x3  }
0x37: {  	[smem:$0x3FB2] =	sst s10  }
0x38: {  	s10 =	sld [smem:$0x3FB3]  }
0x39: {  	_ = 	snop;
	(pc) =	sbr.ind lr, $3  }
0x3a: {  	_ = 	snop  }
0x3b: {  	_ = 	snop  }
0x3c: {  	p2 =	seq.s32 s10, $0x1;
	s10 =	sld [smem:$0x3FB2]  }
0x3d: {  	_ =	shalt  }
0x3e: {  	_ =	shalt  }
0x3f: {  	_ =	shalt  }
0x40: {  	_ =	shalt  }
0x41: {  	_ =	shalt  }
0x42: {  	_ =	shalt  }
0x43: {  	_ =	shalt  }
0x44: {  	_ =	shalt  }
0x45: {  	_ =	shalt  }
0x46: {  	_ =	shalt  }
0x47: {  	_ =	shalt  }
0x48: {  	_ =	shalt  }
0x49: {  	_ =	shalt  }
0x4a: {  	_ =	shalt  }
0x4b: {  	_ =	shalt  }
0x4c: {  	_ =	shalt  }
0x4d: {  	_ =	shalt  }
0x4e: {  	_ =	shalt  }
0x4f: {  	_ =	shalt  }
0x50: {  	_ =	shalt  }
0x51: {  	_ =	shalt  }
0x52: {  	_ =	shalt  }
0x53: {  	_ =	shalt  }
0x54: {  	_ =	shalt  }
0x55: {  	_ =	shalt  }
0x56: {  	_ =	shalt  }
0x57: {  	_ =	shalt  }
0x58: {  	_ =	shalt  }
0x59: {  	_ =	shalt  }
0x5a: {  	_ =	shalt  }
0x5b: {  	_ =	shalt  }
0x5c: {  	_ =	shalt  }
0x5d: {  	_ =	shalt  }
0x5e: {  	_ =	shalt  }
0x5f: {  	_ =	shalt  }
0x60: {  	_ =	shalt  }
0x61: {  	_ =	shalt  }
0x62: {  	_ =	shalt  }
0x63: {  	_ =	shalt  }
0x64: {  	_ =	shalt  }
0x65: {  	_ =	shalt  }
0x66: {  	_ =	shalt  }
0x67: {  	_ =	shalt  }
0x68: {  	_ =	shalt  }
0x69: {  	_ =	shalt  }
0x6a: {  	_ =	shalt  }
0x6b: {  	_ =	shalt  }
0x6c: {  	_ =	shalt  }
0x6d: {  	_ =	shalt  }
0x6e: {  	_ =	shalt  }
0x6f: {  	_ =	shalt  }
0x70: {  	_ =	shalt  }
0x71: {  	_ =	shalt  }
0x72: {  	_ =	shalt  }
0x73: {  	_ =	shalt  }
0x74: {  	_ =	shalt  }
0x75: {  	_ =	shalt  }
0x76: {  	_ =	shalt  }
0x77: {  	_ =	shalt  }
0x78: {  	_ =	shalt  }
0x79: {  	_ =	shalt  }
0x7a: {  	_ =	shalt  }
0x7b: {  	_ =	shalt  }
0x7c: {  	_ =	shalt  }
0x7d: {  	_ =	shalt  }
0x7e: {  	_ =	shalt  }
0x7f: {  	_ =	shalt  }
0x80: {  	_ =	shalt  }
0x81: {  	_ =	shalt  }
0x82: {  	_ =	shalt  }
0x83: {  	_ =	shalt  }
0x84: {  	_ =	shalt  }
0x85: {  	_ =	shalt  }
0x86: {  	_ =	shalt  }
0x87: {  	_ =	shalt  }
.Lfunc_end0:
.L_simem_size_0:
called_computation_lowered:
.L_overlay_start_0:
0x88: {  	s2 =	sld [smem:$0x3FD9]  }
0x89: {  	s3 =	sld [smem:$0x3FFE];
	_ =	sdelay $0x1  }
0x8a: {  	s1 =	srdreg.scid  }
0x8b: {  	s0 =	sand.u32 $0x1, s1  }
0x8c: {  	s16 =	sshll.u32 s0, $0xA;
	s2 =	sadd.s32 s3, s2  }
0x8d: {  	s2 =	sadd.s32 s2, s16  }
0x8e: {  	[smem:$0x3FBE] =	sst s2  }
0x8f: {  	_ = 	snop  }
0x90: {  	(tm) =	ssettm $0x1  }
0x91: {  	s17 =	sld [smem:$0x3FFB];
	_ =	sdelay $0x3  }
0x92: {  	_ =	strace s17  }
0x93: {  	s2 =	sld [smem:$0x3FFC];
	_ =	sdelay $0x3  }
0x94: {  	_ =	strace s2  }
0x95: {  	s2 =	sld [smem:$0x3FFD];
	_ =	sdelay $0x3  }
0x96: {  	_ =	strace s2  }
0x97: {  	_ =	strace $0x8FFFFFFF  }
0x98: {  	s18 =	sld [smem:$0x3FDB];
	_ =	sdelay $0x1  }
0x99: {  	s19 =	simm.s32 $_scs_section_size  }
0x9a: {  	s4 =	simm.s32 $_size__tile_overlayer_lowered;
	s5 =	simm.s32 $_tile_overlayer_lowered  }
0x9b: {  	s22 =	simm.s32 $0x1BFF;
	s21 =	sshll.u32 s5, $0x1;
	s2 =	sadd.s32 s19, s18  }
0x9c: {  	s6 =	simm.s32 $0x0;
	s20 =	sshll.u32 s4, $0x1;
	s4 =	sadd.s32 s21, s2  }
0x9d: {  	[timem:s6], [sflag:s22] =	dma.local [hbm:s4], s20  }
0x9e: {  	_ =	swait.ge [sflag:s22], s20  }
0x9f: {  	s3 =	ssub.s32 $0x0, s20;
	[sflag:s22] =	ssyncset.done $0x0  }
0xa0: {  	[sflag:s22] =	ssyncadd.s32 s3;
	_ =	sdelay $0x1  }
0xa1: {  	s23 =	simm.s32 $0x1B8B  }
0xa2: {  	_ =	swait.ge [sflag:s23], $0x1  }
0xa3: {  	[sflag:s23] =	ssyncset.done $0x0  }
0xa4: {  	s25 =	simm.s32 $0x1B8E;
	s24 =	sld [smem:$0x3FFE];
	[sflag:s23] =	ssyncadd.s32 $0xFFFFFFFF  }
0xa5: {  	s26 =	simm.s32 $execute0_lowered;
	[smem:$0x3FD2] =	sst s25  }
0xa6: {  	s4 =	sshll.u32 s26, $0x1;
	_ =	strace $0x80000046;
	[dreg:$0x1] =	wrdreg $0xFFFFFFFF  }
0xa7: {  	s28 =	simm.s32 $_size_execute0_lowered;
	s2 =	sadd.s32 s2, s4;
	[dreg:$0x0] =	wrdreg $0x0  }
0xa8: {  	s4 =	sshll.u32 s28, $0x1;
	[dreg:$0x2] =	wrdreg s2  }
0xa9: {  	[dreg:$0x3] =	wrdreg s4  }
0xaa: {  	[dreg:$0x4] =	wrdreg $0xC0  }
0xab: {  	_ =	task [dreg:s6], $0x5FFFF  }
0xac: {  	[dreg:$0x1] =	wrdreg $0xFFFFFFFF  }
0xad: {  	[dreg:$0x0] =	wrdreg $0x60  }
0xae: {  	[dreg:$0x2] =	wrdreg s24  }
0xaf: {  	[dreg:$0x3] =	wrdreg $0x28100  }
0xb0: {  	[dreg:$0x4] =	wrdreg $0x9  }
0xb1: {  	_ =	task.clear_ibuf [dreg:s6], $0x5FFFF;
	_ =	strace $0x90000046  }
0xb2: {  	s29 =	simm.s32 $0x9;
	_ =	strace $0x80000048  }
0xb3: {  	_ =	swait.ge [sflag:s29], $0x1  }
0xb4: {  	[sflag:s29] =	ssyncadd.s32 $0xFFFFFFFF  }
0xb5: {  	_ =	strace $0x90000048  }
0xb6: {  	_ =	sfence  }
0xb7: {  	s30 =	sld [smem:$0x0];
	_ =	sdelay $0x2  }
0xb8: {  	s31 =	sshll.u32 s1, $0xD;
	s1 =	sshrl.u32 s1, $0x2  }
0xb9: {  	s3 =	sand.u32 $0x4000, s31;
	s1 =	sadd.s32 s1, s30  }
0xba: {  	s0 =	sor.u32 s3, s0;
	s1 =	sshll.u32 s1, $0x11  }
0xbb: {  	s0 =	sor.u32 s1, s0  }
0xbc: {  	s0 =	sadd.s32 $0x8F2B, s0  }
0xbd: {  	[sflag:s0] =	ssyncadd.remote.s32 $0x1  }
0xbe: {  	_ =	sfence.sel $0xFFFF  }
0xbf: {  	[dreg:$0x0] =	wrdreg $0xFFFFFFFF;
	(pc) =	sbr.abs _section_cstart, $3  }
0xc0: {  	[dreg:$0x1] =	wrdreg $0xFFFFFFFF  }
0xc1: {  	_ =	task.clear_ibuf [dreg:s6], $0x2FFFF;
	_ =	strace $0x9FFFFFFF  }
0xc2: {  	(tm) =	ssettm $0x7FFFFFFF  }
0xc3: {  	_ =	shalt  }
tec
execute0_lowered:
.L_overlay_start_1:
0x0: {  	(tag) =	ssettag $0x1  }
0x1: {  	s1 =	srdreg.scid;
	s5 =	rddreg [dreg:$0x0]  }
0x2: {  	s0 =	stileid.u32;
	s2 =	rddreg [dreg:$0x1];
	s3 =	simm.s32 $0x0  }
0x3: {  	s12 =	simm.s32 $0x2710;
	s13 =	simm.s32 $0x0;
	s4 =	sand.u32 $0x1, s1  }
0x4: {  	s30 =	sshll.u32 s0, $0x1;
	s7 =	smul.u32 $0x280, s0;
	[smem:$0x7FF] =	sst s3  }
0x5: {  	s31 =	sshll.u32 s0, $0x6;
	s1 =	sor.u32 s4, s30;
	s8 =	smul.u32 $0x2800, s4  }
0x6: {  	s4 =	ssub.s32 $0x2, s4;
	s6 =	smul.u32 $0x4E2, s1;
	s1 =	rddreg [dreg:$0x2]  }
0x7: {  	_ =	strace $0x80000047;
	s9 =	sshrl.u32 s7, $0x3;
	s10 =	sshrl.u32 s4, $0x1  }
0x8: {  	s11 =	sadd.s32 s7, s2;
	s8 =	sadd.s32 s7, s8;
	s9 =	sadd.s32 s9, s5  }
0x9: {  	s10 =	ssub.s32 s4, s10;
	s6 =	sadd.s32 s6, s5;
	s8 =	sshrl.u32 s8, $0x3  }
0xa: {  	s4 =	sadd.s32 $0x15E00, s9;
	s9 =	sshrl.u32 s11, $0x3;
	s11 =	simm.s32 $0x50  }
0xb: {  	s8 =	sadd.s32 s8, s5;
	s5 =	sor.u32 $0x1C01, s31;
	s6 =	sadd.s32 $0xC000, s6  }
0xc: {  	v0 =	vimm.f32 $1.000000000e+00;
	s7 =	sadd.s32 $0x16800, s8;
	s8 =	smax.u32 s10, $0x1;
	s10 =	simm.s32 $0x1  }
.LBB2_1:
0xd: {  	[tilespmem:$0x2710] =	vst v0  }
0xe: {  	[tilespmem:$0x2720] =	vst v0  }
0xf: {  	[tilespmem:$0x2730] =	vst v0  }
0x10: {  	[tilespmem:$0x2740] =	vst v0  }
0x11: {  	[tilespmem:$0x2750] =	vst v0  }
0x12: {  	[tilespmem:$0x2760] =	vst v0  }
0x13: {  	[tilespmem:$0x2770] =	vst v0  }
0x14: {  	[tilespmem:$0x2780] =	vst v0  }
0x15: {  	[tilespmem:$0x2790] =	vst v0  }
0x16: {  	[tilespmem:$0x27A0] =	vst v0  }
0x17: {  	[tilespmem:$0x27B0] =	vst v0  }
0x18: {  	[tilespmem:$0x27C0] =	vst v0  }
0x19: {  	[tilespmem:$0x27D0] =	vst v0  }
0x1a: {  	[tilespmem:$0x27E0] =	vst v0  }
0x1b: {  	[tilespmem:$0x27F0] =	vst v0  }
0x1c: {  	[tilespmem:$0x2800] =	vst v0  }
0x1d: {  	[spmem:s9], [sflag:s5] =	dma.local [hbm:s4], $0x50  }
0x1e: {  	_ =	swait.ge [sflag:s10], $0x50  }
0x1f: {  	[sflag:s10] =	ssyncset.done $0x0  }
0x20: {  	[sflag:s10] =	ssyncadd.s32 $0xFFFFFFB0  }
0x21: {  	[tilespmem:s3], [sflag:$0x1] =	stream.linear.gather [hbm4b:s6+s3], $0x2710, $0x38;
	[tilespmem:$0x2A90] =	vst v63  }
0x22: {  	_ =	swait.ge [sflag:s10], $0x2710  }
0x23: {  	[sflag:s10] =	ssyncset.done $0x0  }
0x24: {  	[sflag:s10] =	ssyncadd.s32 $0xFFFFD8F0  }
0x25: {  	s14 =	simm.s32 $0x0;
	[bflag:$0x0] =	sbarrier.arrive $0xFFFF  }
0x26: {  	[spmem:s2] =	stream.indirect.scatter.add.f32 [tilespmem:s12], [sflag:$0x1], $0x1, s14, s11, $0xb8;
	[tilespmem:$0x2A90] =	vst v63  }
0x27: {  	_ =	swait.ge [sflag:s10], $0x50  }
0x28: {  	s14 =	simm.s32 $0x140;
	[sflag:s10] =	ssyncset.done $0x0  }
.LBB2_2:
0x29: {  	s15 =	sshra.s32 s14, $0x2;
	[sflag:s10] =	ssyncadd.s32 $0xFFFFFFB0;
	p0 =	sne.s32 s14, $0x9B00  }
0x2a: {  	[spmem:s2] =	stream.indirect.scatter.add.f32 [tilespmem:s12], [sflag:$0x1], $0x1, s15, s11, $0xb8;
	[tilespmem:$0x2A90] =	vst v63  }
.Ltmp0:
0x2b: {  	_ = 	snop;
	(pc) =	sbr.rel @p0 .LBB2_2-.Ltmp0, $4  }
0x2c: {  	_ = 	snop  }
0x2d: {  	s14 =	sadd.s32 $0x140, s14  }
0x2e: {  	_ =	swait.ge [sflag:s10], $0x50  }
0x2f: {  	[sflag:s10] =	ssyncset.done $0x0  }
0x30: {  	s13 =	sadd.s32 $0x1, s13  }
0x31: {  	[sflag:s10] =	ssyncadd.s32 $0xFFFFFFB0;
	p0 =	sne.s32 s13, s8  }
.Ltmp1:
0x32: {  	[bflag:$0x0] =	sbarrier.arrive $0xFFFF;
	(pc) =	sbr.rel @p0 .LBB2_1-.Ltmp1, $4  }
0x33: {  	[hbm:s7], [sflag:s5] =	dma.local [spmem:s9], $0x50  }
0x34: {  	_ =	swait.ge [sflag:s10], $0x50  }
0x35: {  	[sflag:s10] =	ssyncset.done $0x0  }
0x36: {  	[sflag:s10] =	ssyncadd.s32 $0xFFFFFFB0  }
0x37: {  	_ =	sfence.sel $0x180000  }
0x38: {  	[bflag:$0x0] =	sbarrier.arrive $0xFFFF  }
0x39: {  	p0 =	sne.s32 s0, $0x0;
	_ =	strace $0x90000047  }
0x3a: {  	s0 =	sadd.s32 @!p0 $0x100000, s1;
	[bflag:$0x2] =	sbarrier.arrive $0xFFFF  }
0x3b: {  	[sflag:s0] =	ssyncadd.tile.s32 @!p0 $0x1;
	_ =	shalt  }
.Lfunc_end2:
_tile_overlayer_lowered:
.L_overlay_start_2:
0x3c: {  	(tag) =	ssettag $0x2  }
0x3d: {  	s0 =	rddreg [dreg:$0x0];
	s2 =	stileid.u32  }
0x3e: {  	s1 =	rddreg [dreg:$0x1];
	p0 =	sne.s32 s2, $0x0  }
0x3f: {  	s3 =	rddreg [dreg:$0x2];
	[bflag:$0x3] =	sbarrier.arrive $0xFFFF;
	s2 =	simm.s32 @!p0 $0x1C01  }
0x40: {  	[timem:s3], [sflag:s2] =	dma.local @!p0 [hbm:s0], s1  }
0x41: {  	s0 =	simm.s32 @!p0 $0x1  }
0x42: {  	_ =	swait.ge @!p0 [sflag:s0], s1  }
0x43: {  	s1 =	ssub.s32 @!p0 $0x0, s1;
	[sflag:s0] =	ssyncset.done @!p0 $0x0  }
0x44: {  	[sflag:s0] =	ssyncadd.s32 @!p0 s1  }
0x45: {  	[bflag:$0x3] =	sbarrier.arrive $0xFFFF  }
0x46: {  	_ =	shalt  }

// kernel: kernel.14.cloned.1.call-start
scs
__scs_entry_jumppad:
0x0: {  	(pc) =	sbr.rel $0x88, $3  }
0x1: {  	(tag) =	ssettag $0x0;
	lr =	simm.s32 $0x1  }
0x2: {  	[smem:$0x3F97] =	sst lr;
	_ =	strace $0xD0000000  }
0x3: {  	_ = 	snop  }
0x4: {  	_ = 	snop  }
0x5: {  	_ = 	snop  }
0x6: {  	_ = 	snop  }
0x7: {  	_ = 	snop  }
__scs_overlays_trampoline_lowered:
0x8: {  	[smem:$0x3FA6] =	sst s0  }
0x9: {  	[smem:$0x3FA7] =	sst s1  }
0xa: {  	[smem:$0x3FA8] =	sst s2  }
0xb: {  	[smem:$0x3FA9] =	sst s3  }
0xc: {  	[smem:$0x3FAA] =	sst s4  }
0xd: {  	[smem:$0x3FAB] =	sst s5  }
0xe: {  	[smem:$0x3FAC] =	sst s6  }
0xf: {  	[smem:$0x3FAD] =	sst s7  }
0x10: {  	[smem:$0x3FAE] =	sst s8  }
0x11: {  	[smem:$0x3FAF] =	sst s9;
	s0 =	simm.s32 @!p0 $0x0  }
0x12: {  	s1 =	sld [smem:$0x3F95];
	s0 =	simm.s32 @p0 $0x1  }
0x13: {  	[smem:$0x3FB0] =	sst s0;
	s0 =	simm.s32 @!p1 $0x0  }
0x14: {  	s2 =	sld [smem:$0x3F94];
	s0 =	simm.s32 @p1 $0x1  }
0x15: {  	[smem:$0x3FB1] =	sst s0;
	s0 =	simm.s32 @!p2 $0x0  }
0x16: {  	s3 =	sld [smem:$0x3FDB];
	s0 =	simm.s32 @p2 $0x1  }
0x17: {  	s4 =	simm.s32 $0x1BF5;
	[smem:$0x3FB3] =	sst s0  }
0x18: {  	s0 =	sld [smem:$0x3F96];
	_ =	swait.ge [sflag:s4], $0x0  }
0x19: {  	s7 =	sld [smem:$0x3F97]  }
0x1a: {  	s8 =	sadd.s32 $0xFFFFE003, lr  }
0x1b: {  	s9 =	sadd.s32 $0xFFFFFEF7, lr;
	s5 =	simm.s32 $0xFFFFFFFF;
	p2 =	slt.u32 s8, $0xFFFFF086  }
0x1c: {  	p1 =	slt.u32 s9, $0xF7A;
	s5 =	simm.s32 @!p2 $0x0  }
0x1d: {  	s5 =	simm.s32 @p1 $0x1;
	p0 =	seq.s32 s7, s2  }
0x1e: {  	s7 =	smul.u32 @!p0 $0xF7A, s2;
	p2 =	seq.s32 @!p0 s5, $0x0  }
0x1f: {  	s9 =	smul.u32 $0xF7A, s1;
	s8 =	simm.s32 @!p0 $0x1BF5;
	p2 =	por !p2, p0  }
0x20: {  	[sflag:s8] =	ssyncset.s32 @!p0 $0xFFFFF086;
	s6 =	sadd.s32 @!p0 s3, s7;
	s7 =	simm.s32 @!p0 $0x108  }
0x21: {  	s3 =	sadd.s32 s3, s9;
	s6 =	sadd.s32 @!p0 $0x88, s6;
	s7 =	simm.s32 @p2 $0x1082  }
0x22: {  	[simem:s7], [sflag:s8] =	dma.local @!p0 [hbm:s6], $0xF7A  }
0x23: {  	s9 =	sor.u32 $0xD0000000, s2;
	s6 =	simm.s32 $0x108;
	_ =	swait.ge @!p0 [sflag:s8], $0x0  }
0x24: {  	s3 =	sadd.s32 $0x88, s3;
	s6 =	simm.s32 @!p1 $0x1082;
	[sflag:s4] =	ssyncset.s32 $0xFFFFF086  }
0x25: {  	[simem:s6], [sflag:s4] =	dma.local [hbm:s3], $0xF7A  }
0x26: {  	[smem:$0x3F97] =	sst s1;
	(tag) =	ssettag s2;
	_ =	strace s9  }
0x27: {  	s1 =	sld [smem:$0x3FA7]  }
0x28: {  	s2 =	sld [smem:$0x3FA8]  }
0x29: {  	s4 =	sld [smem:$0x3FAA]  }
0x2a: {  	p0 =	seq.s32 s5, $0x0;
	s5 =	sld [smem:$0x3FAB]  }
0x2b: {  	s6 =	sld [smem:$0x3FAC]  }
0x2c: {  	s7 =	sld [smem:$0x3FAD]  }
0x2d: {  	s3 =	simm.s32 $0x108;
	s8 =	sld [smem:$0x3FAE]  }
0x2e: {  	s3 =	simm.s32 @!p0 $0x1082;
	s9 =	sld [smem:$0x3FAF]  }
0x2f: {  	lr =	sadd.s32 s0, s3;
	s0 =	sld [smem:$0x3FA6]  }
0x30: {  	s3 =	sld [smem:$0x3FA9]  }
0x31: {  	[smem:$0x3FB2] =	sst s10  }
0x32: {  	s10 =	sld [smem:$0x3FB0];
	_ =	sdelay $0x3  }
0x33: {  	p0 =	seq.s32 s10, $0x1;
	s10 =	sld [smem:$0x3FB2];
	_ =	sdelay $0x3  }
0x34: {  	[smem:$0x3FB2] =	sst s10  }
0x35: {  	s10 =	sld [smem:$0x3FB1];
	_ =	sdelay $0x3  }
0x36: {  	p1 =	seq.s32 s10, $0x1;
	s10 =	sld [smem:$0x3FB2];
	_ =	sdelay $0x3  }
0x37: {  	[smem:$0x3FB2] =	sst s10  }
0x38: {  	s10 =	sld [smem:$0x3FB3]  }
0x39: {  	_ = 	snop;
	(pc) =	sbr.ind lr, $3  }
0x3a: {  	_ = 	snop  }
0x3b: {  	_ = 	snop  }
0x3c: {  	p2 =	seq.s32 s10, $0x1;
	s10 =	sld [smem:$0x3FB2]  }
0x3d: {  	_ =	shalt  }
0x3e: {  	_ =	shalt  }
0x3f: {  	_ =	shalt  }
0x40: {  	_ =	shalt  }
0x41: {  	_ =	shalt  }
0x42: {  	_ =	shalt  }
0x43: {  	_ =	shalt  }
0x44: {  	_ =	shalt  }
0x45: {  	_ =	shalt  }
0x46: {  	_ =	shalt  }
0x47: {  	_ =	shalt  }
0x48: {  	_ =	shalt  }
0x49: {  	_ =	shalt  }
0x4a: {  	_ =	shalt  }
0x4b: {  	_ =	shalt  }
0x4c: {  	_ =	shalt  }
0x4d: {  	_ =	shalt  }
0x4e: {  	_ =	shalt  }
0x4f: {  	_ =	shalt  }
0x50: {  	_ =	shalt  }
0x51: {  	_ =	shalt  }
0x52: {  	_ =	shalt  }
0x53: {  	_ =	shalt  }
0x54: {  	_ =	shalt  }
0x55: {  	_ =	shalt  }
0x56: {  	_ =	shalt  }
0x57: {  	_ =	shalt  }
0x58: {  	_ =	shalt  }
0x59: {  	_ =	shalt  }
0x5a: {  	_ =	shalt  }
0x5b: {  	_ =	shalt  }
0x5c: {  	_ =	shalt  }
0x5d: {  	_ =	shalt  }
0x5e: {  	_ =	shalt  }
0x5f: {  	_ =	shalt  }
0x60: {  	_ =	shalt  }
0x61: {  	_ =	shalt  }
0x62: {  	_ =	shalt  }
0x63: {  	_ =	shalt  }
0x64: {  	_ =	shalt  }
0x65: {  	_ =	shalt  }
0x66: {  	_ =	shalt  }
0x67: {  	_ =	shalt  }
0x68: {  	_ =	shalt  }
0x69: {  	_ =	shalt  }
0x6a: {  	_ =	shalt  }
0x6b: {  	_ =	shalt  }
0x6c: {  	_ =	shalt  }
0x6d: {  	_ =	shalt  }
0x6e: {  	_ =	shalt  }
0x6f: {  	_ =	shalt  }
0x70: {  	_ =	shalt  }
0x71: {  	_ =	shalt  }
0x72: {  	_ =	shalt  }
0x73: {  	_ =	shalt  }
0x74: {  	_ =	shalt  }
0x75: {  	_ =	shalt  }
0x76: {  	_ =	shalt  }
0x77: {  	_ =	shalt  }
0x78: {  	_ =	shalt  }
0x79: {  	_ =	shalt  }
0x7a: {  	_ =	shalt  }
0x7b: {  	_ =	shalt  }
0x7c: {  	_ =	shalt  }
0x7d: {  	_ =	shalt  }
0x7e: {  	_ =	shalt  }
0x7f: {  	_ =	shalt  }
0x80: {  	_ =	shalt  }
0x81: {  	_ =	shalt  }
0x82: {  	_ =	shalt  }
0x83: {  	_ =	shalt  }
0x84: {  	_ =	shalt  }
0x85: {  	_ =	shalt  }
0x86: {  	_ =	shalt  }
0x87: {  	_ =	shalt  }
.Lfunc_end0:
.L_simem_size_0:
called_computation.1_lowered:
.L_overlay_start_0:
0x88: {  	s2 =	sld [smem:$0x3FD9]  }
0x89: {  	s3 =	sld [smem:$0x3FFE];
	_ =	sdelay $0x1  }
0x8a: {  	s1 =	srdreg.scid  }
0x8b: {  	s0 =	sand.u32 $0x1, s1  }
0x8c: {  	s16 =	sshll.u32 s0, $0xA;
	s2 =	sadd.s32 s3, s2  }
0x8d: {  	s2 =	sadd.s32 s2, s16  }
0x8e: {  	[smem:$0x3FBE] =	sst s2  }
0x8f: {  	_ = 	snop  }
0x90: {  	(tm) =	ssettm $0x1  }
0x91: {  	s17 =	sld [smem:$0x3FFB];
	_ =	sdelay $0x3  }
0x92: {  	_ =	strace s17  }
0x93: {  	s2 =	sld [smem:$0x3FFC];
	_ =	sdelay $0x3  }
0x94: {  	_ =	strace s2  }
0x95: {  	s2 =	sld [smem:$0x3FFD];
	_ =	sdelay $0x3  }
0x96: {  	_ =	strace s2  }
0x97: {  	_ =	strace $0x8FFFFFFF  }
0x98: {  	s18 =	sld [smem:$0x3FDB];
	_ =	sdelay $0x1  }
0x99: {  	s19 =	simm.s32 $_scs_section_size  }
0x9a: {  	s4 =	simm.s32 $_size__tile_overlayer_lowered;
	s5 =	simm.s32 $_tile_overlayer_lowered  }
0x9b: {  	s22 =	simm.s32 $0x1BFF;
	s21 =	sshll.u32 s5, $0x1;
	s2 =	sadd.s32 s19, s18  }
0x9c: {  	s6 =	simm.s32 $0x0;
	s20 =	sshll.u32 s4, $0x1;
	s4 =	sadd.s32 s21, s2  }
0x9d: {  	[timem:s6], [sflag:s22] =	dma.local [hbm:s4], s20  }
0x9e: {  	_ =	swait.ge [sflag:s22], s20  }
0x9f: {  	s3 =	ssub.s32 $0x0, s20;
	[sflag:s22] =	ssyncset.done $0x0  }
0xa0: {  	[sflag:s22] =	ssyncadd.s32 s3;
	_ =	sdelay $0x1  }
0xa1: {  	s23 =	simm.s32 $0x1B8B  }
0xa2: {  	_ =	swait.ge [sflag:s23], $0x1  }
0xa3: {  	[sflag:s23] =	ssyncset.done $0x0  }
0xa4: {  	s25 =	simm.s32 $0x1B8E;
	s24 =	sld [smem:$0x3FFE];
	[sflag:s23] =	ssyncadd.s32 $0xFFFFFFFF  }
0xa5: {  	s26 =	simm.s32 $execute0_lowered;
	[smem:$0x3FD2] =	sst s25  }
0xa6: {  	s4 =	sshll.u32 s26, $0x1;
	_ =	strace $0x80000049;
	[dreg:$0x1] =	wrdreg $0xFFFFFFFF  }
0xa7: {  	s28 =	simm.s32 $_size_execute0_lowered;
	s2 =	sadd.s32 s2, s4;
	[dreg:$0x0] =	wrdreg $0x0  }
0xa8: {  	s4 =	sshll.u32 s28, $0x1;
	[dreg:$0x2] =	wrdreg s2  }
0xa9: {  	[dreg:$0x3] =	wrdreg s4  }
0xaa: {  	[dreg:$0x4] =	wrdreg $0xC0  }
0xab: {  	_ =	task [dreg:s6], $0x5FFFF  }
0xac: {  	[dreg:$0x1] =	wrdreg $0xFFFFFFFF  }
0xad: {  	[dreg:$0x0] =	wrdreg $0x60  }
0xae: {  	[dreg:$0x2] =	wrdreg s24  }
0xaf: {  	[dreg:$0x3] =	wrdreg $0xB2200  }
0xb0: {  	[dreg:$0x4] =	wrdreg $0x9  }
0xb1: {  	_ =	task.clear_ibuf [dreg:s6], $0x5FFFF;
	_ =	strace $0x90000049  }
0xb2: {  	s29 =	simm.s32 $0x9;
	_ =	strace $0x8000004B  }
0xb3: {  	_ =	swait.ge [sflag:s29], $0x1  }
0xb4: {  	[sflag:s29] =	ssyncadd.s32 $0xFFFFFFFF  }
0xb5: {  	_ =	strace $0x9000004B  }
0xb6: {  	_ =	sfence  }
0xb7: {  	s30 =	sld [smem:$0x0];
	_ =	sdelay $0x2  }
0xb8: {  	s31 =	sshll.u32 s1, $0xD;
	s1 =	sshrl.u32 s1, $0x2  }
0xb9: {  	s3 =	sand.u32 $0x4000, s31;
	s1 =	sadd.s32 s1, s30  }
0xba: {  	s0 =	sor.u32 s3, s0;
	s1 =	sshll.u32 s1, $0x11  }
0xbb: {  	s0 =	sor.u32 s1, s0  }
0xbc: {  	s0 =	sadd.s32 $0x8F2B, s0  }
0xbd: {  	[sflag:s0] =	ssyncadd.remote.s32 $0x1  }
0xbe: {  	_ =	sfence.sel $0xFFFF  }
0xbf: {  	[dreg:$0x0] =	wrdreg $0xFFFFFFFF;
	(pc) =	sbr.abs _section_cstart, $3  }
0xc0: {  	[dreg:$0x1] =	wrdreg $0xFFFFFFFF  }
0xc1: {  	_ =	task.clear_ibuf [dreg:s6], $0x2FFFF;
	_ =	strace $0x9FFFFFFF  }
0xc2: {  	(tm) =	ssettm $0x7FFFFFFF  }
0xc3: {  	_ =	shalt  }
tec
execute0_lowered:
.L_overlay_start_1:
0x0: {  	(tag) =	ssettag $0x1  }
0x1: {  	s0 =	srdreg.scid;
	s5 =	rddreg [dreg:$0x0]  }
0x2: {  	s12 =	stileid.u32;
	s2 =	rddreg [dreg:$0x1];
	s3 =	simm.s32 $0x0  }
0x3: {  	s14 =	simm.s32 $0x50;
	s15 =	simm.s32 $0x4E20;
	s16 =	simm.s32 $0x6220  }
0x4: {  	s18 =	simm.s32 $0x7620;
	s20 =	simm.s32 $0x8A20;
	s22 =	simm.s32 $0x9E20  }
0x5: {  	s23 =	simm.s32 $0x1;
	s24 =	simm.s32 $0x2;
	s25 =	simm.s32 $0x3  }
0x6: {  	s28 =	simm.s32 $0x5;
	s29 =	simm.s32 $0x6;
	s30 =	simm.s32 $0x7  }
0x7: {  	s31 =	simm.s32 $0x8;
	s17 =	simm.s32 $0x0;
	s0 =	sand.u32 $0x1, s0  }
0x8: {  	s1 =	sshll.u32 s12, $0x1;
	s6 =	smul.u32 $0xA000, s12;
	[smem:$0x7FF] =	sst s3  }
0x9: {  	s4 =	sadd.s32 $0x15E00, s5;
	s26 =	sshll.u32 s12, $0x6;
	s12 =	simm.s32 $0xB  }
0xa: {  	s1 =	sor.u32 s0, s1;
	s7 =	smul.u32 $0xA0000, s0;
	_ =	strace $0x8000004A  }
0xb: {  	s0 =	ssub.s32 $0x2, s0;
	s1 =	smul.u32 $0x4E2, s1;
	s8 =	sshrl.u32 s6, $0x3  }
0xc: {  	s9 =	sshrl.u32 s0, $0x1;
	s11 =	sadd.s32 s6, s2;
	s7 =	sadd.s32 s6, s7  }
0xd: {  	s8 =	sadd.s32 s8, s5;
	s0 =	ssub.s32 s0, s9;
	s6 =	sor.u32 $0x1C0B, s26  }
0xe: {  	s11 =	sshrl.u32 s11, $0x3;
	s26 =	simm.s32 $0x4;
	s7 =	sshrl.u32 s7, $0x3  }
0xf: {  	s1 =	sadd.s32 s1, s5;
	s10 =	sadd.s32 s7, s5;
	s5 =	sadd.s32 $0x29800, s8  }
0x10: {  	s7 =	sadd.s32 $0x2200, s1;
	s8 =	sadd.s32 $0xC000, s1;
	s1 =	simm.s32 $0x9  }
0x11: {  	s9 =	sadd.s32 $0x3D800, s10;
	s10 =	smax.u32 s0, $0x1;
	s0 =	simm.s32 $0xA  }
.LBB2_1:
0x12: {  	[spmem:s11], [sflag:s6] =	dma.local [hbm:s5], $0x1400  }
0x13: {  	_ =	swait.ge [sflag:s12], $0x1400  }
0x14: {  	[sflag:s12] =	ssyncset.done $0x0  }
0x15: {  	[sflag:s12] =	ssyncadd.s32 $0xFFFFEC00  }
0x16: {  	[tilespmem:s3], [sflag:$0xB] =	stream.linear.gather [hbm4b:s7+s3], $0x2710, $0x38;
	[tilespmem:$0x15220] =	vst v63  }
0x17: {  	_ =	swait.ge [sflag:s12], $0x2710  }
0x18: {  	[sflag:s12] =	ssyncset.done $0x0  }
0x19: {  	s13 =	simm.s32 $0x2710;
	[sflag:s12] =	ssyncadd.s32 $0xFFFFD8F0  }
0x1a: {  	[tilespmem:s13], [sflag:$0xB] =	stream.linear.gather [hbm4b:s8+s3], $0x2710, $0x38;
	[tilespmem:$0x15220] =	vst v63  }
0x1b: {  	_ =	swait.ge [sflag:s12], $0x2710  }
0x1c: {  	[sflag:s12] =	ssyncset.done $0x0  }
0x1d: {  	[sflag:s12] =	ssyncadd.s32 $0xFFFFD8F0  }
0x1e: {  	[bflag:$0x0] =	sbarrier.arrive $0xFFFF  }
0x1f: {  	[tilespmem:s15], [sflag:$0x1] =	stream.indirect.gather [hbm4b:s4+s14], $0x40, s3, s14, $0xb8;
	[tilespmem:$0x15220] =	vst v63  }
0x20: {  	_ = 	snop  }
0x21: {  	[tilespmem:s16], [sflag:$0x2] =	stream.indirect.gather [hbm4b:s4+s14], $0x40, s14, s14, $0xb8;
	[tilespmem:$0x15220] =	vst v63  }
0x22: {  	s21 =	simm.s32 $0xA0  }
0x23: {  	[tilespmem:s18], [sflag:$0x3] =	stream.indirect.gather [hbm4b:s4+s14], $0x40, s21, s14, $0xb8;
	[tilespmem:$0x15220] =	vst v63  }
0x24: {  	s19 =	simm.s32 $0xF0  }
0x25: {  	[tilespmem:s20], [sflag:$0x4] =	stream.indirect.gather [hbm4b:s4+s14], $0x40, s19, s14, $0xb8;
	[tilespmem:$0x15220] =	vst v63  }
0x26: {  	s21 =	simm.s32 $0x140  }
0x27: {  	[tilespmem:s22], [sflag:$0x5] =	stream.indirect.gather [hbm4b:s4+s14], $0x40, s21, s14, $0xb8;
	[tilespmem:$0x15220] =	vst v63  }
0x28: {  	_ =	swait.ge [sflag:s23], $0x1400  }
0x29: {  	[sflag:s23] =	ssyncset.done $0x0  }
0x2a: {  	s19 =	simm.s32 $0x2710;
	[sflag:s23] =	ssyncadd.s32 $0xFFFFEC00  }
0x2b: {  	[spmem:s2] =	stream.indirect.scatter.add.f32 [tilespmem:s15], [sflag:$0x6], $0x40, s19, s14, $0xb8;
	[tilespmem:$0x15220] =	vst v63  }
0x2c: {  	_ =	swait.ge [sflag:s24], $0x1400  }
0x2d: {  	[sflag:s24] =	ssyncset.done $0x0  }
0x2e: {  	s13 =	simm.s32 $0x2760;
	[sflag:s24] =	ssyncadd.s32 $0xFFFFEC00  }
0x2f: {  	[spmem:s2] =	stream.indirect.scatter.add.f32 [tilespmem:s16], [sflag:$0x7], $0x40, s13, s14, $0xb8;
	[tilespmem:$0x15220] =	vst v63  }
0x30: {  	_ =	swait.ge [sflag:s25], $0x1400  }
0x31: {  	[sflag:s25] =	ssyncset.done $0x0  }
0x32: {  	s21 =	simm.s32 $0x27B0;
	[sflag:s25] =	ssyncadd.s32 $0xFFFFEC00  }
0x33: {  	[spmem:s2] =	stream.indirect.scatter.add.f32 [tilespmem:s18], [sflag:$0x8], $0x40, s21, s14, $0xb8;
	[tilespmem:$0x15220] =	vst v63  }
0x34: {  	_ =	swait.ge [sflag:s26], $0x1400  }
0x35: {  	[sflag:s26] =	ssyncset.done $0x0  }
0x36: {  	s13 =	simm.s32 $0x2800;
	[sflag:s26] =	ssyncadd.s32 $0xFFFFEC00  }
0x37: {  	[spmem:s2] =	stream.indirect.scatter.add.f32 [tilespmem:s20], [sflag:$0x9], $0x40, s13, s14, $0xb8;
	[tilespmem:$0x15220] =	vst v63  }
0x38: {  	_ =	swait.ge [sflag:s28], $0x1400  }
0x39: {  	[sflag:s28] =	ssyncset.done $0x0  }
0x3a: {  	s21 =	simm.s32 $0x2850;
	[sflag:s28] =	ssyncadd.s32 $0xFFFFEC00  }
0x3b: {  	[spmem:s2] =	stream.indirect.scatter.add.f32 [tilespmem:s22], [sflag:$0xA], $0x40, s21, s14, $0xb8;
	[tilespmem:$0x15220] =	vst v63  }
0x3c: {  	_ =	swait.ge [sflag:s29], $0x1400  }
0x3d: {  	[sflag:s29] =	ssyncset.done $0x0  }
0x3e: {  	s13 =	simm.s32 $0x190;
	[sflag:s29] =	ssyncadd.s32 $0xFFFFEC00  }
0x3f: {  	[tilespmem:s15], [sflag:$0x1] =	stream.indirect.gather [hbm4b:s4+s14], $0x40, s13, s14, $0xb8;
	[tilespmem:$0x15220] =	vst v63  }
0x40: {  	_ =	swait.ge [sflag:s30], $0x1400  }
0x41: {  	[sflag:s30] =	ssyncset.done $0x0  }
0x42: {  	s21 =	simm.s32 $0x1E0;
	[sflag:s30] =	ssyncadd.s32 $0xFFFFEC00  }
0x43: {  	[tilespmem:s16], [sflag:$0x2] =	stream.indirect.gather [hbm4b:s4+s14], $0x40, s21, s14, $0xb8;
	[tilespmem:$0x15220] =	vst v63  }
0x44: {  	_ =	swait.ge [sflag:s31], $0x1400  }
0x45: {  	[sflag:s31] =	ssyncset.done $0x0  }
0x46: {  	s13 =	simm.s32 $0x230;
	[sflag:s31] =	ssyncadd.s32 $0xFFFFEC00  }
0x47: {  	[tilespmem:s18], [sflag:$0x3] =	stream.indirect.gather [hbm4b:s4+s14], $0x40, s13, s14, $0xb8;
	[tilespmem:$0x15220] =	vst v63  }
0x48: {  	_ =	swait.ge [sflag:s1], $0x1400  }
0x49: {  	[sflag:s1] =	ssyncset.done $0x0  }
0x4a: {  	s21 =	simm.s32 $0x280;
	[sflag:s1] =	ssyncadd.s32 $0xFFFFEC00  }
0x4b: {  	[tilespmem:s20], [sflag:$0x4] =	stream.indirect.gather [hbm4b:s4+s14], $0x40, s21, s14, $0xb8;
	[tilespmem:$0x15220] =	vst v63  }
0x4c: {  	_ =	swait.ge [sflag:s0], $0x1400  }
0x4d: {  	[sflag:s0] =	ssyncset.done $0x0  }
0x4e: {  	s19 =	simm.s32 $0x640;
	s21 =	simm.s32 $0x2D0;
	[sflag:s0] =	ssyncadd.s32 $0xFFFFEC00  }
.LBB2_2:
0x4f: {  	[tilespmem:s22], [sflag:$0x5] =	stream.indirect.gather [hbm4b:s4+s14], $0x40, s21, s14, $0xb8;
	[tilespmem:$0x15220] =	vst v63  }
0x50: {  	s21 =	smov.u32 s19  }
0x51: {  	p0 =	sne.s32 s19, $0x8FC0;
	s19 =	sadd.s32 $0x640, s19;
	_ =	swait.ge [sflag:s23], $0x1400  }
0x52: {  	s21 =	sshra.s32 s21, $0x2;
	[sflag:s23] =	ssyncset.done $0x0  }
0x53: {  	s13 =	sadd.s32 $0x2710, s21;
	[sflag:s23] =	ssyncadd.s32 $0xFFFFEC00  }
0x54: {  	[spmem:s2] =	stream.indirect.scatter.add.f32 [tilespmem:s15], [sflag:$0x6], $0x40, s13, s14, $0xb8;
	[tilespmem:$0x15220] =	vst v63  }
0x55: {  	_ =	swait.ge [sflag:s24], $0x1400  }
0x56: {  	[sflag:s24] =	ssyncset.done $0x0  }
0x57: {  	s13 =	sadd.s32 $0x2760, s21;
	[sflag:s24] =	ssyncadd.s32 $0xFFFFEC00  }
0x58: {  	[spmem:s2] =	stream.indirect.scatter.add.f32 [tilespmem:s16], [sflag:$0x7], $0x40, s13, s14, $0xb8;
	[tilespmem:$0x15220] =	vst v63  }
0x59: {  	_ =	swait.ge [sflag:s25], $0x1400  }
0x5a: {  	[sflag:s25] =	ssyncset.done $0x0  }
0x5b: {  	s13 =	sadd.s32 $0x27B0, s21;
	[sflag:s25] =	ssyncadd.s32 $0xFFFFEC00  }
0x5c: {  	[spmem:s2] =	stream.indirect.scatter.add.f32 [tilespmem:s18], [sflag:$0x8], $0x40, s13, s14, $0xb8;
	[tilespmem:$0x15220] =	vst v63  }
0x5d: {  	_ =	swait.ge [sflag:s26], $0x1400  }
0x5e: {  	[sflag:s26] =	ssyncset.done $0x0  }
0x5f: {  	s13 =	sadd.s32 $0x2800, s21;
	[sflag:s26] =	ssyncadd.s32 $0xFFFFEC00  }
0x60: {  	[spmem:s2] =	stream.indirect.scatter.add.f32 [tilespmem:s20], [sflag:$0x9], $0x40, s13, s14, $0xb8;
	[tilespmem:$0x15220] =	vst v63  }
0x61: {  	_ =	swait.ge [sflag:s28], $0x1400  }
0x62: {  	[sflag:s28] =	ssyncset.done $0x0  }
0x63: {  	s13 =	sadd.s32 $0x2850, s21;
	[sflag:s28] =	ssyncadd.s32 $0xFFFFEC00  }
0x64: {  	[spmem:s2] =	stream.indirect.scatter.add.f32 [tilespmem:s22], [sflag:$0xA], $0x40, s13, s14, $0xb8;
	[tilespmem:$0x15220] =	vst v63  }
0x65: {  	_ =	swait.ge [sflag:s29], $0x1400  }
0x66: {  	[sflag:s29] =	ssyncset.done $0x0  }
0x67: {  	s13 =	sadd.s32 $0x190, s21;
	[sflag:s29] =	ssyncadd.s32 $0xFFFFEC00  }
0x68: {  	[tilespmem:s15], [sflag:$0x1] =	stream.indirect.gather [hbm4b:s4+s14], $0x40, s13, s14, $0xb8;
	[tilespmem:$0x15220] =	vst v63  }
0x69: {  	_ =	swait.ge [sflag:s30], $0x1400  }
0x6a: {  	[sflag:s30] =	ssyncset.done $0x0  }
0x6b: {  	s13 =	sadd.s32 $0x1E0, s21;
	[sflag:s30] =	ssyncadd.s32 $0xFFFFEC00  }
0x6c: {  	[tilespmem:s16], [sflag:$0x2] =	stream.indirect.gather [hbm4b:s4+s14], $0x40, s13, s14, $0xb8;
	[tilespmem:$0x15220] =	vst v63  }
0x6d: {  	_ =	swait.ge [sflag:s31], $0x1400  }
0x6e: {  	[sflag:s31] =	ssyncset.done $0x0  }
0x6f: {  	s13 =	sadd.s32 $0x230, s21;
	[sflag:s31] =	ssyncadd.s32 $0xFFFFEC00  }
0x70: {  	[tilespmem:s18], [sflag:$0x3] =	stream.indirect.gather [hbm4b:s4+s14], $0x40, s13, s14, $0xb8;
	[tilespmem:$0x15220] =	vst v63  }
0x71: {  	_ =	swait.ge [sflag:s1], $0x1400  }
0x72: {  	[sflag:s1] =	ssyncset.done $0x0  }
.Ltmp0:
0x73: {  	s13 =	sadd.s32 $0x280, s21;
	[sflag:s1] =	ssyncadd.s32 $0xFFFFEC00;
	(pc) =	sbr.rel @p0 .LBB2_2-.Ltmp0, $4  }
0x74: {  	[tilespmem:s20], [sflag:$0x4] =	stream.indirect.gather [hbm4b:s4+s14], $0x40, s13, s14, $0xb8;
	[tilespmem:$0x15220] =	vst v63  }
0x75: {  	_ =	swait.ge [sflag:s0], $0x1400  }
0x76: {  	[sflag:s0] =	ssyncset.done $0x0  }
0x77: {  	s21 =	sadd.s32 $0x2D0, s21;
	[sflag:s0] =	ssyncadd.s32 $0xFFFFEC00  }
0x78: {  	[tilespmem:s22], [sflag:$0x5] =	stream.indirect.gather [hbm4b:s4+s14], $0x40, s21, s14, $0xb8;
	[tilespmem:$0x15220] =	vst v63  }
0x79: {  	_ =	swait.ge [sflag:s23], $0x1400  }
0x7a: {  	[sflag:s23] =	ssyncset.done $0x0  }
0x7b: {  	s13 =	simm.s32 $0x4C90;
	[sflag:s23] =	ssyncadd.s32 $0xFFFFEC00  }
0x7c: {  	[spmem:s2] =	stream.indirect.scatter.add.f32 [tilespmem:s15], [sflag:$0x6], $0x40, s13, s14, $0xb8;
	[tilespmem:$0x15220] =	vst v63  }
0x7d: {  	_ =	swait.ge [sflag:s24], $0x1400  }
0x7e: {  	[sflag:s24] =	ssyncset.done $0x0  }
0x7f: {  	s19 =	simm.s32 $0x4CE0;
	[sflag:s24] =	ssyncadd.s32 $0xFFFFEC00  }
0x80: {  	[spmem:s2] =	stream.indirect.scatter.add.f32 [tilespmem:s16], [sflag:$0x7], $0x40, s19, s14, $0xb8;
	[tilespmem:$0x15220] =	vst v63  }
0x81: {  	_ =	swait.ge [sflag:s25], $0x1400  }
0x82: {  	[sflag:s25] =	ssyncset.done $0x0  }
0x83: {  	s21 =	simm.s32 $0x4D30;
	[sflag:s25] =	ssyncadd.s32 $0xFFFFEC00  }
0x84: {  	[spmem:s2] =	stream.indirect.scatter.add.f32 [tilespmem:s18], [sflag:$0x8], $0x40, s21, s14, $0xb8;
	[tilespmem:$0x15220] =	vst v63  }
0x85: {  	_ =	swait.ge [sflag:s26], $0x1400  }
0x86: {  	[sflag:s26] =	ssyncset.done $0x0  }
0x87: {  	s19 =	simm.s32 $0x4D80;
	[sflag:s26] =	ssyncadd.s32 $0xFFFFEC00  }
0x88: {  	[spmem:s2] =	stream.indirect.scatter.add.f32 [tilespmem:s20], [sflag:$0x9], $0x40, s19, s14, $0xb8;
	[tilespmem:$0x15220] =	vst v63  }
0x89: {  	_ =	swait.ge [sflag:s28], $0x1400  }
0x8a: {  	[sflag:s28] =	ssyncset.done $0x0  }
0x8b: {  	s21 =	simm.s32 $0x4DD0;
	[sflag:s28] =	ssyncadd.s32 $0xFFFFEC00  }
0x8c: {  	[spmem:s2] =	stream.indirect.scatter.add.f32 [tilespmem:s22], [sflag:$0xA], $0x40, s21, s14, $0xb8;
	[tilespmem:$0x15220] =	vst v63  }
0x8d: {  	_ =	swait.ge [sflag:s29], $0x1400  }
0x8e: {  	[sflag:s29] =	ssyncset.done $0x0  }
0x8f: {  	[sflag:s29] =	ssyncadd.s32 $0xFFFFEC00  }
0x90: {  	_ =	swait.ge [sflag:s30], $0x1400  }
0x91: {  	[sflag:s30] =	ssyncset.done $0x0  }
0x92: {  	[sflag:s30] =	ssyncadd.s32 $0xFFFFEC00  }
0x93: {  	_ =	swait.ge [sflag:s31], $0x1400  }
0x94: {  	[sflag:s31] =	ssyncset.done $0x0  }
0x95: {  	[sflag:s31] =	ssyncadd.s32 $0xFFFFEC00  }
0x96: {  	_ =	swait.ge [sflag:s1], $0x1400  }
0x97: {  	[sflag:s1] =	ssyncset.done $0x0  }
0x98: {  	[sflag:s1] =	ssyncadd.s32 $0xFFFFEC00  }
0x99: {  	_ =	swait.ge [sflag:s0], $0x1400  }
0x9a: {  	s17 =	sadd.s32 $0x1, s17;
	[sflag:s0] =	ssyncset.done $0x0  }
0x9b: {  	p0 =	sne.s32 s17, s10;
	[sflag:s0] =	ssyncadd.s32 $0xFFFFEC00  }
.Ltmp1:
0x9c: {  	[bflag:$0x0] =	sbarrier.arrive $0xFFFF;
	(pc) =	sbr.rel @p0 .LBB2_1-.Ltmp1, $4  }
0x9d: {  	[hbm:s9], [sflag:s6] =	dma.local [spmem:s11], $0x1400  }
0x9e: {  	_ =	swait.ge [sflag:s12], $0x1400  }
0x9f: {  	[sflag:s12] =	ssyncset.done $0x0  }
0xa0: {  	[sflag:s12] =	ssyncadd.s32 $0xFFFFEC00  }
0xa1: {  	_ =	sfence.sel $0x180000  }
0xa2: {  	[bflag:$0x0] =	sbarrier.arrive $0xFFFF  }
0xa3: {  	_ =	strace $0x9000004A  }
0xa4: {  	s0 =	stileid.u32;
	[bflag:$0x2] =	sbarrier.arrive $0xFFFF  }
0xa5: {  	p0 =	sne.s32 s0, $0x0;
	s0 =	rddreg [dreg:$0x2]  }
0xa6: {  	s0 =	sadd.s32 @!p0 $0x100000, s0  }
0xa7: {  	[sflag:s0] =	ssyncadd.tile.s32 @!p0 $0x1;
	_ =	shalt  }
.Lfunc_end2:
_tile_overlayer_lowered:
.L_overlay_start_2:
0xa8: {  	(tag) =	ssettag $0x2  }
0xa9: {  	s0 =	rddreg [dreg:$0x0];
	s2 =	stileid.u32  }
0xaa: {  	s1 =	rddreg [dreg:$0x1];
	p0 =	sne.s32 s2, $0x0  }
0xab: {  	s3 =	rddreg [dreg:$0x2];
	[bflag:$0x3] =	sbarrier.arrive $0xFFFF;
	s2 =	simm.s32 @!p0 $0x1C0B  }
0xac: {  	[timem:s3], [sflag:s2] =	dma.local @!p0 [hbm:s0], s1  }
0xad: {  	s0 =	simm.s32 @!p0 $0xB  }
0xae: {  	_ =	swait.ge @!p0 [sflag:s0], s1  }
0xaf: {  	s1 =	ssub.s32 @!p0 $0x0, s1;
	[sflag:s0] =	ssyncset.done @!p0 $0x0  }
0xb0: {  	[sflag:s0] =	ssyncadd.s32 @!p0 s1  }
0xb1: {  	[bflag:$0x3] =	sbarrier.arrive $0xFFFF  }
0xb2: {  	_ =	shalt  }

// kernel: kernel.17.cloned.1.call-start
scs
__scs_entry_jumppad:
0x0: {  	(pc) =	sbr.rel $0x88, $3  }
0x1: {  	(tag) =	ssettag $0x0;
	lr =	simm.s32 $0x1  }
0x2: {  	[smem:$0x3F97] =	sst lr;
	_ =	strace $0xD0000000  }
0x3: {  	_ = 	snop  }
0x4: {  	_ = 	snop  }
0x5: {  	_ = 	snop  }
0x6: {  	_ = 	snop  }
0x7: {  	_ = 	snop  }
__scs_overlays_trampoline_lowered:
0x8: {  	[smem:$0x3FA6] =	sst s0  }
0x9: {  	[smem:$0x3FA7] =	sst s1  }
0xa: {  	[smem:$0x3FA8] =	sst s2  }
0xb: {  	[smem:$0x3FA9] =	sst s3  }
0xc: {  	[smem:$0x3FAA] =	sst s4  }
0xd: {  	[smem:$0x3FAB] =	sst s5  }
0xe: {  	[smem:$0x3FAC] =	sst s6  }
0xf: {  	[smem:$0x3FAD] =	sst s7  }
0x10: {  	[smem:$0x3FAE] =	sst s8  }
0x11: {  	[smem:$0x3FAF] =	sst s9;
	s0 =	simm.s32 @!p0 $0x0  }
0x12: {  	s1 =	sld [smem:$0x3F95];
	s0 =	simm.s32 @p0 $0x1  }
0x13: {  	[smem:$0x3FB0] =	sst s0;
	s0 =	simm.s32 @!p1 $0x0  }
0x14: {  	s2 =	sld [smem:$0x3F94];
	s0 =	simm.s32 @p1 $0x1  }
0x15: {  	[smem:$0x3FB1] =	sst s0;
	s0 =	simm.s32 @!p2 $0x0  }
0x16: {  	s3 =	sld [smem:$0x3FDB];
	s0 =	simm.s32 @p2 $0x1  }
0x17: {  	s4 =	simm.s32 $0x1BF5;
	[smem:$0x3FB3] =	sst s0  }
0x18: {  	s0 =	sld [smem:$0x3F96];
	_ =	swait.ge [sflag:s4], $0x0  }
0x19: {  	s7 =	sld [smem:$0x3F97]  }
0x1a: {  	s8 =	sadd.s32 $0xFFFFE003, lr  }
0x1b: {  	s9 =	sadd.s32 $0xFFFFFEF7, lr;
	s5 =	simm.s32 $0xFFFFFFFF;
	p2 =	slt.u32 s8, $0xFFFFF086  }
0x1c: {  	p1 =	slt.u32 s9, $0xF7A;
	s5 =	simm.s32 @!p2 $0x0  }
0x1d: {  	s5 =	simm.s32 @p1 $0x1;
	p0 =	seq.s32 s7, s2  }
0x1e: {  	s7 =	smul.u32 @!p0 $0xF7A, s2;
	p2 =	seq.s32 @!p0 s5, $0x0  }
0x1f: {  	s9 =	smul.u32 $0xF7A, s1;
	s8 =	simm.s32 @!p0 $0x1BF5;
	p2 =	por !p2, p0  }
0x20: {  	[sflag:s8] =	ssyncset.s32 @!p0 $0xFFFFF086;
	s6 =	sadd.s32 @!p0 s3, s7;
	s7 =	simm.s32 @!p0 $0x108  }
0x21: {  	s3 =	sadd.s32 s3, s9;
	s6 =	sadd.s32 @!p0 $0x88, s6;
	s7 =	simm.s32 @p2 $0x1082  }
0x22: {  	[simem:s7], [sflag:s8] =	dma.local @!p0 [hbm:s6], $0xF7A  }
0x23: {  	s9 =	sor.u32 $0xD0000000, s2;
	s6 =	simm.s32 $0x108;
	_ =	swait.ge @!p0 [sflag:s8], $0x0  }
0x24: {  	s3 =	sadd.s32 $0x88, s3;
	s6 =	simm.s32 @!p1 $0x1082;
	[sflag:s4] =	ssyncset.s32 $0xFFFFF086  }
0x25: {  	[simem:s6], [sflag:s4] =	dma.local [hbm:s3], $0xF7A  }
0x26: {  	[smem:$0x3F97] =	sst s1;
	(tag) =	ssettag s2;
	_ =	strace s9  }
0x27: {  	s1 =	sld [smem:$0x3FA7]  }
0x28: {  	s2 =	sld [smem:$0x3FA8]  }
0x29: {  	s4 =	sld [smem:$0x3FAA]  }
0x2a: {  	p0 =	seq.s32 s5, $0x0;
	s5 =	sld [smem:$0x3FAB]  }
0x2b: {  	s6 =	sld [smem:$0x3FAC]  }
0x2c: {  	s7 =	sld [smem:$0x3FAD]  }
0x2d: {  	s3 =	simm.s32 $0x108;
	s8 =	sld [smem:$0x3FAE]  }
0x2e: {  	s3 =	simm.s32 @!p0 $0x1082;
	s9 =	sld [smem:$0x3FAF]  }
0x2f: {  	lr =	sadd.s32 s0, s3;
	s0 =	sld [smem:$0x3FA6]  }
0x30: {  	s3 =	sld [smem:$0x3FA9]  }
0x31: {  	[smem:$0x3FB2] =	sst s10  }
0x32: {  	s10 =	sld [smem:$0x3FB0];
	_ =	sdelay $0x3  }
0x33: {  	p0 =	seq.s32 s10, $0x1;
	s10 =	sld [smem:$0x3FB2];
	_ =	sdelay $0x3  }
0x34: {  	[smem:$0x3FB2] =	sst s10  }
0x35: {  	s10 =	sld [smem:$0x3FB1];
	_ =	sdelay $0x3  }
0x36: {  	p1 =	seq.s32 s10, $0x1;
	s10 =	sld [smem:$0x3FB2];
	_ =	sdelay $0x3  }
0x37: {  	[smem:$0x3FB2] =	sst s10  }
0x38: {  	s10 =	sld [smem:$0x3FB3]  }
0x39: {  	_ = 	snop;
	(pc) =	sbr.ind lr, $3  }
0x3a: {  	_ = 	snop  }
0x3b: {  	_ = 	snop  }
0x3c: {  	p2 =	seq.s32 s10, $0x1;
	s10 =	sld [smem:$0x3FB2]  }
0x3d: {  	_ =	shalt  }
0x3e: {  	_ =	shalt  }
0x3f: {  	_ =	shalt  }
0x40: {  	_ =	shalt  }
0x41: {  	_ =	shalt  }
0x42: {  	_ =	shalt  }
0x43: {  	_ =	shalt  }
0x44: {  	_ =	shalt  }
0x45: {  	_ =	shalt  }
0x46: {  	_ =	shalt  }
0x47: {  	_ =	shalt  }
0x48: {  	_ =	shalt  }
0x49: {  	_ =	shalt  }
0x4a: {  	_ =	shalt  }
0x4b: {  	_ =	shalt  }
0x4c: {  	_ =	shalt  }
0x4d: {  	_ =	shalt  }
0x4e: {  	_ =	shalt  }
0x4f: {  	_ =	shalt  }
0x50: {  	_ =	shalt  }
0x51: {  	_ =	shalt  }
0x52: {  	_ =	shalt  }
0x53: {  	_ =	shalt  }
0x54: {  	_ =	shalt  }
0x55: {  	_ =	shalt  }
0x56: {  	_ =	shalt  }
0x57: {  	_ =	shalt  }
0x58: {  	_ =	shalt  }
0x59: {  	_ =	shalt  }
0x5a: {  	_ =	shalt  }
0x5b: {  	_ =	shalt  }
0x5c: {  	_ =	shalt  }
0x5d: {  	_ =	shalt  }
0x5e: {  	_ =	shalt  }
0x5f: {  	_ =	shalt  }
0x60: {  	_ =	shalt  }
0x61: {  	_ =	shalt  }
0x62: {  	_ =	shalt  }
0x63: {  	_ =	shalt  }
0x64: {  	_ =	shalt  }
0x65: {  	_ =	shalt  }
0x66: {  	_ =	shalt  }
0x67: {  	_ =	shalt  }
0x68: {  	_ =	shalt  }
0x69: {  	_ =	shalt  }
0x6a: {  	_ =	shalt  }
0x6b: {  	_ =	shalt  }
0x6c: {  	_ =	shalt  }
0x6d: {  	_ =	shalt  }
0x6e: {  	_ =	shalt  }
0x6f: {  	_ =	shalt  }
0x70: {  	_ =	shalt  }
0x71: {  	_ =	shalt  }
0x72: {  	_ =	shalt  }
0x73: {  	_ =	shalt  }
0x74: {  	_ =	shalt  }
0x75: {  	_ =	shalt  }
0x76: {  	_ =	shalt  }
0x77: {  	_ =	shalt  }
0x78: {  	_ =	shalt  }
0x79: {  	_ =	shalt  }
0x7a: {  	_ =	shalt  }
0x7b: {  	_ =	shalt  }
0x7c: {  	_ =	shalt  }
0x7d: {  	_ =	shalt  }
0x7e: {  	_ =	shalt  }
0x7f: {  	_ =	shalt  }
0x80: {  	_ =	shalt  }
0x81: {  	_ =	shalt  }
0x82: {  	_ =	shalt  }
0x83: {  	_ =	shalt  }
0x84: {  	_ =	shalt  }
0x85: {  	_ =	shalt  }
0x86: {  	_ =	shalt  }
0x87: {  	_ =	shalt  }
.Lfunc_end0:
.L_simem_size_0:
called_computation.2_lowered:
.L_overlay_start_0:
0x88: {  	s2 =	sld [smem:$0x3FD9]  }
0x89: {  	s3 =	sld [smem:$0x3FFE];
	_ =	sdelay $0x1  }
0x8a: {  	s1 =	srdreg.scid  }
0x8b: {  	s0 =	sand.u32 $0x1, s1  }
0x8c: {  	s16 =	sshll.u32 s0, $0xA;
	s2 =	sadd.s32 s3, s2  }
0x8d: {  	s2 =	sadd.s32 s2, s16  }
0x8e: {  	[smem:$0x3FBE] =	sst s2  }
0x8f: {  	_ = 	snop  }
0x90: {  	(tm) =	ssettm $0x1  }
0x91: {  	s17 =	sld [smem:$0x3FFB];
	_ =	sdelay $0x3  }
0x92: {  	_ =	strace s17  }
0x93: {  	s2 =	sld [smem:$0x3FFC];
	_ =	sdelay $0x3  }
0x94: {  	_ =	strace s2  }
0x95: {  	s2 =	sld [smem:$0x3FFD];
	_ =	sdelay $0x3  }
0x96: {  	_ =	strace s2  }
0x97: {  	_ =	strace $0x8FFFFFFF  }
0x98: {  	s18 =	sld [smem:$0x3FDB];
	_ =	sdelay $0x1  }
0x99: {  	s19 =	simm.s32 $_scs_section_size  }
0x9a: {  	s4 =	simm.s32 $_size__tile_overlayer_lowered;
	s5 =	simm.s32 $_tile_overlayer_lowered  }
0x9b: {  	s22 =	simm.s32 $0x1BFF;
	s21 =	sshll.u32 s5, $0x1;
	s2 =	sadd.s32 s19, s18  }
0x9c: {  	s6 =	simm.s32 $0x0;
	s20 =	sshll.u32 s4, $0x1;
	s4 =	sadd.s32 s21, s2  }
0x9d: {  	[timem:s6], [sflag:s22] =	dma.local [hbm:s4], s20  }
0x9e: {  	_ =	swait.ge [sflag:s22], s20  }
0x9f: {  	s3 =	ssub.s32 $0x0, s20;
	[sflag:s22] =	ssyncset.done $0x0  }
0xa0: {  	[sflag:s22] =	ssyncadd.s32 s3;
	_ =	sdelay $0x1  }
0xa1: {  	s23 =	simm.s32 $0x1B8B  }
0xa2: {  	_ =	swait.ge [sflag:s23], $0x1  }
0xa3: {  	[sflag:s23] =	ssyncset.done $0x0  }
0xa4: {  	s25 =	simm.s32 $0x1B8E;
	s24 =	sld [smem:$0x3FFE];
	[sflag:s23] =	ssyncadd.s32 $0xFFFFFFFF  }
0xa5: {  	s26 =	simm.s32 $execute0_lowered;
	[smem:$0x3FD2] =	sst s25  }
0xa6: {  	s4 =	sshll.u32 s26, $0x1;
	_ =	strace $0x8000004C;
	[dreg:$0x1] =	wrdreg $0xFFFFFFFF  }
0xa7: {  	s28 =	simm.s32 $_size_execute0_lowered;
	s2 =	sadd.s32 s2, s4;
	[dreg:$0x0] =	wrdreg $0x0  }
0xa8: {  	s4 =	sshll.u32 s28, $0x1;
	[dreg:$0x2] =	wrdreg s2  }
0xa9: {  	[dreg:$0x3] =	wrdreg s4  }
0xaa: {  	[dreg:$0x4] =	wrdreg $0xC0  }
0xab: {  	_ =	task [dreg:s6], $0x5FFFF  }
0xac: {  	[dreg:$0x1] =	wrdreg $0xFFFFFFFF  }
0xad: {  	[dreg:$0x0] =	wrdreg $0x60  }
0xae: {  	[dreg:$0x2] =	wrdreg s24  }
0xaf: {  	[dreg:$0x3] =	wrdreg $0xB2200  }
0xb0: {  	[dreg:$0x4] =	wrdreg $0x9  }
0xb1: {  	_ =	task.clear_ibuf [dreg:s6], $0x5FFFF;
	_ =	strace $0x9000004C  }
0xb2: {  	s29 =	simm.s32 $0x9;
	_ =	strace $0x8000004E  }
0xb3: {  	_ =	swait.ge [sflag:s29], $0x1  }
0xb4: {  	[sflag:s29] =	ssyncadd.s32 $0xFFFFFFFF  }
0xb5: {  	_ =	strace $0x9000004E  }
0xb6: {  	_ =	sfence  }
0xb7: {  	s30 =	sld [smem:$0x0];
	_ =	sdelay $0x2  }
0xb8: {  	s31 =	sshll.u32 s1, $0xD;
	s1 =	sshrl.u32 s1, $0x2  }
0xb9: {  	s3 =	sand.u32 $0x4000, s31;
	s1 =	sadd.s32 s1, s30  }
0xba: {  	s0 =	sor.u32 s3, s0;
	s1 =	sshll.u32 s1, $0x11  }
0xbb: {  	s0 =	sor.u32 s1, s0  }
0xbc: {  	s0 =	sadd.s32 $0x8F2B, s0  }
0xbd: {  	[sflag:s0] =	ssyncadd.remote.s32 $0x1  }
0xbe: {  	_ =	sfence.sel $0xFFFF  }
0xbf: {  	[dreg:$0x0] =	wrdreg $0xFFFFFFFF;
	(pc) =	sbr.abs _section_cstart, $3  }
0xc0: {  	[dreg:$0x1] =	wrdreg $0xFFFFFFFF  }
0xc1: {  	_ =	task.clear_ibuf [dreg:s6], $0x2FFFF;
	_ =	strace $0x9FFFFFFF  }
0xc2: {  	(tm) =	ssettm $0x7FFFFFFF  }
0xc3: {  	_ =	shalt  }
tec
execute0_lowered:
.L_overlay_start_1:
0x0: {  	(tag) =	ssettag $0x1  }
0x1: {  	s0 =	srdreg.scid;
	s5 =	rddreg [dreg:$0x0]  }
0x2: {  	s12 =	stileid.u32;
	s2 =	rddreg [dreg:$0x1];
	s3 =	simm.s32 $0x0  }
0x3: {  	s14 =	simm.s32 $0x50;
	s15 =	simm.s32 $0x4E20;
	s16 =	simm.s32 $0x6220  }
0x4: {  	s18 =	simm.s32 $0x7620;
	s20 =	simm.s32 $0x8A20;
	s22 =	simm.s32 $0x9E20  }
0x5: {  	s23 =	simm.s32 $0x1;
	s24 =	simm.s32 $0x2;
	s25 =	simm.s32 $0x3  }
0x6: {  	s28 =	simm.s32 $0x5;
	s29 =	simm.s32 $0x6;
	s30 =	simm.s32 $0x7  }
0x7: {  	s31 =	simm.s32 $0x8;
	s17 =	simm.s32 $0x0;
	s0 =	sand.u32 $0x1, s0  }
0x8: {  	s1 =	sshll.u32 s12, $0x1;
	s6 =	smul.u32 $0xA000, s12;
	[smem:$0x7FF] =	sst s3  }
0x9: {  	s4 =	sadd.s32 $0x15E00, s5;
	s26 =	sshll.u32 s12, $0x6;
	s12 =	simm.s32 $0xB  }
0xa: {  	s1 =	sor.u32 s0, s1;
	s7 =	smul.u32 $0xA0000, s0;
	_ =	strace $0x8000004D  }
0xb: {  	s0 =	ssub.s32 $0x2, s0;
	s1 =	smul.u32 $0x4E2, s1;
	s8 =	sshrl.u32 s6, $0x3  }
0xc: {  	s9 =	sshrl.u32 s0, $0x1;
	s11 =	sadd.s32 s6, s2;
	s7 =	sadd.s32 s6, s7  }
0xd: {  	s8 =	sadd.s32 s8, s5;
	s0 =	ssub.s32 s0, s9;
	s6 =	sor.u32 $0x1C0B, s26  }
0xe: {  	s11 =	sshrl.u32 s11, $0x3;
	s26 =	simm.s32 $0x4;
	s7 =	sshrl.u32 s7, $0x3  }
0xf: {  	s1 =	sadd.s32 s1, s5;
	s10 =	sadd.s32 s7, s5;
	s5 =	sadd.s32 $0x29800, s8  }
0x10: {  	s7 =	sadd.s32 $0x2200, s1;
	s8 =	sadd.s32 $0xC000, s1;
	s1 =	simm.s32 $0x9  }
0x11: {  	s9 =	sadd.s32 $0x3D800, s10;
	s10 =	smax.u32 s0, $0x1;
	s0 =	simm.s32 $0xA  }
.LBB2_1:
0x12: {  	[spmem:s11], [sflag:s6] =	dma.local [hbm:s5], $0x1400  }
0x13: {  	_ =	swait.ge [sflag:s12], $0x1400  }
0x14: {  	[sflag:s12] =	ssyncset.done $0x0  }
0x15: {  	[sflag:s12] =	ssyncadd.s32 $0xFFFFEC00  }
0x16: {  	[tilespmem:s3], [sflag:$0xB] =	stream.linear.gather [hbm4b:s7+s3], $0x2710, $0x38;
	[tilespmem:$0x15220] =	vst v63  }
0x17: {  	_ =	swait.ge [sflag:s12], $0x2710  }
0x18: {  	[sflag:s12] =	ssyncset.done $0x0  }
0x19: {  	s13 =	simm.s32 $0x2710;
	[sflag:s12] =	ssyncadd.s32 $0xFFFFD8F0  }
0x1a: {  	[tilespmem:s13], [sflag:$0xB] =	stream.linear.gather [hbm4b:s8+s3], $0x2710, $0x38;
	[tilespmem:$0x15220] =	vst v63  }
0x1b: {  	_ =	swait.ge [sflag:s12], $0x2710  }
0x1c: {  	[sflag:s12] =	ssyncset.done $0x0  }
0x1d: {  	[sflag:s12] =	ssyncadd.s32 $0xFFFFD8F0  }
0x1e: {  	[bflag:$0x0] =	sbarrier.arrive $0xFFFF  }
0x1f: {  	[tilespmem:s15], [sflag:$0x1] =	stream.indirect.gather [hbm4b:s4+s14], $0x40, s3, s14, $0xb8;
	[tilespmem:$0x15220] =	vst v63  }
0x20: {  	_ = 	snop  }
0x21: {  	[tilespmem:s16], [sflag:$0x2] =	stream.indirect.gather [hbm4b:s4+s14], $0x40, s14, s14, $0xb8;
	[tilespmem:$0x15220] =	vst v63  }
0x22: {  	s21 =	simm.s32 $0xA0  }
0x23: {  	[tilespmem:s18], [sflag:$0x3] =	stream.indirect.gather [hbm4b:s4+s14], $0x40, s21, s14, $0xb8;
	[tilespmem:$0x15220] =	vst v63  }
0x24: {  	s19 =	simm.s32 $0xF0  }
0x25: {  	[tilespmem:s20], [sflag:$0x4] =	stream.indirect.gather [hbm4b:s4+s14], $0x40, s19, s14, $0xb8;
	[tilespmem:$0x15220] =	vst v63  }
0x26: {  	s21 =	simm.s32 $0x140  }
0x27: {  	[tilespmem:s22], [sflag:$0x5] =	stream.indirect.gather [hbm4b:s4+s14], $0x40, s21, s14, $0xb8;
	[tilespmem:$0x15220] =	vst v63  }
0x28: {  	_ =	swait.ge [sflag:s23], $0x1400  }
0x29: {  	[sflag:s23] =	ssyncset.done $0x0  }
0x2a: {  	s19 =	simm.s32 $0x2710;
	[sflag:s23] =	ssyncadd.s32 $0xFFFFEC00  }
0x2b: {  	[spmem:s2] =	stream.indirect.scatter.add.f32 [tilespmem:s15], [sflag:$0x6], $0x40, s19, s14, $0xb8;
	[tilespmem:$0x15220] =	vst v63  }
0x2c: {  	_ =	swait.ge [sflag:s24], $0x1400  }
0x2d: {  	[sflag:s24] =	ssyncset.done $0x0  }
0x2e: {  	s13 =	simm.s32 $0x2760;
	[sflag:s24] =	ssyncadd.s32 $0xFFFFEC00  }
0x2f: {  	[spmem:s2] =	stream.indirect.scatter.add.f32 [tilespmem:s16], [sflag:$0x7], $0x40, s13, s14, $0xb8;
	[tilespmem:$0x15220] =	vst v63  }
0x30: {  	_ =	swait.ge [sflag:s25], $0x1400  }
0x31: {  	[sflag:s25] =	ssyncset.done $0x0  }
0x32: {  	s21 =	simm.s32 $0x27B0;
	[sflag:s25] =	ssyncadd.s32 $0xFFFFEC00  }
0x33: {  	[spmem:s2] =	stream.indirect.scatter.add.f32 [tilespmem:s18], [sflag:$0x8], $0x40, s21, s14, $0xb8;
	[tilespmem:$0x15220] =	vst v63  }
0x34: {  	_ =	swait.ge [sflag:s26], $0x1400  }
0x35: {  	[sflag:s26] =	ssyncset.done $0x0  }
0x36: {  	s13 =	simm.s32 $0x2800;
	[sflag:s26] =	ssyncadd.s32 $0xFFFFEC00  }
0x37: {  	[spmem:s2] =	stream.indirect.scatter.add.f32 [tilespmem:s20], [sflag:$0x9], $0x40, s13, s14, $0xb8;
	[tilespmem:$0x15220] =	vst v63  }
0x38: {  	_ =	swait.ge [sflag:s28], $0x1400  }
0x39: {  	[sflag:s28] =	ssyncset.done $0x0  }
0x3a: {  	s21 =	simm.s32 $0x2850;
	[sflag:s28] =	ssyncadd.s32 $0xFFFFEC00  }
0x3b: {  	[spmem:s2] =	stream.indirect.scatter.add.f32 [tilespmem:s22], [sflag:$0xA], $0x40, s21, s14, $0xb8;
	[tilespmem:$0x15220] =	vst v63  }
0x3c: {  	_ =	swait.ge [sflag:s29], $0x1400  }
0x3d: {  	[sflag:s29] =	ssyncset.done $0x0  }
0x3e: {  	s13 =	simm.s32 $0x190;
	[sflag:s29] =	ssyncadd.s32 $0xFFFFEC00  }
0x3f: {  	[tilespmem:s15], [sflag:$0x1] =	stream.indirect.gather [hbm4b:s4+s14], $0x40, s13, s14, $0xb8;
	[tilespmem:$0x15220] =	vst v63  }
0x40: {  	_ =	swait.ge [sflag:s30], $0x1400  }
0x41: {  	[sflag:s30] =	ssyncset.done $0x0  }
0x42: {  	s21 =	simm.s32 $0x1E0;
	[sflag:s30] =	ssyncadd.s32 $0xFFFFEC00  }
0x43: {  	[tilespmem:s16], [sflag:$0x2] =	stream.indirect.gather [hbm4b:s4+s14], $0x40, s21, s14, $0xb8;
	[tilespmem:$0x15220] =	vst v63  }
0x44: {  	_ =	swait.ge [sflag:s31], $0x1400  }
0x45: {  	[sflag:s31] =	ssyncset.done $0x0  }
0x46: {  	s13 =	simm.s32 $0x230;
	[sflag:s31] =	ssyncadd.s32 $0xFFFFEC00  }
0x47: {  	[tilespmem:s18], [sflag:$0x3] =	stream.indirect.gather [hbm4b:s4+s14], $0x40, s13, s14, $0xb8;
	[tilespmem:$0x15220] =	vst v63  }
0x48: {  	_ =	swait.ge [sflag:s1], $0x1400  }
0x49: {  	[sflag:s1] =	ssyncset.done $0x0  }
0x4a: {  	s21 =	simm.s32 $0x280;
	[sflag:s1] =	ssyncadd.s32 $0xFFFFEC00  }
0x4b: {  	[tilespmem:s20], [sflag:$0x4] =	stream.indirect.gather [hbm4b:s4+s14], $0x40, s21, s14, $0xb8;
	[tilespmem:$0x15220] =	vst v63  }
0x4c: {  	_ =	swait.ge [sflag:s0], $0x1400  }
0x4d: {  	[sflag:s0] =	ssyncset.done $0x0  }
0x4e: {  	s19 =	simm.s32 $0x640;
	s21 =	simm.s32 $0x2D0;
	[sflag:s0] =	ssyncadd.s32 $0xFFFFEC00  }
.LBB2_2:
0x4f: {  	[tilespmem:s22], [sflag:$0x5] =	stream.indirect.gather [hbm4b:s4+s14], $0x40, s21, s14, $0xb8;
	[tilespmem:$0x15220] =	vst v63  }
0x50: {  	s21 =	smov.u32 s19  }
0x51: {  	p0 =	sne.s32 s19, $0x8FC0;
	s19 =	sadd.s32 $0x640, s19;
	_ =	swait.ge [sflag:s23], $0x1400  }
0x52: {  	s21 =	sshra.s32 s21, $0x2;
	[sflag:s23] =	ssyncset.done $0x0  }
0x53: {  	s13 =	sadd.s32 $0x2710, s21;
	[sflag:s23] =	ssyncadd.s32 $0xFFFFEC00  }
0x54: {  	[spmem:s2] =	stream.indirect.scatter.add.f32 [tilespmem:s15], [sflag:$0x6], $0x40, s13, s14, $0xb8;
	[tilespmem:$0x15220] =	vst v63  }
0x55: {  	_ =	swait.ge [sflag:s24], $0x1400  }
0x56: {  	[sflag:s24] =	ssyncset.done $0x0  }
0x57: {  	s13 =	sadd.s32 $0x2760, s21;
	[sflag:s24] =	ssyncadd.s32 $0xFFFFEC00  }
0x58: {  	[spmem:s2] =	stream.indirect.scatter.add.f32 [tilespmem:s16], [sflag:$0x7], $0x40, s13, s14, $0xb8;
	[tilespmem:$0x15220] =	vst v63  }
0x59: {  	_ =	swait.ge [sflag:s25], $0x1400  }
0x5a: {  	[sflag:s25] =	ssyncset.done $0x0  }
0x5b: {  	s13 =	sadd.s32 $0x27B0, s21;
	[sflag:s25] =	ssyncadd.s32 $0xFFFFEC00  }
0x5c: {  	[spmem:s2] =	stream.indirect.scatter.add.f32 [tilespmem:s18], [sflag:$0x8], $0x40, s13, s14, $0xb8;
	[tilespmem:$0x15220] =	vst v63  }
0x5d: {  	_ =	swait.ge [sflag:s26], $0x1400  }
0x5e: {  	[sflag:s26] =	ssyncset.done $0x0  }
0x5f: {  	s13 =	sadd.s32 $0x2800, s21;
	[sflag:s26] =	ssyncadd.s32 $0xFFFFEC00  }
0x60: {  	[spmem:s2] =	stream.indirect.scatter.add.f32 [tilespmem:s20], [sflag:$0x9], $0x40, s13, s14, $0xb8;
	[tilespmem:$0x15220] =	vst v63  }
0x61: {  	_ =	swait.ge [sflag:s28], $0x1400  }
0x62: {  	[sflag:s28] =	ssyncset.done $0x0  }
0x63: {  	s13 =	sadd.s32 $0x2850, s21;
	[sflag:s28] =	ssyncadd.s32 $0xFFFFEC00  }
0x64: {  	[spmem:s2] =	stream.indirect.scatter.add.f32 [tilespmem:s22], [sflag:$0xA], $0x40, s13, s14, $0xb8;
	[tilespmem:$0x15220] =	vst v63  }
0x65: {  	_ =	swait.ge [sflag:s29], $0x1400  }
0x66: {  	[sflag:s29] =	ssyncset.done $0x0  }
0x67: {  	s13 =	sadd.s32 $0x190, s21;
	[sflag:s29] =	ssyncadd.s32 $0xFFFFEC00  }
0x68: {  	[tilespmem:s15], [sflag:$0x1] =	stream.indirect.gather [hbm4b:s4+s14], $0x40, s13, s14, $0xb8;
	[tilespmem:$0x15220] =	vst v63  }
0x69: {  	_ =	swait.ge [sflag:s30], $0x1400  }
0x6a: {  	[sflag:s30] =	ssyncset.done $0x0  }
0x6b: {  	s13 =	sadd.s32 $0x1E0, s21;
	[sflag:s30] =	ssyncadd.s32 $0xFFFFEC00  }
0x6c: {  	[tilespmem:s16], [sflag:$0x2] =	stream.indirect.gather [hbm4b:s4+s14], $0x40, s13, s14, $0xb8;
	[tilespmem:$0x15220] =	vst v63  }
0x6d: {  	_ =	swait.ge [sflag:s31], $0x1400  }
0x6e: {  	[sflag:s31] =	ssyncset.done $0x0  }
0x6f: {  	s13 =	sadd.s32 $0x230, s21;
	[sflag:s31] =	ssyncadd.s32 $0xFFFFEC00  }
0x70: {  	[tilespmem:s18], [sflag:$0x3] =	stream.indirect.gather [hbm4b:s4+s14], $0x40, s13, s14, $0xb8;
	[tilespmem:$0x15220] =	vst v63  }
0x71: {  	_ =	swait.ge [sflag:s1], $0x1400  }
0x72: {  	[sflag:s1] =	ssyncset.done $0x0  }
.Ltmp0:
0x73: {  	s13 =	sadd.s32 $0x280, s21;
	[sflag:s1] =	ssyncadd.s32 $0xFFFFEC00;
	(pc) =	sbr.rel @p0 .LBB2_2-.Ltmp0, $4  }
0x74: {  	[tilespmem:s20], [sflag:$0x4] =	stream.indirect.gather [hbm4b:s4+s14], $0x40, s13, s14, $0xb8;
	[tilespmem:$0x15220] =	vst v63  }
0x75: {  	_ =	swait.ge [sflag:s0], $0x1400  }
0x76: {  	[sflag:s0] =	ssyncset.done $0x0  }
0x77: {  	s21 =	sadd.s32 $0x2D0, s21;
	[sflag:s0] =	ssyncadd.s32 $0xFFFFEC00  }
0x78: {  	[tilespmem:s22], [sflag:$0x5] =	stream.indirect.gather [hbm4b:s4+s14], $0x40, s21, s14, $0xb8;
	[tilespmem:$0x15220] =	vst v63  }
0x79: {  	_ =	swait.ge [sflag:s23], $0x1400  }
0x7a: {  	[sflag:s23] =	ssyncset.done $0x0  }
0x7b: {  	s13 =	simm.s32 $0x4C90;
	[sflag:s23] =	ssyncadd.s32 $0xFFFFEC00  }
0x7c: {  	[spmem:s2] =	stream.indirect.scatter.add.f32 [tilespmem:s15], [sflag:$0x6], $0x40, s13, s14, $0xb8;
	[tilespmem:$0x15220] =	vst v63  }
0x7d: {  	_ =	swait.ge [sflag:s24], $0x1400  }
0x7e: {  	[sflag:s24] =	ssyncset.done $0x0  }
0x7f: {  	s19 =	simm.s32 $0x4CE0;
	[sflag:s24] =	ssyncadd.s32 $0xFFFFEC00  }
0x80: {  	[spmem:s2] =	stream.indirect.scatter.add.f32 [tilespmem:s16], [sflag:$0x7], $0x40, s19, s14, $0xb8;
	[tilespmem:$0x15220] =	vst v63  }
0x81: {  	_ =	swait.ge [sflag:s25], $0x1400  }
0x82: {  	[sflag:s25] =	ssyncset.done $0x0  }
0x83: {  	s21 =	simm.s32 $0x4D30;
	[sflag:s25] =	ssyncadd.s32 $0xFFFFEC00  }
0x84: {  	[spmem:s2] =	stream.indirect.scatter.add.f32 [tilespmem:s18], [sflag:$0x8], $0x40, s21, s14, $0xb8;
	[tilespmem:$0x15220] =	vst v63  }
0x85: {  	_ =	swait.ge [sflag:s26], $0x1400  }
0x86: {  	[sflag:s26] =	ssyncset.done $0x0  }
0x87: {  	s19 =	simm.s32 $0x4D80;
	[sflag:s26] =	ssyncadd.s32 $0xFFFFEC00  }
0x88: {  	[spmem:s2] =	stream.indirect.scatter.add.f32 [tilespmem:s20], [sflag:$0x9], $0x40, s19, s14, $0xb8;
	[tilespmem:$0x15220] =	vst v63  }
0x89: {  	_ =	swait.ge [sflag:s28], $0x1400  }
0x8a: {  	[sflag:s28] =	ssyncset.done $0x0  }
0x8b: {  	s21 =	simm.s32 $0x4DD0;
	[sflag:s28] =	ssyncadd.s32 $0xFFFFEC00  }
0x8c: {  	[spmem:s2] =	stream.indirect.scatter.add.f32 [tilespmem:s22], [sflag:$0xA], $0x40, s21, s14, $0xb8;
	[tilespmem:$0x15220] =	vst v63  }
0x8d: {  	_ =	swait.ge [sflag:s29], $0x1400  }
0x8e: {  	[sflag:s29] =	ssyncset.done $0x0  }
0x8f: {  	[sflag:s29] =	ssyncadd.s32 $0xFFFFEC00  }
0x90: {  	_ =	swait.ge [sflag:s30], $0x1400  }
0x91: {  	[sflag:s30] =	ssyncset.done $0x0  }
0x92: {  	[sflag:s30] =	ssyncadd.s32 $0xFFFFEC00  }
0x93: {  	_ =	swait.ge [sflag:s31], $0x1400  }
0x94: {  	[sflag:s31] =	ssyncset.done $0x0  }
0x95: {  	[sflag:s31] =	ssyncadd.s32 $0xFFFFEC00  }
0x96: {  	_ =	swait.ge [sflag:s1], $0x1400  }
0x97: {  	[sflag:s1] =	ssyncset.done $0x0  }
0x98: {  	[sflag:s1] =	ssyncadd.s32 $0xFFFFEC00  }
0x99: {  	_ =	swait.ge [sflag:s0], $0x1400  }
0x9a: {  	s17 =	sadd.s32 $0x1, s17;
	[sflag:s0] =	ssyncset.done $0x0  }
0x9b: {  	p0 =	sne.s32 s17, s10;
	[sflag:s0] =	ssyncadd.s32 $0xFFFFEC00  }
.Ltmp1:
0x9c: {  	[bflag:$0x0] =	sbarrier.arrive $0xFFFF;
	(pc) =	sbr.rel @p0 .LBB2_1-.Ltmp1, $4  }
0x9d: {  	[hbm:s9], [sflag:s6] =	dma.local [spmem:s11], $0x1400  }
0x9e: {  	_ =	swait.ge [sflag:s12], $0x1400  }
0x9f: {  	[sflag:s12] =	ssyncset.done $0x0  }
0xa0: {  	[sflag:s12] =	ssyncadd.s32 $0xFFFFEC00  }
0xa1: {  	_ =	sfence.sel $0x180000  }
0xa2: {  	[bflag:$0x0] =	sbarrier.arrive $0xFFFF  }
0xa3: {  	_ =	strace $0x9000004D  }
0xa4: {  	s0 =	stileid.u32;
	[bflag:$0x2] =	sbarrier.arrive $0xFFFF  }
0xa5: {  	p0 =	sne.s32 s0, $0x0;
	s0 =	rddreg [dreg:$0x2]  }
0xa6: {  	s0 =	sadd.s32 @!p0 $0x100000, s0  }
0xa7: {  	[sflag:s0] =	ssyncadd.tile.s32 @!p0 $0x1;
	_ =	shalt  }
.Lfunc_end2:
_tile_overlayer_lowered:
.L_overlay_start_2:
0xa8: {  	(tag) =	ssettag $0x2  }
0xa9: {  	s0 =	rddreg [dreg:$0x0];
	s2 =	stileid.u32  }
0xaa: {  	s1 =	rddreg [dreg:$0x1];
	p0 =	sne.s32 s2, $0x0  }
0xab: {  	s3 =	rddreg [dreg:$0x2];
	[bflag:$0x3] =	sbarrier.arrive $0xFFFF;
	s2 =	simm.s32 @!p0 $0x1C0B  }
0xac: {  	[timem:s3], [sflag:s2] =	dma.local @!p0 [hbm:s0], s1  }
0xad: {  	s0 =	simm.s32 @!p0 $0xB  }
0xae: {  	_ =	swait.ge @!p0 [sflag:s0], s1  }
0xaf: {  	s1 =	ssub.s32 @!p0 $0x0, s1;
	[sflag:s0] =	ssyncset.done @!p0 $0x0  }
0xb0: {  	[sflag:s0] =	ssyncadd.s32 @!p0 s1  }
0xb1: {  	[bflag:$0x3] =	sbarrier.arrive $0xFFFF  }
0xb2: {  	_ =	shalt  }

// kernel: kernel.20.cloned.1.call-start
scs
__scs_entry_jumppad:
0x0: {  	(pc) =	sbr.rel $0x88, $3  }
0x1: {  	(tag) =	ssettag $0x0;
	lr =	simm.s32 $0x1  }
0x2: {  	[smem:$0x3F97] =	sst lr;
	_ =	strace $0xD0000000  }
0x3: {  	_ = 	snop  }
0x4: {  	_ = 	snop  }
0x5: {  	_ = 	snop  }
0x6: {  	_ = 	snop  }
0x7: {  	_ = 	snop  }
__scs_overlays_trampoline_lowered:
0x8: {  	[smem:$0x3FA6] =	sst s0  }
0x9: {  	[smem:$0x3FA7] =	sst s1  }
0xa: {  	[smem:$0x3FA8] =	sst s2  }
0xb: {  	[smem:$0x3FA9] =	sst s3  }
0xc: {  	[smem:$0x3FAA] =	sst s4  }
0xd: {  	[smem:$0x3FAB] =	sst s5  }
0xe: {  	[smem:$0x3FAC] =	sst s6  }
0xf: {  	[smem:$0x3FAD] =	sst s7  }
0x10: {  	[smem:$0x3FAE] =	sst s8  }
0x11: {  	[smem:$0x3FAF] =	sst s9;
	s0 =	simm.s32 @!p0 $0x0  }
0x12: {  	s1 =	sld [smem:$0x3F95];
	s0 =	simm.s32 @p0 $0x1  }
0x13: {  	[smem:$0x3FB0] =	sst s0;
	s0 =	simm.s32 @!p1 $0x0  }
0x14: {  	s2 =	sld [smem:$0x3F94];
	s0 =	simm.s32 @p1 $0x1  }
0x15: {  	[smem:$0x3FB1] =	sst s0;
	s0 =	simm.s32 @!p2 $0x0  }
0x16: {  	s3 =	sld [smem:$0x3FDB];
	s0 =	simm.s32 @p2 $0x1  }
0x17: {  	s4 =	simm.s32 $0x1BF5;
	[smem:$0x3FB3] =	sst s0  }
0x18: {  	s0 =	sld [smem:$0x3F96];
	_ =	swait.ge [sflag:s4], $0x0  }
0x19: {  	s7 =	sld [smem:$0x3F97]  }
0x1a: {  	s8 =	sadd.s32 $0xFFFFE003, lr  }
0x1b: {  	s9 =	sadd.s32 $0xFFFFFEF7, lr;
	s5 =	simm.s32 $0xFFFFFFFF;
	p2 =	slt.u32 s8, $0xFFFFF086  }
0x1c: {  	p1 =	slt.u32 s9, $0xF7A;
	s5 =	simm.s32 @!p2 $0x0  }
0x1d: {  	s5 =	simm.s32 @p1 $0x1;
	p0 =	seq.s32 s7, s2  }
0x1e: {  	s7 =	smul.u32 @!p0 $0xF7A, s2;
	p2 =	seq.s32 @!p0 s5, $0x0  }
0x1f: {  	s9 =	smul.u32 $0xF7A, s1;
	s8 =	simm.s32 @!p0 $0x1BF5;
	p2 =	por !p2, p0  }
0x20: {  	[sflag:s8] =	ssyncset.s32 @!p0 $0xFFFFF086;
	s6 =	sadd.s32 @!p0 s3, s7;
	s7 =	simm.s32 @!p0 $0x108  }
0x21: {  	s3 =	sadd.s32 s3, s9;
	s6 =	sadd.s32 @!p0 $0x88, s6;
	s7 =	simm.s32 @p2 $0x1082  }
0x22: {  	[simem:s7], [sflag:s8] =	dma.local @!p0 [hbm:s6], $0xF7A  }
0x23: {  	s9 =	sor.u32 $0xD0000000, s2;
	s6 =	simm.s32 $0x108;
	_ =	swait.ge @!p0 [sflag:s8], $0x0  }
0x24: {  	s3 =	sadd.s32 $0x88, s3;
	s6 =	simm.s32 @!p1 $0x1082;
	[sflag:s4] =	ssyncset.s32 $0xFFFFF086  }
0x25: {  	[simem:s6], [sflag:s4] =	dma.local [hbm:s3], $0xF7A  }
0x26: {  	[smem:$0x3F97] =	sst s1;
	(tag) =	ssettag s2;
	_ =	strace s9  }
0x27: {  	s1 =	sld [smem:$0x3FA7]  }
0x28: {  	s2 =	sld [smem:$0x3FA8]  }
0x29: {  	s4 =	sld [smem:$0x3FAA]  }
0x2a: {  	p0 =	seq.s32 s5, $0x0;
	s5 =	sld [smem:$0x3FAB]  }
0x2b: {  	s6 =	sld [smem:$0x3FAC]  }
0x2c: {  	s7 =	sld [smem:$0x3FAD]  }
0x2d: {  	s3 =	simm.s32 $0x108;
	s8 =	sld [smem:$0x3FAE]  }
0x2e: {  	s3 =	simm.s32 @!p0 $0x1082;
	s9 =	sld [smem:$0x3FAF]  }
0x2f: {  	lr =	sadd.s32 s0, s3;
	s0 =	sld [smem:$0x3FA6]  }
0x30: {  	s3 =	sld [smem:$0x3FA9]  }
0x31: {  	[smem:$0x3FB2] =	sst s10  }
0x32: {  	s10 =	sld [smem:$0x3FB0];
	_ =	sdelay $0x3  }
0x33: {  	p0 =	seq.s32 s10, $0x1;
	s10 =	sld [smem:$0x3FB2];
	_ =	sdelay $0x3  }
0x34: {  	[smem:$0x3FB2] =	sst s10  }
0x35: {  	s10 =	sld [smem:$0x3FB1];
	_ =	sdelay $0x3  }
0x36: {  	p1 =	seq.s32 s10, $0x1;
	s10 =	sld [smem:$0x3FB2];
	_ =	sdelay $0x3  }
0x37: {  	[smem:$0x3FB2] =	sst s10  }
0x38: {  	s10 =	sld [smem:$0x3FB3]  }
0x39: {  	_ = 	snop;
	(pc) =	sbr.ind lr, $3  }
0x3a: {  	_ = 	snop  }
0x3b: {  	_ = 	snop  }
0x3c: {  	p2 =	seq.s32 s10, $0x1;
	s10 =	sld [smem:$0x3FB2]  }
0x3d: {  	_ =	shalt  }
0x3e: {  	_ =	shalt  }
0x3f: {  	_ =	shalt  }
0x40: {  	_ =	shalt  }
0x41: {  	_ =	shalt  }
0x42: {  	_ =	shalt  }
0x43: {  	_ =	shalt  }
0x44: {  	_ =	shalt  }
0x45: {  	_ =	shalt  }
0x46: {  	_ =	shalt  }
0x47: {  	_ =	shalt  }
0x48: {  	_ =	shalt  }
0x49: {  	_ =	shalt  }
0x4a: {  	_ =	shalt  }
0x4b: {  	_ =	shalt  }
0x4c: {  	_ =	shalt  }
0x4d: {  	_ =	shalt  }
0x4e: {  	_ =	shalt  }
0x4f: {  	_ =	shalt  }
0x50: {  	_ =	shalt  }
0x51: {  	_ =	shalt  }
0x52: {  	_ =	shalt  }
0x53: {  	_ =	shalt  }
0x54: {  	_ =	shalt  }
0x55: {  	_ =	shalt  }
0x56: {  	_ =	shalt  }
0x57: {  	_ =	shalt  }
0x58: {  	_ =	shalt  }
0x59: {  	_ =	shalt  }
0x5a: {  	_ =	shalt  }
0x5b: {  	_ =	shalt  }
0x5c: {  	_ =	shalt  }
0x5d: {  	_ =	shalt  }
0x5e: {  	_ =	shalt  }
0x5f: {  	_ =	shalt  }
0x60: {  	_ =	shalt  }
0x61: {  	_ =	shalt  }
0x62: {  	_ =	shalt  }
0x63: {  	_ =	shalt  }
0x64: {  	_ =	shalt  }
0x65: {  	_ =	shalt  }
0x66: {  	_ =	shalt  }
0x67: {  	_ =	shalt  }
0x68: {  	_ =	shalt  }
0x69: {  	_ =	shalt  }
0x6a: {  	_ =	shalt  }
0x6b: {  	_ =	shalt  }
0x6c: {  	_ =	shalt  }
0x6d: {  	_ =	shalt  }
0x6e: {  	_ =	shalt  }
0x6f: {  	_ =	shalt  }
0x70: {  	_ =	shalt  }
0x71: {  	_ =	shalt  }
0x72: {  	_ =	shalt  }
0x73: {  	_ =	shalt  }
0x74: {  	_ =	shalt  }
0x75: {  	_ =	shalt  }
0x76: {  	_ =	shalt  }
0x77: {  	_ =	shalt  }
0x78: {  	_ =	shalt  }
0x79: {  	_ =	shalt  }
0x7a: {  	_ =	shalt  }
0x7b: {  	_ =	shalt  }
0x7c: {  	_ =	shalt  }
0x7d: {  	_ =	shalt  }
0x7e: {  	_ =	shalt  }
0x7f: {  	_ =	shalt  }
0x80: {  	_ =	shalt  }
0x81: {  	_ =	shalt  }
0x82: {  	_ =	shalt  }
0x83: {  	_ =	shalt  }
0x84: {  	_ =	shalt  }
0x85: {  	_ =	shalt  }
0x86: {  	_ =	shalt  }
0x87: {  	_ =	shalt  }
.Lfunc_end0:
.L_simem_size_0:
called_computation.3_lowered:
.L_overlay_start_0:
0x88: {  	s2 =	sld [smem:$0x3FD9]  }
0x89: {  	s3 =	sld [smem:$0x3FFE];
	_ =	sdelay $0x1  }
0x8a: {  	s1 =	srdreg.scid  }
0x8b: {  	s0 =	sand.u32 $0x1, s1  }
0x8c: {  	s16 =	sshll.u32 s0, $0xA;
	s2 =	sadd.s32 s3, s2  }
0x8d: {  	s2 =	sadd.s32 s2, s16  }
0x8e: {  	[smem:$0x3FBE] =	sst s2  }
0x8f: {  	_ = 	snop  }
0x90: {  	(tm) =	ssettm $0x1  }
0x91: {  	s17 =	sld [smem:$0x3FFB];
	_ =	sdelay $0x3  }
0x92: {  	_ =	strace s17  }
0x93: {  	s2 =	sld [smem:$0x3FFC];
	_ =	sdelay $0x3  }
0x94: {  	_ =	strace s2  }
0x95: {  	s2 =	sld [smem:$0x3FFD];
	_ =	sdelay $0x3  }
0x96: {  	_ =	strace s2  }
0x97: {  	_ =	strace $0x8FFFFFFF  }
0x98: {  	s18 =	sld [smem:$0x3FDB];
	_ =	sdelay $0x1  }
0x99: {  	s19 =	simm.s32 $_scs_section_size  }
0x9a: {  	s4 =	simm.s32 $_size__tile_overlayer_lowered;
	s5 =	simm.s32 $_tile_overlayer_lowered  }
0x9b: {  	s22 =	simm.s32 $0x1BFF;
	s21 =	sshll.u32 s5, $0x1;
	s2 =	sadd.s32 s19, s18  }
0x9c: {  	s6 =	simm.s32 $0x0;
	s20 =	sshll.u32 s4, $0x1;
	s4 =	sadd.s32 s21, s2  }
0x9d: {  	[timem:s6], [sflag:s22] =	dma.local [hbm:s4], s20  }
0x9e: {  	_ =	swait.ge [sflag:s22], s20  }
0x9f: {  	s3 =	ssub.s32 $0x0, s20;
	[sflag:s22] =	ssyncset.done $0x0  }
0xa0: {  	[sflag:s22] =	ssyncadd.s32 s3;
	_ =	sdelay $0x1  }
0xa1: {  	s23 =	simm.s32 $0x1B8B  }
0xa2: {  	_ =	swait.ge [sflag:s23], $0x1  }
0xa3: {  	[sflag:s23] =	ssyncset.done $0x0  }
0xa4: {  	s25 =	simm.s32 $0x1B8E;
	s24 =	sld [smem:$0x3FFE];
	[sflag:s23] =	ssyncadd.s32 $0xFFFFFFFF  }
0xa5: {  	s26 =	simm.s32 $execute0_lowered;
	[smem:$0x3FD2] =	sst s25  }
0xa6: {  	s4 =	sshll.u32 s26, $0x1;
	_ =	strace $0x8000004F;
	[dreg:$0x1] =	wrdreg $0xFFFFFFFF  }
0xa7: {  	s28 =	simm.s32 $_size_execute0_lowered;
	s2 =	sadd.s32 s2, s4;
	[dreg:$0x0] =	wrdreg $0x0  }
0xa8: {  	s4 =	sshll.u32 s28, $0x1;
	[dreg:$0x2] =	wrdreg s2  }
0xa9: {  	[dreg:$0x3] =	wrdreg s4  }
0xaa: {  	[dreg:$0x4] =	wrdreg $0xC0  }
0xab: {  	_ =	task [dreg:s6], $0x5FFFF  }
0xac: {  	[dreg:$0x1] =	wrdreg $0xFFFFFFFF  }
0xad: {  	[dreg:$0x0] =	wrdreg $0x60  }
0xae: {  	[dreg:$0x2] =	wrdreg s24  }
0xaf: {  	[dreg:$0x3] =	wrdreg $0xB2200  }
0xb0: {  	[dreg:$0x4] =	wrdreg $0x9  }
0xb1: {  	_ =	task.clear_ibuf [dreg:s6], $0x5FFFF;
	_ =	strace $0x9000004F  }
0xb2: {  	s29 =	simm.s32 $0x9;
	_ =	strace $0x80000051  }
0xb3: {  	_ =	swait.ge [sflag:s29], $0x1  }
0xb4: {  	[sflag:s29] =	ssyncadd.s32 $0xFFFFFFFF  }
0xb5: {  	_ =	strace $0x90000051  }
0xb6: {  	_ =	sfence  }
0xb7: {  	s30 =	sld [smem:$0x0];
	_ =	sdelay $0x2  }
0xb8: {  	s31 =	sshll.u32 s1, $0xD;
	s1 =	sshrl.u32 s1, $0x2  }
0xb9: {  	s3 =	sand.u32 $0x4000, s31;
	s1 =	sadd.s32 s1, s30  }
0xba: {  	s0 =	sor.u32 s3, s0;
	s1 =	sshll.u32 s1, $0x11  }
0xbb: {  	s0 =	sor.u32 s1, s0  }
0xbc: {  	s0 =	sadd.s32 $0x8F2B, s0  }
0xbd: {  	[sflag:s0] =	ssyncadd.remote.s32 $0x1  }
0xbe: {  	_ =	sfence.sel $0xFFFF  }
0xbf: {  	[dreg:$0x0] =	wrdreg $0xFFFFFFFF;
	(pc) =	sbr.abs _section_cstart, $3  }
0xc0: {  	[dreg:$0x1] =	wrdreg $0xFFFFFFFF  }
0xc1: {  	_ =	task.clear_ibuf [dreg:s6], $0x2FFFF;
	_ =	strace $0x9FFFFFFF  }
0xc2: {  	(tm) =	ssettm $0x7FFFFFFF  }
0xc3: {  	_ =	shalt  }
tec
execute0_lowered:
.L_overlay_start_1:
0x0: {  	(tag) =	ssettag $0x1  }
0x1: {  	s0 =	srdreg.scid;
	s5 =	rddreg [dreg:$0x0]  }
0x2: {  	s12 =	stileid.u32;
	s2 =	rddreg [dreg:$0x1];
	s3 =	simm.s32 $0x0  }
0x3: {  	s14 =	simm.s32 $0x50;
	s15 =	simm.s32 $0x4E20;
	s16 =	simm.s32 $0x6220  }
0x4: {  	s18 =	simm.s32 $0x7620;
	s20 =	simm.s32 $0x8A20;
	s22 =	simm.s32 $0x9E20  }
0x5: {  	s23 =	simm.s32 $0x1;
	s24 =	simm.s32 $0x2;
	s25 =	simm.s32 $0x3  }
0x6: {  	s28 =	simm.s32 $0x5;
	s29 =	simm.s32 $0x6;
	s30 =	simm.s32 $0x7  }
0x7: {  	s31 =	simm.s32 $0x8;
	s17 =	simm.s32 $0x0;
	s0 =	sand.u32 $0x1, s0  }
0x8: {  	s1 =	sshll.u32 s12, $0x1;
	s6 =	smul.u32 $0xA000, s12;
	[smem:$0x7FF] =	sst s3  }
0x9: {  	s4 =	sadd.s32 $0x15E00, s5;
	s26 =	sshll.u32 s12, $0x6;
	s12 =	simm.s32 $0xB  }
0xa: {  	s1 =	sor.u32 s0, s1;
	s7 =	smul.u32 $0xA0000, s0;
	_ =	strace $0x80000050  }
0xb: {  	s0 =	ssub.s32 $0x2, s0;
	s1 =	smul.u32 $0x4E2, s1;
	s8 =	sshrl.u32 s6, $0x3  }
0xc: {  	s9 =	sshrl.u32 s0, $0x1;
	s11 =	sadd.s32 s6, s2;
	s7 =	sadd.s32 s6, s7  }
0xd: {  	s8 =	sadd.s32 s8, s5;
	s0 =	ssub.s32 s0, s9;
	s6 =	sor.u32 $0x1C0B, s26  }
0xe: {  	s11 =	sshrl.u32 s11, $0x3;
	s26 =	simm.s32 $0x4;
	s7 =	sshrl.u32 s7, $0x3  }
0xf: {  	s1 =	sadd.s32 s1, s5;
	s10 =	sadd.s32 s7, s5;
	s5 =	sadd.s32 $0x29800, s8  }
0x10: {  	s7 =	sadd.s32 $0x2200, s1;
	s8 =	sadd.s32 $0xC000, s1;
	s1 =	simm.s32 $0x9  }
0x11: {  	s9 =	sadd.s32 $0x3D800, s10;
	s10 =	smax.u32 s0, $0x1;
	s0 =	simm.s32 $0xA  }
.LBB2_1:
0x12: {  	[spmem:s11], [sflag:s6] =	dma.local [hbm:s5], $0x1400  }
0x13: {  	_ =	swait.ge [sflag:s12], $0x1400  }
0x14: {  	[sflag:s12] =	ssyncset.done $0x0  }
0x15: {  	[sflag:s12] =	ssyncadd.s32 $0xFFFFEC00  }
0x16: {  	[tilespmem:s3], [sflag:$0xB] =	stream.linear.gather [hbm4b:s7+s3], $0x2710, $0x38;
	[tilespmem:$0x15220] =	vst v63  }
0x17: {  	_ =	swait.ge [sflag:s12], $0x2710  }
0x18: {  	[sflag:s12] =	ssyncset.done $0x0  }
0x19: {  	s13 =	simm.s32 $0x2710;
	[sflag:s12] =	ssyncadd.s32 $0xFFFFD8F0  }
0x1a: {  	[tilespmem:s13], [sflag:$0xB] =	stream.linear.gather [hbm4b:s8+s3], $0x2710, $0x38;
	[tilespmem:$0x15220] =	vst v63  }
0x1b: {  	_ =	swait.ge [sflag:s12], $0x2710  }
0x1c: {  	[sflag:s12] =	ssyncset.done $0x0  }
0x1d: {  	[sflag:s12] =	ssyncadd.s32 $0xFFFFD8F0  }
0x1e: {  	[bflag:$0x0] =	sbarrier.arrive $0xFFFF  }
0x1f: {  	[tilespmem:s15], [sflag:$0x1] =	stream.indirect.gather [hbm4b:s4+s14], $0x40, s3, s14, $0xb8;
	[tilespmem:$0x15220] =	vst v63  }
0x20: {  	_ = 	snop  }
0x21: {  	[tilespmem:s16], [sflag:$0x2] =	stream.indirect.gather [hbm4b:s4+s14], $0x40, s14, s14, $0xb8;
	[tilespmem:$0x15220] =	vst v63  }
0x22: {  	s21 =	simm.s32 $0xA0  }
0x23: {  	[tilespmem:s18], [sflag:$0x3] =	stream.indirect.gather [hbm4b:s4+s14], $0x40, s21, s14, $0xb8;
	[tilespmem:$0x15220] =	vst v63  }
0x24: {  	s19 =	simm.s32 $0xF0  }
0x25: {  	[tilespmem:s20], [sflag:$0x4] =	stream.indirect.gather [hbm4b:s4+s14], $0x40, s19, s14, $0xb8;
	[tilespmem:$0x15220] =	vst v63  }
0x26: {  	s21 =	simm.s32 $0x140  }
0x27: {  	[tilespmem:s22], [sflag:$0x5] =	stream.indirect.gather [hbm4b:s4+s14], $0x40, s21, s14, $0xb8;
	[tilespmem:$0x15220] =	vst v63  }
0x28: {  	_ =	swait.ge [sflag:s23], $0x1400  }
0x29: {  	[sflag:s23] =	ssyncset.done $0x0  }
0x2a: {  	s19 =	simm.s32 $0x2710;
	[sflag:s23] =	ssyncadd.s32 $0xFFFFEC00  }
0x2b: {  	[spmem:s2] =	stream.indirect.scatter.add.f32 [tilespmem:s15], [sflag:$0x6], $0x40, s19, s14, $0xb8;
	[tilespmem:$0x15220] =	vst v63  }
0x2c: {  	_ =	swait.ge [sflag:s24], $0x1400  }
0x2d: {  	[sflag:s24] =	ssyncset.done $0x0  }
0x2e: {  	s13 =	simm.s32 $0x2760;
	[sflag:s24] =	ssyncadd.s32 $0xFFFFEC00  }
0x2f: {  	[spmem:s2] =	stream.indirect.scatter.add.f32 [tilespmem:s16], [sflag:$0x7], $0x40, s13, s14, $0xb8;
	[tilespmem:$0x15220] =	vst v63  }
0x30: {  	_ =	swait.ge [sflag:s25], $0x1400  }
0x31: {  	[sflag:s25] =	ssyncset.done $0x0  }
0x32: {  	s21 =	simm.s32 $0x27B0;
	[sflag:s25] =	ssyncadd.s32 $0xFFFFEC00  }
0x33: {  	[spmem:s2] =	stream.indirect.scatter.add.f32 [tilespmem:s18], [sflag:$0x8], $0x40, s21, s14, $0xb8;
	[tilespmem:$0x15220] =	vst v63  }
0x34: {  	_ =	swait.ge [sflag:s26], $0x1400  }
0x35: {  	[sflag:s26] =	ssyncset.done $0x0  }
0x36: {  	s13 =	simm.s32 $0x2800;
	[sflag:s26] =	ssyncadd.s32 $0xFFFFEC00  }
0x37: {  	[spmem:s2] =	stream.indirect.scatter.add.f32 [tilespmem:s20], [sflag:$0x9], $0x40, s13, s14, $0xb8;
	[tilespmem:$0x15220] =	vst v63  }
0x38: {  	_ =	swait.ge [sflag:s28], $0x1400  }
0x39: {  	[sflag:s28] =	ssyncset.done $0x0  }
0x3a: {  	s21 =	simm.s32 $0x2850;
	[sflag:s28] =	ssyncadd.s32 $0xFFFFEC00  }
0x3b: {  	[spmem:s2] =	stream.indirect.scatter.add.f32 [tilespmem:s22], [sflag:$0xA], $0x40, s21, s14, $0xb8;
	[tilespmem:$0x15220] =	vst v63  }
0x3c: {  	_ =	swait.ge [sflag:s29], $0x1400  }
0x3d: {  	[sflag:s29] =	ssyncset.done $0x0  }
0x3e: {  	s13 =	simm.s32 $0x190;
	[sflag:s29] =	ssyncadd.s32 $0xFFFFEC00  }
0x3f: {  	[tilespmem:s15], [sflag:$0x1] =	stream.indirect.gather [hbm4b:s4+s14], $0x40, s13, s14, $0xb8;
	[tilespmem:$0x15220] =	vst v63  }
0x40: {  	_ =	swait.ge [sflag:s30], $0x1400  }
0x41: {  	[sflag:s30] =	ssyncset.done $0x0  }
0x42: {  	s21 =	simm.s32 $0x1E0;
	[sflag:s30] =	ssyncadd.s32 $0xFFFFEC00  }
0x43: {  	[tilespmem:s16], [sflag:$0x2] =	stream.indirect.gather [hbm4b:s4+s14], $0x40, s21, s14, $0xb8;
	[tilespmem:$0x15220] =	vst v63  }
0x44: {  	_ =	swait.ge [sflag:s31], $0x1400  }
0x45: {  	[sflag:s31] =	ssyncset.done $0x0  }
0x46: {  	s13 =	simm.s32 $0x230;
	[sflag:s31] =	ssyncadd.s32 $0xFFFFEC00  }
0x47: {  	[tilespmem:s18], [sflag:$0x3] =	stream.indirect.gather [hbm4b:s4+s14], $0x40, s13, s14, $0xb8;
	[tilespmem:$0x15220] =	vst v63  }
0x48: {  	_ =	swait.ge [sflag:s1], $0x1400  }
0x49: {  	[sflag:s1] =	ssyncset.done $0x0  }
0x4a: {  	s21 =	simm.s32 $0x280;
	[sflag:s1] =	ssyncadd.s32 $0xFFFFEC00  }
0x4b: {  	[tilespmem:s20], [sflag:$0x4] =	stream.indirect.gather [hbm4b:s4+s14], $0x40, s21, s14, $0xb8;
	[tilespmem:$0x15220] =	vst v63  }
0x4c: {  	_ =	swait.ge [sflag:s0], $0x1400  }
0x4d: {  	[sflag:s0] =	ssyncset.done $0x0  }
0x4e: {  	s19 =	simm.s32 $0x640;
	s21 =	simm.s32 $0x2D0;
	[sflag:s0] =	ssyncadd.s32 $0xFFFFEC00  }
.LBB2_2:
0x4f: {  	[tilespmem:s22], [sflag:$0x5] =	stream.indirect.gather [hbm4b:s4+s14], $0x40, s21, s14, $0xb8;
	[tilespmem:$0x15220] =	vst v63  }
0x50: {  	s21 =	smov.u32 s19  }
0x51: {  	p0 =	sne.s32 s19, $0x8FC0;
	s19 =	sadd.s32 $0x640, s19;
	_ =	swait.ge [sflag:s23], $0x1400  }
0x52: {  	s21 =	sshra.s32 s21, $0x2;
	[sflag:s23] =	ssyncset.done $0x0  }
0x53: {  	s13 =	sadd.s32 $0x2710, s21;
	[sflag:s23] =	ssyncadd.s32 $0xFFFFEC00  }
0x54: {  	[spmem:s2] =	stream.indirect.scatter.add.f32 [tilespmem:s15], [sflag:$0x6], $0x40, s13, s14, $0xb8;
	[tilespmem:$0x15220] =	vst v63  }
0x55: {  	_ =	swait.ge [sflag:s24], $0x1400  }
0x56: {  	[sflag:s24] =	ssyncset.done $0x0  }
0x57: {  	s13 =	sadd.s32 $0x2760, s21;
	[sflag:s24] =	ssyncadd.s32 $0xFFFFEC00  }
0x58: {  	[spmem:s2] =	stream.indirect.scatter.add.f32 [tilespmem:s16], [sflag:$0x7], $0x40, s13, s14, $0xb8;
	[tilespmem:$0x15220] =	vst v63  }
0x59: {  	_ =	swait.ge [sflag:s25], $0x1400  }
0x5a: {  	[sflag:s25] =	ssyncset.done $0x0  }
0x5b: {  	s13 =	sadd.s32 $0x27B0, s21;
	[sflag:s25] =	ssyncadd.s32 $0xFFFFEC00  }
0x5c: {  	[spmem:s2] =	stream.indirect.scatter.add.f32 [tilespmem:s18], [sflag:$0x8], $0x40, s13, s14, $0xb8;
	[tilespmem:$0x15220] =	vst v63  }
0x5d: {  	_ =	swait.ge [sflag:s26], $0x1400  }
0x5e: {  	[sflag:s26] =	ssyncset.done $0x0  }
0x5f: {  	s13 =	sadd.s32 $0x2800, s21;
	[sflag:s26] =	ssyncadd.s32 $0xFFFFEC00  }
0x60: {  	[spmem:s2] =	stream.indirect.scatter.add.f32 [tilespmem:s20], [sflag:$0x9], $0x40, s13, s14, $0xb8;
	[tilespmem:$0x15220] =	vst v63  }
0x61: {  	_ =	swait.ge [sflag:s28], $0x1400  }
0x62: {  	[sflag:s28] =	ssyncset.done $0x0  }
0x63: {  	s13 =	sadd.s32 $0x2850, s21;
	[sflag:s28] =	ssyncadd.s32 $0xFFFFEC00  }
0x64: {  	[spmem:s2] =	stream.indirect.scatter.add.f32 [tilespmem:s22], [sflag:$0xA], $0x40, s13, s14, $0xb8;
	[tilespmem:$0x15220] =	vst v63  }
0x65: {  	_ =	swait.ge [sflag:s29], $0x1400  }
0x66: {  	[sflag:s29] =	ssyncset.done $0x0  }
0x67: {  	s13 =	sadd.s32 $0x190, s21;
	[sflag:s29] =	ssyncadd.s32 $0xFFFFEC00  }
0x68: {  	[tilespmem:s15], [sflag:$0x1] =	stream.indirect.gather [hbm4b:s4+s14], $0x40, s13, s14, $0xb8;
	[tilespmem:$0x15220] =	vst v63  }
0x69: {  	_ =	swait.ge [sflag:s30], $0x1400  }
0x6a: {  	[sflag:s30] =	ssyncset.done $0x0  }
0x6b: {  	s13 =	sadd.s32 $0x1E0, s21;
	[sflag:s30] =	ssyncadd.s32 $0xFFFFEC00  }
0x6c: {  	[tilespmem:s16], [sflag:$0x2] =	stream.indirect.gather [hbm4b:s4+s14], $0x40, s13, s14, $0xb8;
	[tilespmem:$0x15220] =	vst v63  }
0x6d: {  	_ =	swait.ge [sflag:s31], $0x1400  }
0x6e: {  	[sflag:s31] =	ssyncset.done $0x0  }
0x6f: {  	s13 =	sadd.s32 $0x230, s21;
	[sflag:s31] =	ssyncadd.s32 $0xFFFFEC00  }
0x70: {  	[tilespmem:s18], [sflag:$0x3] =	stream.indirect.gather [hbm4b:s4+s14], $0x40, s13, s14, $0xb8;
	[tilespmem:$0x15220] =	vst v63  }
0x71: {  	_ =	swait.ge [sflag:s1], $0x1400  }
0x72: {  	[sflag:s1] =	ssyncset.done $0x0  }
.Ltmp0:
0x73: {  	s13 =	sadd.s32 $0x280, s21;
	[sflag:s1] =	ssyncadd.s32 $0xFFFFEC00;
	(pc) =	sbr.rel @p0 .LBB2_2-.Ltmp0, $4  }
0x74: {  	[tilespmem:s20], [sflag:$0x4] =	stream.indirect.gather [hbm4b:s4+s14], $0x40, s13, s14, $0xb8;
	[tilespmem:$0x15220] =	vst v63  }
0x75: {  	_ =	swait.ge [sflag:s0], $0x1400  }
0x76: {  	[sflag:s0] =	ssyncset.done $0x0  }
0x77: {  	s21 =	sadd.s32 $0x2D0, s21;
	[sflag:s0] =	ssyncadd.s32 $0xFFFFEC00  }
0x78: {  	[tilespmem:s22], [sflag:$0x5] =	stream.indirect.gather [hbm4b:s4+s14], $0x40, s21, s14, $0xb8;
	[tilespmem:$0x15220] =	vst v63  }
0x79: {  	_ =	swait.ge [sflag:s23], $0x1400  }
0x7a: {  	[sflag:s23] =	ssyncset.done $0x0  }
0x7b: {  	s13 =	simm.s32 $0x4C90;
	[sflag:s23] =	ssyncadd.s32 $0xFFFFEC00  }
0x7c: {  	[spmem:s2] =	stream.indirect.scatter.add.f32 [tilespmem:s15], [sflag:$0x6], $0x40, s13, s14, $0xb8;
	[tilespmem:$0x15220] =	vst v63  }
0x7d: {  	_ =	swait.ge [sflag:s24], $0x1400  }
0x7e: {  	[sflag:s24] =	ssyncset.done $0x0  }
0x7f: {  	s19 =	simm.s32 $0x4CE0;
	[sflag:s24] =	ssyncadd.s32 $0xFFFFEC00  }
0x80: {  	[spmem:s2] =	stream.indirect.scatter.add.f32 [tilespmem:s16], [sflag:$0x7], $0x40, s19, s14, $0xb8;
	[tilespmem:$0x15220] =	vst v63  }
0x81: {  	_ =	swait.ge [sflag:s25], $0x1400  }
0x82: {  	[sflag:s25] =	ssyncset.done $0x0  }
0x83: {  	s21 =	simm.s32 $0x4D30;
	[sflag:s25] =	ssyncadd.s32 $0xFFFFEC00  }
0x84: {  	[spmem:s2] =	stream.indirect.scatter.add.f32 [tilespmem:s18], [sflag:$0x8], $0x40, s21, s14, $0xb8;
	[tilespmem:$0x15220] =	vst v63  }
0x85: {  	_ =	swait.ge [sflag:s26], $0x1400  }
0x86: {  	[sflag:s26] =	ssyncset.done $0x0  }
0x87: {  	s19 =	simm.s32 $0x4D80;
	[sflag:s26] =	ssyncadd.s32 $0xFFFFEC00  }
0x88: {  	[spmem:s2] =	stream.indirect.scatter.add.f32 [tilespmem:s20], [sflag:$0x9], $0x40, s19, s14, $0xb8;
	[tilespmem:$0x15220] =	vst v63  }
0x89: {  	_ =	swait.ge [sflag:s28], $0x1400  }
0x8a: {  	[sflag:s28] =	ssyncset.done $0x0  }
0x8b: {  	s21 =	simm.s32 $0x4DD0;
	[sflag:s28] =	ssyncadd.s32 $0xFFFFEC00  }
0x8c: {  	[spmem:s2] =	stream.indirect.scatter.add.f32 [tilespmem:s22], [sflag:$0xA], $0x40, s21, s14, $0xb8;
	[tilespmem:$0x15220] =	vst v63  }
0x8d: {  	_ =	swait.ge [sflag:s29], $0x1400  }
0x8e: {  	[sflag:s29] =	ssyncset.done $0x0  }
0x8f: {  	[sflag:s29] =	ssyncadd.s32 $0xFFFFEC00  }
0x90: {  	_ =	swait.ge [sflag:s30], $0x1400  }
0x91: {  	[sflag:s30] =	ssyncset.done $0x0  }
0x92: {  	[sflag:s30] =	ssyncadd.s32 $0xFFFFEC00  }
0x93: {  	_ =	swait.ge [sflag:s31], $0x1400  }
0x94: {  	[sflag:s31] =	ssyncset.done $0x0  }
0x95: {  	[sflag:s31] =	ssyncadd.s32 $0xFFFFEC00  }
0x96: {  	_ =	swait.ge [sflag:s1], $0x1400  }
0x97: {  	[sflag:s1] =	ssyncset.done $0x0  }
0x98: {  	[sflag:s1] =	ssyncadd.s32 $0xFFFFEC00  }
0x99: {  	_ =	swait.ge [sflag:s0], $0x1400  }
0x9a: {  	s17 =	sadd.s32 $0x1, s17;
	[sflag:s0] =	ssyncset.done $0x0  }
0x9b: {  	p0 =	sne.s32 s17, s10;
	[sflag:s0] =	ssyncadd.s32 $0xFFFFEC00  }
.Ltmp1:
0x9c: {  	[bflag:$0x0] =	sbarrier.arrive $0xFFFF;
	(pc) =	sbr.rel @p0 .LBB2_1-.Ltmp1, $4  }
0x9d: {  	[hbm:s9], [sflag:s6] =	dma.local [spmem:s11], $0x1400  }
0x9e: {  	_ =	swait.ge [sflag:s12], $0x1400  }
0x9f: {  	[sflag:s12] =	ssyncset.done $0x0  }
0xa0: {  	[sflag:s12] =	ssyncadd.s32 $0xFFFFEC00  }
0xa1: {  	_ =	sfence.sel $0x180000  }
0xa2: {  	[bflag:$0x0] =	sbarrier.arrive $0xFFFF  }
0xa3: {  	_ =	strace $0x90000050  }
0xa4: {  	s0 =	stileid.u32;
	[bflag:$0x2] =	sbarrier.arrive $0xFFFF  }
0xa5: {  	p0 =	sne.s32 s0, $0x0;
	s0 =	rddreg [dreg:$0x2]  }
0xa6: {  	s0 =	sadd.s32 @!p0 $0x100000, s0  }
0xa7: {  	[sflag:s0] =	ssyncadd.tile.s32 @!p0 $0x1;
	_ =	shalt  }
.Lfunc_end2:
_tile_overlayer_lowered:
.L_overlay_start_2:
0xa8: {  	(tag) =	ssettag $0x2  }
0xa9: {  	s0 =	rddreg [dreg:$0x0];
	s2 =	stileid.u32  }
0xaa: {  	s1 =	rddreg [dreg:$0x1];
	p0 =	sne.s32 s2, $0x0  }
0xab: {  	s3 =	rddreg [dreg:$0x2];
	[bflag:$0x3] =	sbarrier.arrive $0xFFFF;
	s2 =	simm.s32 @!p0 $0x1C0B  }
0xac: {  	[timem:s3], [sflag:s2] =	dma.local @!p0 [hbm:s0], s1  }
0xad: {  	s0 =	simm.s32 @!p0 $0xB  }
0xae: {  	_ =	swait.ge @!p0 [sflag:s0], s1  }
0xaf: {  	s1 =	ssub.s32 @!p0 $0x0, s1;
	[sflag:s0] =	ssyncset.done @!p0 $0x0  }
0xb0: {  	[sflag:s0] =	ssyncadd.s32 @!p0 s1  }
0xb1: {  	[bflag:$0x3] =	sbarrier.arrive $0xFFFF  }
0xb2: {  	_ =	shalt  }

</sc_bundles>
